<compile_context>
chip_gen: v7x
topology: tpu7x:2x2x1
jax: 0.10.2.dev20260603
libtpu: 0.0.44.dev20260713+nightly
codegen_flags: <defaults>
</compile_context>

<pallas_src>
import functools

import jax
import jax.numpy as jnp
from jax import lax
from jax.experimental import pallas as pl
from jax.experimental.pallas import tpu as pltpu
from jax.experimental.pallas import tpu_sc as plsc

N = 10000
E = 160000
D = 300
G = 256

NP = 10240
DP = 304
NC = 2
NS = 16
H = 160
CH = 80
ECH = 125
NCHE = 80
DCH = 125
NDCH = 40
RW = NP // (NC * NS)
NB = NP // 256

_mesh = plsc.VectorSubcoreMesh(core_axis_name="c", subcore_axis_name="s")
_sc_params = pltpu.CompilerParams(use_tc_tiling_on_sc=False)


@functools.partial(
    pl.kernel,
    out_type=(
        jax.ShapeDtypeStruct((NP, DP), jnp.float32),
        jax.ShapeDtypeStruct((NP, DP), jnp.float32),
        jax.ShapeDtypeStruct((NC, NP, 16), jnp.float32),
    ),
    mesh=_mesh,
    compiler_params=_sc_params,
    scratch_types=[
        pltpu.VMEM((CH,), jnp.int32),
        pltpu.VMEM((CH,), jnp.int32),
        pltpu.VMEM((DCH,), jnp.int32),
        pltpu.VMEM((CH, DP), jnp.float32),
        pltpu.VMEM((DCH, 16), jnp.float32),
        pltpu.VMEM((128, 16), jnp.float32),
        pltpu.VMEM_SHARED((NP, 16), jnp.float32),
        pltpu.SemaphoreType.DMA,
    ],
)
def _sc_embed_deg(atoms3, words3, dst4, atom_tab, word_tab,
                  va, vw, degw, widx, aidx, didx, rbuf, ones, zbuf,
                  degsh, sem):
    c = lax.axis_index("c")
    s = lax.axis_index("s")
    w = c * NS + s

    def _fill(i, _):
        zbuf[i] = jnp.zeros((16,), jnp.float32)
        return 0
    lax.fori_loop(0, 128, _fill, 0)

    def _fill1(i, _):
        ones[i] = jnp.ones((16,), jnp.float32)
        return 0
    lax.fori_loop(0, DCH, _fill1, 0)

    def _z(j, _):
        pltpu.sync_copy(zbuf, degsh.at[pl.ds(s * 640 + j * 128, 128)])
        return 0
    lax.fori_loop(0, 5, _z, 0)
    plsc.subcore_barrier()

    def _deg(ch, _):
        pltpu.sync_copy(dst4.at[c, s, ch], didx)
        pltpu.sync_copy(ones, degsh.at[didx], add=True)
        return 0
    lax.fori_loop(0, NDCH, _deg, 0)
    plsc.subcore_barrier()
    pltpu.sync_copy(degsh.at[pl.ds(s * 640, 640)],
                    degw.at[c, pl.ds(s * 640, 640)])

    def _emb(ch, _):
        base = w * RW + ch * CH
        pltpu.sync_copy(words3.at[w, ch], widx)
        pltpu.async_copy(word_tab.at[widx], rbuf, sem).wait()
        pltpu.sync_copy(rbuf, vw.at[pl.ds(base, CH)])
        pltpu.sync_copy(atoms3.at[w, ch], aidx)
        pltpu.async_copy(atom_tab.at[aidx], rbuf, sem).wait()
        pltpu.sync_copy(rbuf, va.at[pl.ds(base, CH)])
        return 0
    lax.fori_loop(0, RW // CH, _emb, 0)


@functools.partial(
    pl.kernel,
    out_type=jax.ShapeDtypeStruct((NC, NP, H), jnp.float32),
    mesh=_mesh,
    compiler_params=_sc_params,
    scratch_types=[
        pltpu.VMEM((ECH,), jnp.int32),
        pltpu.VMEM((ECH,), jnp.int32),
        pltpu.VMEM((ECH, H), jnp.float32),
        pltpu.VMEM_SHARED((NP, H), jnp.float32),
        pltpu.SemaphoreType.DMA,
    ],
)
def _sc_edge(hflat, src4, dst3, acc, sidx, didx, rbuf, accsh, sem):
    c = lax.axis_index("c")
    s = lax.axis_index("s")

    def _fill(i, _):
        rbuf[i // (H // 16), pl.ds((i % (H // 16)) * 16, 16)] = (
            jnp.zeros((16,), jnp.float32))
        return 0
    lax.fori_loop(0, ECH * H // 16, _fill, 0)

    def _z(j, _):
        pltpu.sync_copy(rbuf, accsh.at[pl.ds(s * 640 + j * ECH, ECH)])
        return 0
    lax.fori_loop(0, 640 // ECH, _z, 0)
    if 640 % ECH:
        pltpu.sync_copy(rbuf.at[pl.ds(0, 640 % ECH)],
                        accsh.at[pl.ds(s * 640 + 640 - 640 % ECH, 640 % ECH)])
    plsc.subcore_barrier()

    def _edge(ch, _):
        pltpu.sync_copy(src4.at[c, s, ch], sidx)
        cp = pltpu.async_copy(hflat.at[sidx], rbuf, sem)
        pltpu.sync_copy(dst3.at[s, ch], didx)
        cp.wait()
        pltpu.sync_copy(rbuf, accsh.at[didx], add=True)
        return 0
    lax.fori_loop(0, NCHE, _edge, 0)
    plsc.subcore_barrier()
    pltpu.sync_copy(accsh.at[pl.ds(s * 640, 640)],
                    acc.at[c, pl.ds(s * 640, 640)])


def _tc_hop0_body(va_ref, vw_ref, degw_ref, W_ref, hs_ref, hf_ref):
    dg = degw_ref[0, :, 0:1] + degw_ref[1, :, 0:1] + 1.0
    dinv = lax.rsqrt(dg)
    v = va_ref[:, 0:D] + vw_ref[:, 0:D]
    h = jnp.dot(v, W_ref[...], preferred_element_type=jnp.float32)
    hf_ref[...] = h
    hp = h * dinv
    hs_ref[...] = jnp.stack([hp[:, 0:H], hp[:, D - H:D]])


def _tc_hop_body(acc_ref, hprev_ref, degw_ref, W_ref, b_ref, hs_ref, hf_ref):
    dg = degw_ref[0, :, 0:1] + degw_ref[1, :, 0:1] + 1.0
    dinv = lax.rsqrt(dg)
    agg = jnp.concatenate([acc_ref[0], acc_ref[1][:, 2 * H - D:H]], axis=1)
    v = dinv * agg + (dinv * dinv) * hprev_ref[...] + b_ref[0:1, :]
    h = jnp.dot(v, W_ref[...], preferred_element_type=jnp.float32)
    hf_ref[...] = h
    hp = h * dinv
    hs_ref[...] = jnp.stack([hp[:, 0:H], hp[:, D - H:D]])


def _tc_pad_body(t_ref, o_ref):
    o_ref[...] = jnp.concatenate(
        [t_ref[...], jnp.zeros((t_ref.shape[0], DP - D), jnp.float32)], axis=1)


_tc_pad = pl.pallas_call(
    _tc_pad_body,
    grid=(100,),
    in_specs=[pl.BlockSpec((1000, D), lambda i: (i, 0))],
    out_specs=pl.BlockSpec((1000, DP), lambda i: (i, 0)),
    out_shape=jax.ShapeDtypeStruct((100000, DP), jnp.float32),
)


def _tc_pool_body(acc_ref, hprev_ref, degw_ref, batch_ref, b_ref, out_ref,
                  accp, cntp):
    i = pl.program_id(0)

    @pl.when(i == 0)
    def _():
        accp[...] = jnp.zeros_like(accp)
        cntp[...] = jnp.zeros_like(cntp)

    dg = degw_ref[0, :, 0:1] + degw_ref[1, :, 0:1] + 1.0
    dinv = lax.rsqrt(dg)
    agg = jnp.concatenate([acc_ref[0], acc_ref[1][:, 2 * H - D:H]], axis=1)
    v3 = dinv * agg + (dinv * dinv) * hprev_ref[...] + b_ref[0:1, :]
    oh = (batch_ref[0] ==
          lax.broadcasted_iota(jnp.int32, (G, 256), 0)).astype(jnp.float32)
    accp[...] += jnp.dot(oh, v3, preferred_element_type=jnp.float32)
    cntp[...] += jnp.dot(oh, jnp.ones((256, 128), jnp.float32),
                         preferred_element_type=jnp.float32)

    @pl.when(i == NB - 1)
    def _():
        out_ref[...] = accp[...] / jnp.clip(cntp[:, 0:1], 1.0)


_tc_hop0 = pl.pallas_call(
    _tc_hop0_body,
    grid=(NB,),
    in_specs=[
        pl.BlockSpec((256, DP), lambda i: (i, 0)),
        pl.BlockSpec((256, DP), lambda i: (i, 0)),
        pl.BlockSpec((NC, 256, 16), lambda i: (0, i, 0)),
        pl.BlockSpec((D, D), lambda i: (0, 0)),
    ],
    out_specs=[
        pl.BlockSpec((NC, 256, H), lambda i: (0, i, 0)),
        pl.BlockSpec((256, D), lambda i: (i, 0)),
    ],
    out_shape=[
        jax.ShapeDtypeStruct((NC, NP, H), jnp.float32),
        jax.ShapeDtypeStruct((NP, D), jnp.float32),
    ],
)

_tc_hop = pl.pallas_call(
    _tc_hop_body,
    grid=(NB,),
    in_specs=[
        pl.BlockSpec((NC, 256, H), lambda i: (0, i, 0)),
        pl.BlockSpec((256, D), lambda i: (i, 0)),
        pl.BlockSpec((NC, 256, 16), lambda i: (0, i, 0)),
        pl.BlockSpec((D, D), lambda i: (0, 0)),
        pl.BlockSpec((8, D), lambda i: (0, 0)),
    ],
    out_specs=[
        pl.BlockSpec((NC, 256, H), lambda i: (0, i, 0)),
        pl.BlockSpec((256, D), lambda i: (i, 0)),
    ],
    out_shape=[
        jax.ShapeDtypeStruct((NC, NP, H), jnp.float32),
        jax.ShapeDtypeStruct((NP, D), jnp.float32),
    ],
)

_tc_pool = pl.pallas_call(
    _tc_pool_body,
    grid=(NB,),
    in_specs=[
        pl.BlockSpec((NC, 256, H), lambda i: (0, i, 0)),
        pl.BlockSpec((256, D), lambda i: (i, 0)),
        pl.BlockSpec((NC, 256, 16), lambda i: (0, i, 0)),
        pl.BlockSpec((1, 1, 256), lambda i: (i, 0, 0)),
        pl.BlockSpec((8, D), lambda i: (0, 0)),
    ],
    out_specs=pl.BlockSpec((G, D), lambda i: (0, 0)),
    out_shape=jax.ShapeDtypeStruct((G, D), jnp.float32),
    scratch_shapes=[
        pltpu.VMEM((G, D), jnp.float32),
        pltpu.VMEM((G, 128), jnp.float32),
    ],
)


def kernel(x, edge_index, batch, num_hops, atom_table, word_table, W, b):
    x = x.astype(jnp.int32)
    atoms3 = jnp.reshape(
        jnp.concatenate([x[:, 0], jnp.zeros((NP - N,), jnp.int32)]),
        (NC * NS, RW // CH, CH))
    words3 = jnp.reshape(
        jnp.concatenate([x[:, 1], jnp.zeros((NP - N,), jnp.int32)]),
        (NC * NS, RW // CH, CH))
    src = edge_index[0].astype(jnp.int32)
    dst = edge_index[1].astype(jnp.int32)
    src4 = jnp.reshape(jnp.stack([src, src + NP]), (NC, NS, NCHE, ECH))
    dst3 = jnp.reshape(dst, (NS, NCHE, ECH))
    dst4 = jnp.reshape(dst, (NC, NS, NDCH, DCH))
    b2 = jnp.broadcast_to(b, (8, D))
    batch3 = jnp.reshape(
        jnp.concatenate([batch.astype(jnp.int32),
                         jnp.full((NP - N,), G, jnp.int32)]),
        (NB, 1, 256))

    atom_p = jnp.pad(atom_table.astype(jnp.float32), ((0, 0), (0, DP - D)))
    word_p = _tc_pad(word_table.astype(jnp.float32))
    va, vw, degw = _sc_embed_deg(atoms3, words3, dst4, atom_p, word_p)
    hs, hf = _tc_hop0(va, vw, degw, W)
    for _ in range(3 - 1):
        acc = _sc_edge(jnp.reshape(hs, (NC * NP, H)), src4, dst3)
        hs, hf = _tc_hop(acc, hf, degw, W, b2)
    acc = _sc_edge(jnp.reshape(hs, (NC * NP, H)), src4, dst3)
    return _tc_pool(acc, hf, degw, batch3, b2)

# --- scband reference (transcript-rebuilt; emitter-appended) ---
"""Pipeline reference for scband-model-80066780332316 (READ-ONLY COPY).

The authoritative reference and input builder live on the scoring server;
editing this copy changes nothing except your own understanding.
"""

import jax, jax.numpy as jnp
import numpy as np

N = 10000
E = 160000
D = 300
ATOM_V = 201
WORD_V = 100000
G = 256


def setup_inputs(seed: int = 0) -> dict:
    key = jax.random.key(seed)
    ks = jax.random.split(key, 8)
    x = jax.random.randint(ks[0], (N, 2), 0, 200, dtype=jnp.int64) if jax.config.jax_enable_x64 else jax.random.randint(ks[0], (N, 2), 0, 200)
    edge_index = jax.random.randint(ks[1], (2, E), 0, N)
    batch = jnp.sort(jax.random.randint(ks[2], (N,), 0, G))
    atom_table = jax.random.normal(ks[3], (ATOM_V, D), dtype=jnp.float32) * 0.02
    word_table = jax.random.normal(ks[4], (WORD_V, D), dtype=jnp.float32) * 0.02
    W = jax.random.normal(ks[5], (D, D), dtype=jnp.float32) * (1.0 / np.sqrt(D))
    b = jnp.zeros((D,), dtype=jnp.float32)
    return {"x": x, "edge_index": edge_index, "batch": batch, "num_hops": 3,
            "atom_table": atom_table, "word_table": word_table, "W": W, "b": b}


def _gcn_conv(v, edge_index, W, b, n):
    # GCNConv: x' = D^-1/2 (A + I) D^-1/2 (x W) + b, with self-loops added
    loop = jnp.arange(n)
    src = jnp.concatenate([edge_index[0], loop])
    dst = jnp.concatenate([edge_index[1], loop])
    deg = jax.ops.segment_sum(jnp.ones_like(dst, dtype=jnp.float32), dst, num_segments=n)
    dinv = jnp.where(deg > 0, deg ** -0.5, 0.0)
    norm = dinv[src] * dinv[dst]
    h = v @ W
    msg = h[src] * norm[:, None]
    agg = jax.ops.segment_sum(msg, dst, num_segments=n)
    return agg + b


def reference(x, edge_index, batch, num_hops, atom_table, word_table, W, b):
    # embed_nodes: chunk(2, dim=-1) -> atoms, words; embed and add
    atoms = x[:, 0]
    words = x[:, 1]
    v = jnp.take(atom_table, atoms, axis=0) + jnp.take(word_table, words, axis=0)
    # contextualize_nodes: num_hops rounds of GCNConv
    v = jax.lax.fori_loop(
        0, num_hops,
        lambda _, vv: _gcn_conv(vv, edge_index, W, b, vv.shape[0]),
        v,
    )
    # embed_graphs with pool='mean': global_mean_pool
    sums = jax.ops.segment_sum(v, batch, num_segments=G)
    cnts = jax.ops.segment_sum(jnp.ones((v.shape[0],), dtype=jnp.float32), batch, num_segments=G)
    return sums / jnp.clip(cnts, 1.0)[:, None]

if __name__ == "__main__":
    import jax
    _d = setup_inputs()
    print(jax.jit(kernel)(*tuple(_d.values())))

</pallas_src>

<mosaic_0001>
#map = affine_map<(d0, d1) -> (0, 0)>
#map1 = affine_map<(d0, d1) -> (0, 0, 0, 0)>
#map2 = affine_map<(d0, d1) -> (0, 0, 0)>
module attributes {stable_mosaic.version = 14 : i64} {
  func.func @_sc_edge(%arg0: i32, %arg1: i32, %arg2: memref<20480x160xf32, #tpu.memory_space<hbm>>, %arg3: memref<2x16x80x125xi32, #tpu.memory_space<hbm>>, %arg4: memref<16x80x125xi32, #tpu.memory_space<hbm>>, %arg5: memref<2x10240x160xf32, #tpu.memory_space<hbm>>, %arg6: memref<125xi32, #tpu.memory_space<vmem>>, %arg7: memref<125xi32, #tpu.memory_space<vmem>>, %arg8: memref<125x160xf32, #tpu.memory_space<vmem>>, %arg9: memref<10240x160xf32, #tpu.memory_space<vmem_shared>>, %arg10: memref<!tpu.dma_semaphore, #tpu.memory_space<semaphore_mem>>) attributes {dimension_semantics = [#tpu.dimension_semantics<core_parallel>, #tpu.dimension_semantics<subcore_parallel>], iteration_bounds = array<i64: 2, 16>, scalar_prefetch = 0 : i64, scratch_operands = 5 : i64, tpu.core_type = #tpu.core_type<sc_vector_subcore>, window_params = [{transform_indices = #map}, {transform_indices = #map1}, {transform_indices = #map2}, {transform_indices = #map2}]} {
    %scan3A = arith.constant 0 : i32
    %scan3A_0 = arith.constant 0 : i32
    %scan3A_1 = arith.constant 1250 : i32
    %scan3A_2 = arith.addi %scan3A_0, %scan3A_1 : i32
    %scan3A_3 = arith.constant 1 : i32
    %scan3A_4 = scf.for %scan3A_28 = %scan3A_0 to %scan3A_2 step %scan3A_3 iter_args(%scan3A_29 = %scan3A) -> (i32)  : i32 {
      %broadcast_in_dim3A = arith.constant 0.000000e+00 : f32
      %broadcast_in_dim3A_30 = vector.broadcast %broadcast_in_dim3A : f32 to vector<16xf32>
      %jit3A = arith.constant 10 : i32
      %div3A = arith.divsi %scan3A_28, %jit3A : i32
      %sign3A = arith.constant 0 : i32
      %sign3A_31 = arith.cmpi sgt, %scan3A_28, %sign3A : i32
      %sign3A_32 = arith.extui %sign3A_31 : i1 to i32
      %sign3A_33 = arith.constant 0 : i32
      %sign3A_34 = arith.cmpi slt, %scan3A_28, %sign3A_33 : i32
      %sign3A_35 = arith.extui %sign3A_34 : i1 to i32
      %sign3A_36 = arith.subi %sign3A_32, %sign3A_35 : i32
      %sign3A_37 = arith.constant 0 : i32
      %sign3A_38 = arith.cmpi sgt, %jit3A, %sign3A_37 : i32
      %sign3A_39 = arith.extui %sign3A_38 : i1 to i32
      %sign3A_40 = arith.constant 0 : i32
      %sign3A_41 = arith.cmpi slt, %jit3A, %sign3A_40 : i32
      %sign3A_42 = arith.extui %sign3A_41 : i1 to i32
      %sign3A_43 = arith.subi %sign3A_39, %sign3A_42 : i32
      %ne3A = arith.cmpi ne, %sign3A_36, %sign3A_43 : i32
      %rem3A = arith.remsi %scan3A_28, %jit3A : i32
      %ne3A_44 = arith.constant 0 : i32
      %ne3A_45 = arith.cmpi ne, %rem3A, %ne3A_44 : i32
      %and3A = arith.andi %ne3A, %ne3A_45 : i1
      %sub3A_46 = arith.constant 1 : i32
      %sub3A_47 = arith.subi %div3A, %sub3A_46 : i32
      %select_n3A = arith.select %and3A, %sub3A_47, %div3A : i32
      %jit3A_48 = arith.constant 10 : i32
      %eq3A = arith.constant 0 : i32
      %eq3A_49 = arith.cmpi eq, %jit3A_48, %eq3A : i32
      %jit3A_50 = arith.constant 1 : i32
      %select_n3A_51 = arith.select %eq3A_49, %jit3A_50, %jit3A_48 : i32
      %rem3A_52 = arith.remsi %scan3A_28, %select_n3A_51 : i32
      %ne3A_53 = arith.constant 0 : i32
      %ne3A_54 = arith.cmpi ne, %rem3A_52, %ne3A_53 : i32
      %lt3A = arith.constant 0 : i32
      %lt3A_55 = arith.cmpi slt, %rem3A_52, %lt3A : i32
      %lt3A_56 = arith.constant 0 : i32
      %lt3A_57 = arith.cmpi slt, %select_n3A_51, %lt3A_56 : i32
      %ne3A_58 = arith.xori %lt3A_55, %lt3A_57 : i1
      %and3A_59 = arith.andi %ne3A_58, %ne3A_54 : i1
      %add3A_60 = arith.addi %rem3A_52, %select_n3A_51 : i32
      %select_n3A_61 = arith.select %and3A_59, %add3A_60, %rem3A_52 : i32
      %mul3A_62 = arith.constant 16 : i32
      %mul3A_63 = arith.muli %select_n3A_61, %mul3A_62 : i32
      %swap3A = arith.index_cast %select_n3A : i32 to index
      %swap3A_64 = arith.index_cast %mul3A_63 : i32 to index
      %swap3A_65 = tpu.vector_load %arg8[%swap3A, %swap3A_64] {strides = array<i32>} : memref<125x160xf32, #tpu.memory_space<vmem>>, vector<1x16xf32>,
      %swap3A_66 = vector.shape_cast %swap3A_65 : vector<1x16xf32> to vector<16xf32>
      %swap3A_67 = vector.shape_cast %broadcast_in_dim3A_30 : vector<16xf32> to vector<1x16xf32>
      tpu.vector_store %arg8[%swap3A, %swap3A_64], %swap3A_67 {strides = array<i32>} : memref<125x160xf32, #tpu.memory_space<vmem>>, vector<1x16xf32>,
      %scan3A_68 = arith.constant 0 : i32
      scf.yield %scan3A_68 : i32
    }
    %scan3A_5 = arith.constant 1250 : i32
    %scan3A_6 = arith.constant 0 : i32
    %scan3A_7 = arith.constant 0 : i32
    %scan3A_8 = arith.constant 5 : i32
    %scan3A_9 = arith.addi %scan3A_7, %scan3A_8 : i32
    %scan3A_10 = arith.constant 1 : i32
    %scan3A_11 = scf.for %scan3A_28 = %scan3A_7 to %scan3A_9 step %scan3A_10 iter_args(%scan3A_29 = %scan3A_6) -> (i32)  : i32 {
      %mul3A_30 = arith.constant 640 : i32
      %mul3A_31 = arith.muli %arg1, %mul3A_30 : i32
      %mul3A_32 = arith.constant 125 : i32
      %mul3A_33 = arith.muli %scan3A_28, %mul3A_32 : i32
      %add3A_34 = arith.addi %mul3A_31, %mul3A_33 : i32
      "tpu.region"() ({
        %run_scoped3A = tpu.sem_alloc : memref<!tpu.dma_semaphore, #tpu.memory_space<semaphore_mem>>
        %dma_start3A = arith.constant 0 : i32
        %dma_start3A_36 = tpu.memref_slice %arg9[%add3A_34, %dma_start3A] : memref<10240x160xf32, #tpu.memory_space<vmem_shared>> -> memref<125x160xf32, #tpu.memory_space<vmem_shared>>
        %dma_start3A_37 = arith.constant 0 : i32
        %dma_start3A_38 = tpu.memref_slice %arg9[%add3A_34, %dma_start3A_37] : memref<10240x160xf32, #tpu.memory_space<vmem_shared>> -> memref<125x160xf32, #tpu.memory_space<vmem_shared>>
        tpu.enqueue_dma source(%arg8 : memref<125x160xf32, #tpu.memory_space<vmem>>) target(%dma_start3A_38 : memref<125x160xf32, #tpu.memory_space<vmem_shared>>) target_semaphore(%run_scoped3A : memref<!tpu.dma_semaphore, #tpu.memory_space<semaphore_mem>>)
        %dma_wait3A = arith.constant 0 : i32
        %dma_wait3A_39 = tpu.memref_slice %arg9[%add3A_34, %dma_wait3A] : memref<10240x160xf32, #tpu.memory_space<vmem_shared>> -> memref<125x160xf32, #tpu.memory_space<vmem_shared>>
        %dma_wait3A_40 = arith.constant 0 : i32
        %dma_wait3A_41 = tpu.memref_slice %arg9[%add3A_34, %dma_wait3A_40] : memref<10240x160xf32, #tpu.memory_space<vmem_shared>> -> memref<125x160xf32, #tpu.memory_space<vmem_shared>>
        tpu.wait_dma2 semaphore(%run_scoped3A : memref<!tpu.dma_semaphore, #tpu.memory_space<semaphore_mem>>) src(%arg8 : memref<125x160xf32, #tpu.memory_space<vmem>>) dst(%dma_wait3A_41 : memref<125x160xf32, #tpu.memory_space<vmem_shared>>)
        tpu.yield
      }) : () -> ()
      %scan3A_35 = arith.constant 0 : i32
      scf.yield %scan3A_35 : i32
    }
    %scan3A_12 = arith.constant 5 : i32
    %mul3A = arith.constant 640 : i32
    %mul3A_13 = arith.muli %arg1, %mul3A : i32
    %add3A = arith.constant 640 : i32
    %add3A_14 = arith.addi %mul3A_13, %add3A : i32
    %sub3A = arith.constant 15 : i32
    %sub3A_15 = arith.subi %add3A_14, %sub3A : i32
    "tpu.region"() ({
      %run_scoped3A = tpu.sem_alloc : memref<!tpu.dma_semaphore, #tpu.memory_space<semaphore_mem>>
      %dma_start3A = arith.constant 0 : i32
      %dma_start3A_28 = arith.constant 0 : i32
      %dma_start3A_29 = tpu.memref_slice %arg8[%dma_start3A, %dma_start3A_28] : memref<125x160xf32, #tpu.memory_space<vmem>> -> memref<15x160xf32, #tpu.memory_space<vmem>>
      %dma_start3A_30 = arith.constant 0 : i32
      %dma_start3A_31 = tpu.memref_slice %arg9[%sub3A_15, %dma_start3A_30] : memref<10240x160xf32, #tpu.memory_space<vmem_shared>> -> memref<15x160xf32, #tpu.memory_space<vmem_shared>>
      %dma_start3A_32 = arith.constant 0 : i32
      %dma_start3A_33 = tpu.memref_slice %arg9[%sub3A_15, %dma_start3A_32] : memref<10240x160xf32, #tpu.memory_space<vmem_shared>> -> memref<15x160xf32, #tpu.memory_space<vmem_shared>>
      %dma_start3A_34 = arith.constant 0 : i32
      %dma_start3A_35 = arith.constant 0 : i32
      %dma_start3A_36 = tpu.memref_slice %arg8[%dma_start3A_34, %dma_start3A_35] : memref<125x160xf32, #tpu.memory_space<vmem>> -> memref<15x160xf32, #tpu.memory_space<vmem>>
      tpu.enqueue_dma source(%dma_start3A_36 : memref<15x160xf32, #tpu.memory_space<vmem>>) target(%dma_start3A_33 : memref<15x160xf32, #tpu.memory_space<vmem_shared>>) target_semaphore(%run_scoped3A : memref<!tpu.dma_semaphore, #tpu.memory_space<semaphore_mem>>)
      %dma_wait3A = arith.constant 0 : i32
      %dma_wait3A_37 = arith.constant 0 : i32
      %dma_wait3A_38 = tpu.memref_slice %arg8[%dma_wait3A, %dma_wait3A_37] : memref<125x160xf32, #tpu.memory_space<vmem>> -> memref<15x160xf32, #tpu.memory_space<vmem>>
      %dma_wait3A_39 = arith.constant 0 : i32
      %dma_wait3A_40 = tpu.memref_slice %arg9[%sub3A_15, %dma_wait3A_39] : memref<10240x160xf32, #tpu.memory_space<vmem_shared>> -> memref<15x160xf32, #tpu.memory_space<vmem_shared>>
      %dma_wait3A_41 = arith.constant 0 : i32
      %dma_wait3A_42 = tpu.memref_slice %arg9[%sub3A_15, %dma_wait3A_41] : memref<10240x160xf32, #tpu.memory_space<vmem_shared>> -> memref<15x160xf32, #tpu.memory_space<vmem_shared>>
      %dma_wait3A_43 = arith.constant 0 : i32
      %dma_wait3A_44 = arith.constant 0 : i32
      %dma_wait3A_45 = tpu.memref_slice %arg8[%dma_wait3A_43, %dma_wait3A_44] : memref<125x160xf32, #tpu.memory_space<vmem>> -> memref<15x160xf32, #tpu.memory_space<vmem>>
      tpu.wait_dma2 semaphore(%run_scoped3A : memref<!tpu.dma_semaphore, #tpu.memory_space<semaphore_mem>>) src(%dma_wait3A_45 : memref<15x160xf32, #tpu.memory_space<vmem>>) dst(%dma_wait3A_42 : memref<15x160xf32, #tpu.memory_space<vmem_shared>>)
      tpu.yield
    }) : () -> ()
    %barrier3A = arith.constant 0 : index
    tpu.barrier barrier_id(%barrier3A)
    %scan3A_16 = arith.constant 0 : i32
    %scan3A_17 = arith.constant 0 : i32
    %scan3A_18 = arith.constant 80 : i32
    %scan3A_19 = arith.addi %scan3A_17, %scan3A_18 : i32
    %scan3A_20 = arith.constant 1 : i32
    %scan3A_21 = scf.for %scan3A_28 = %scan3A_17 to %scan3A_19 step %scan3A_20 iter_args(%scan3A_29 = %scan3A_16) -> (i32)  : i32 {
      "tpu.region"() ({
        %run_scoped3A = tpu.sem_alloc : memref<!tpu.dma_semaphore, #tpu.memory_space<semaphore_mem>>
        %dma_start3A_35 = arith.constant 0 : i32
        %dma_start3A_36 = tpu.memref_slice %arg3[%arg0, %arg1, %scan3A_28, %dma_start3A_35] : memref<2x16x80x125xi32, #tpu.memory_space<hbm>> -> memref<1x1x1x125xi32, #tpu.memory_space<hbm>>
        %dma_start3A_37 = tpu.memref_squeeze %dma_start3A_36 : memref<1x1x1x125xi32, #tpu.memory_space<hbm>> -> memref<125xi32, #tpu.memory_space<hbm>>
        %dma_start3A_38 = arith.constant 0 : i32
        %dma_start3A_39 = tpu.memref_slice %arg3[%arg0, %arg1, %scan3A_28, %dma_start3A_38] : memref<2x16x80x125xi32, #tpu.memory_space<hbm>> -> memref<1x1x1x125xi32, #tpu.memory_space<hbm>>
        %dma_start3A_40 = tpu.memref_squeeze %dma_start3A_39 : memref<1x1x1x125xi32, #tpu.memory_space<hbm>> -> memref<125xi32, #tpu.memory_space<hbm>>
        tpu.enqueue_dma source(%dma_start3A_40 : memref<125xi32, #tpu.memory_space<hbm>>) target(%arg6 : memref<125xi32, #tpu.memory_space<vmem>>) target_semaphore(%run_scoped3A : memref<!tpu.dma_semaphore, #tpu.memory_space<semaphore_mem>>)
        %dma_wait3A_41 = arith.constant 0 : i32
        %dma_wait3A_42 = tpu.memref_slice %arg3[%arg0, %arg1, %scan3A_28, %dma_wait3A_41] : memref<2x16x80x125xi32, #tpu.memory_space<hbm>> -> memref<1x1x1x125xi32, #tpu.memory_space<hbm>>
        %dma_wait3A_43 = tpu.memref_squeeze %dma_wait3A_42 : memref<1x1x1x125xi32, #tpu.memory_space<hbm>> -> memref<125xi32, #tpu.memory_space<hbm>>
        %dma_wait3A_44 = arith.constant 0 : i32
        %dma_wait3A_45 = tpu.memref_slice %arg3[%arg0, %arg1, %scan3A_28, %dma_wait3A_44] : memref<2x16x80x125xi32, #tpu.memory_space<hbm>> -> memref<1x1x1x125xi32, #tpu.memory_space<hbm>>
        %dma_wait3A_46 = tpu.memref_squeeze %dma_wait3A_45 : memref<1x1x1x125xi32, #tpu.memory_space<hbm>> -> memref<125xi32, #tpu.memory_space<hbm>>
        tpu.wait_dma2 semaphore(%run_scoped3A : memref<!tpu.dma_semaphore, #tpu.memory_space<semaphore_mem>>) src(%dma_wait3A_46 : memref<125xi32, #tpu.memory_space<hbm>>) dst(%arg6 : memref<125xi32, #tpu.memory_space<vmem>>)
        tpu.yield
      }) : () -> ()
      %dma_start3A = arith.constant 0 : i32
      %dma_start3A_30 = arith.constant 0 : i32
      %dma_start3A_31 = tpu.memref_slice %arg2[%dma_start3A, %dma_start3A_30] : memref<20480x160xf32, #tpu.memory_space<hbm>> -> memref<20480x160xf32, #tpu.memory_space<hbm>>
      tpu.enqueue_indirect_dma source(%dma_start3A_31 : memref<20480x160xf32, #tpu.memory_space<hbm>>) target(%arg8 : memref<125x160xf32, #tpu.memory_space<vmem>>) offsets(%arg6 : memref<125xi32, #tpu.memory_space<vmem>>) semaphore(%arg10 : memref<!tpu.dma_semaphore, #tpu.memory_space<semaphore_mem>>)
      "tpu.region"() ({
        %run_scoped3A = tpu.sem_alloc : memref<!tpu.dma_semaphore, #tpu.memory_space<semaphore_mem>>
        %dma_start3A_35 = arith.constant 0 : i32
        %dma_start3A_36 = tpu.memref_slice %arg4[%arg1, %scan3A_28, %dma_start3A_35] : memref<16x80x125xi32, #tpu.memory_space<hbm>> -> memref<1x1x125xi32, #tpu.memory_space<hbm>>
        %dma_start3A_37 = tpu.memref_squeeze %dma_start3A_36 : memref<1x1x125xi32, #tpu.memory_space<hbm>> -> memref<125xi32, #tpu.memory_space<hbm>>
        %dma_start3A_38 = arith.constant 0 : i32
        %dma_start3A_39 = tpu.memref_slice %arg4[%arg1, %scan3A_28, %dma_start3A_38] : memref<16x80x125xi32, #tpu.memory_space<hbm>> -> memref<1x1x125xi32, #tpu.memory_space<hbm>>
        %dma_start3A_40 = tpu.memref_squeeze %dma_start3A_39 : memref<1x1x125xi32, #tpu.memory_space<hbm>> -> memref<125xi32, #tpu.memory_space<hbm>>
        tpu.enqueue_dma source(%dma_start3A_40 : memref<125xi32, #tpu.memory_space<hbm>>) target(%arg7 : memref<125xi32, #tpu.memory_space<vmem>>) target_semaphore(%run_scoped3A : memref<!tpu.dma_semaphore, #tpu.memory_space<semaphore_mem>>)
        %dma_wait3A_41 = arith.constant 0 : i32
        %dma_wait3A_42 = tpu.memref_slice %arg4[%arg1, %scan3A_28, %dma_wait3A_41] : memref<16x80x125xi32, #tpu.memory_space<hbm>> -> memref<1x1x125xi32, #tpu.memory_space<hbm>>
        %dma_wait3A_43 = tpu.memref_squeeze %dma_wait3A_42 : memref<1x1x125xi32, #tpu.memory_space<hbm>> -> memref<125xi32, #tpu.memory_space<hbm>>
        %dma_wait3A_44 = arith.constant 0 : i32
        %dma_wait3A_45 = tpu.memref_slice %arg4[%arg1, %scan3A_28, %dma_wait3A_44] : memref<16x80x125xi32, #tpu.memory_space<hbm>> -> memref<1x1x125xi32, #tpu.memory_space<hbm>>
        %dma_wait3A_46 = tpu.memref_squeeze %dma_wait3A_45 : memref<1x1x125xi32, #tpu.memory_space<hbm>> -> memref<125xi32, #tpu.memory_space<hbm>>
        tpu.wait_dma2 semaphore(%run_scoped3A : memref<!tpu.dma_semaphore, #tpu.memory_space<semaphore_mem>>) src(%dma_wait3A_46 : memref<125xi32, #tpu.memory_space<hbm>>) dst(%arg7 : memref<125xi32, #tpu.memory_space<vmem>>)
        tpu.yield
      }) : () -> ()
      %dma_wait3A = arith.constant 0 : i32
      %dma_wait3A_32 = arith.constant 0 : i32
      %dma_wait3A_33 = tpu.memref_slice %arg2[%dma_wait3A, %dma_wait3A_32] : memref<20480x160xf32, #tpu.memory_space<hbm>> -> memref<20480x160xf32, #tpu.memory_space<hbm>>
      tpu.wait_indirect_dma semaphore(%arg10 : memref<!tpu.dma_semaphore, #tpu.memory_space<semaphore_mem>>) src(%dma_wait3A_33 : memref<20480x160xf32, #tpu.memory_space<hbm>>) dst(%arg8 : memref<125x160xf32, #tpu.memory_space<vmem>>)
      "tpu.region"() ({
        %run_scoped3A = tpu.sem_alloc : memref<!tpu.dma_semaphore, #tpu.memory_space<semaphore_mem>>
        %dma_start3A_35 = arith.constant 0 : i32
        %dma_start3A_36 = arith.constant 0 : i32
        %dma_start3A_37 = tpu.memref_slice %arg9[%dma_start3A_35, %dma_start3A_36] : memref<10240x160xf32, #tpu.memory_space<vmem_shared>> -> memref<10240x160xf32, #tpu.memory_space<vmem_shared>>
        tpu.enqueue_indirect_dma source(%arg8 : memref<125x160xf32, #tpu.memory_space<vmem>>) target(%dma_start3A_37 : memref<10240x160xf32, #tpu.memory_space<vmem_shared>>) offsets(%arg7 : memref<125xi32, #tpu.memory_space<vmem>>) semaphore(%run_scoped3A : memref<!tpu.dma_semaphore, #tpu.memory_space<semaphore_mem>>) {add = true}
        %dma_wait3A_38 = arith.constant 0 : i32
        %dma_wait3A_39 = arith.constant 0 : i32
        %dma_wait3A_40 = tpu.memref_slice %arg9[%dma_wait3A_38, %dma_wait3A_39] : memref<10240x160xf32, #tpu.memory_space<vmem_shared>> -> memref<10240x160xf32, #tpu.memory_space<vmem_shared>>
        tpu.wait_indirect_dma semaphore(%run_scoped3A : memref<!tpu.dma_semaphore, #tpu.memory_space<semaphore_mem>>) src(%arg8 : memref<125x160xf32, #tpu.memory_space<vmem>>) dst(%dma_wait3A_40 : memref<10240x160xf32, #tpu.memory_space<vmem_shared>>)
        tpu.yield
      }) : () -> ()
      %scan3A_34 = arith.constant 0 : i32
      scf.yield %scan3A_34 : i32
    }
    %scan3A_22 = arith.constant 80 : i32
    %barrier3A_23 = arith.constant 0 : index
    tpu.barrier barrier_id(%barrier3A_23)
    %mul3A_24 = arith.constant 640 : i32
    %mul3A_25 = arith.muli %arg1, %mul3A_24 : i32
    %mul3A_26 = arith.constant 640 : i32
    %mul3A_27 = arith.muli %arg1, %mul3A_26 : i32
    "tpu.region"() ({
      %run_scoped3A = tpu.sem_alloc : memref<!tpu.dma_semaphore, #tpu.memory_space<semaphore_mem>>
      %dma_start3A = arith.constant 0 : i32
      %dma_start3A_28 = tpu.memref_slice %arg5[%arg0, %mul3A_27, %dma_start3A] : memref<2x10240x160xf32, #tpu.memory_space<hbm>> -> memref<1x640x160xf32, #tpu.memory_space<hbm>>
      %dma_start3A_29 = tpu.memref_squeeze %dma_start3A_28 : memref<1x640x160xf32, #tpu.memory_space<hbm>> -> memref<640x160xf32, #tpu.memory_space<hbm>>
      %dma_start3A_30 = arith.constant 0 : i32
      %dma_start3A_31 = tpu.memref_slice %arg9[%mul3A_25, %dma_start3A_30] : memref<10240x160xf32, #tpu.memory_space<vmem_shared>> -> memref<640x160xf32, #tpu.memory_space<vmem_shared>>
      tpu.enqueue_dma source(%dma_start3A_31 : memref<640x160xf32, #tpu.memory_space<vmem_shared>>) target(%dma_start3A_29 : memref<640x160xf32, #tpu.memory_space<hbm>>) target_semaphore(%run_scoped3A : memref<!tpu.dma_semaphore, #tpu.memory_space<semaphore_mem>>)
      %dma_wait3A = arith.constant 0 : i32
      %dma_wait3A_32 = tpu.memref_slice %arg5[%arg0, %mul3A_27, %dma_wait3A] : memref<2x10240x160xf32, #tpu.memory_space<hbm>> -> memref<1x640x160xf32, #tpu.memory_space<hbm>>
      %dma_wait3A_33 = tpu.memref_squeeze %dma_wait3A_32 : memref<1x640x160xf32, #tpu.memory_space<hbm>> -> memref<640x160xf32, #tpu.memory_space<hbm>>
      %dma_wait3A_34 = arith.constant 0 : i32
      %dma_wait3A_35 = tpu.memref_slice %arg9[%mul3A_25, %dma_wait3A_34] : memref<10240x160xf32, #tpu.memory_space<vmem_shared>> -> memref<640x160xf32, #tpu.memory_space<vmem_shared>>
      tpu.wait_dma2 semaphore(%run_scoped3A : memref<!tpu.dma_semaphore, #tpu.memory_space<semaphore_mem>>) src(%dma_wait3A_35 : memref<640x160xf32, #tpu.memory_space<vmem_shared>>) dst(%dma_wait3A_33 : memref<640x160xf32, #tpu.memory_space<hbm>>)
      tpu.yield
    }) : () -> ()
    return
  }
}

#map = affine_map<(d0, d1) -> (0, 0, 0)>
#map1 = affine_map<(d0, d1) -> (0, 0, 0, 0)>
#map2 = affine_map<(d0, d1) -> (0, 0)>
module attributes {stable_mosaic.version = 14 : i64} {
  func.func @_sc_embed_deg(%arg0: i32, %arg1: i32, %arg2: memref<32x4x80xi32, #tpu.memory_space<hbm>>, %arg3: memref<32x4x80xi32, #tpu.memory_space<hbm>>, %arg4: memref<2x16x40x125xi32, #tpu.memory_space<hbm>>, %arg5: memref<201x304xf32, #tpu.memory_space<hbm>>, %arg6: memref<100000x304xf32, #tpu.memory_space<hbm>>, %arg7: memref<10240x304xf32, #tpu.memory_space<hbm>>, %arg8: memref<10240x304xf32, #tpu.memory_space<hbm>>, %arg9: memref<2x10240x16xf32, #tpu.memory_space<hbm>>, %arg10: memref<80xi32, #tpu.memory_space<vmem>>, %arg11: memref<80xi32, #tpu.memory_space<vmem>>, %arg12: memref<125xi32, #tpu.memory_space<vmem>>, %arg13: memref<80x304xf32, #tpu.memory_space<vmem>>, %arg14: memref<125x16xf32, #tpu.memory_space<vmem>>, %arg15: memref<128x16xf32, #tpu.memory_space<vmem>>, %arg16: memref<10240x16xf32, #tpu.memory_space<vmem_shared>>, %arg17: memref<!tpu.dma_semaphore, #tpu.memory_space<semaphore_mem>>) attributes {dimension_semantics = [#tpu.dimension_semantics<core_parallel>, #tpu.dimension_semantics<subcore_parallel>], iteration_bounds = array<i64: 2, 16>, scalar_prefetch = 0 : i64, scratch_operands = 8 : i64, tpu.core_type = #tpu.core_type<sc_vector_subcore>, window_params = [{transform_indices = #map}, {transform_indices = #map}, {transform_indices = #map1}, {transform_indices = #map2}, {transform_indices = #map2}, {transform_indices = #map2}, {transform_indices = #map2}, {transform_indices = #map}]} {
    %mul3A = arith.constant 16 : i32
    %mul3A_0 = arith.muli %arg0, %mul3A : i32
    %add3A = arith.addi %mul3A_0, %arg1 : i32
    %scan3A = arith.constant 0 : i32
    %scan3A_1 = arith.constant 0 : i32
    %scan3A_2 = arith.constant 128 : i32
    %scan3A_3 = arith.addi %scan3A_1, %scan3A_2 : i32
    %scan3A_4 = arith.constant 1 : i32
    %scan3A_5 = scf.for %scan3A_40 = %scan3A_1 to %scan3A_3 step %scan3A_4 iter_args(%scan3A_41 = %scan3A) -> (i32)  : i32 {
      %broadcast_in_dim3A = arith.constant 0.000000e+00 : f32
      %broadcast_in_dim3A_42 = vector.broadcast %broadcast_in_dim3A : f32 to vector<16xf32>
      %swap3A = arith.index_cast %scan3A_40 : i32 to index
      %swap3A_43 = arith.constant 0 : index
      %swap3A_44 = tpu.vector_load %arg15[%swap3A, %swap3A_43] {strides = array<i32>} : memref<128x16xf32, #tpu.memory_space<vmem>>, vector<1x16xf32>,
      %swap3A_45 = vector.shape_cast %swap3A_44 : vector<1x16xf32> to vector<16xf32>
      %swap3A_46 = vector.shape_cast %broadcast_in_dim3A_42 : vector<16xf32> to vector<1x16xf32>
      tpu.vector_store %arg15[%swap3A, %swap3A_43], %swap3A_46 {strides = array<i32>} : memref<128x16xf32, #tpu.memory_space<vmem>>, vector<1x16xf32>,
      %scan3A_47 = arith.constant 0 : i32
      scf.yield %scan3A_47 : i32
    }
    %scan3A_6 = arith.constant 128 : i32
    %scan3A_7 = arith.constant 0 : i32
    %scan3A_8 = arith.constant 0 : i32
    %scan3A_9 = arith.constant 125 : i32
    %scan3A_10 = arith.addi %scan3A_8, %scan3A_9 : i32
    %scan3A_11 = arith.constant 1 : i32
    %scan3A_12 = scf.for %scan3A_40 = %scan3A_8 to %scan3A_10 step %scan3A_11 iter_args(%scan3A_41 = %scan3A_7) -> (i32)  : i32 {
      %broadcast_in_dim3A = arith.constant 1.000000e+00 : f32
      %broadcast_in_dim3A_42 = vector.broadcast %broadcast_in_dim3A : f32 to vector<16xf32>
      %swap3A = arith.index_cast %scan3A_40 : i32 to index
      %swap3A_43 = arith.constant 0 : index
      %swap3A_44 = tpu.vector_load %arg14[%swap3A, %swap3A_43] {strides = array<i32>} : memref<125x16xf32, #tpu.memory_space<vmem>>, vector<1x16xf32>,
      %swap3A_45 = vector.shape_cast %swap3A_44 : vector<1x16xf32> to vector<16xf32>
      %swap3A_46 = vector.shape_cast %broadcast_in_dim3A_42 : vector<16xf32> to vector<1x16xf32>
      tpu.vector_store %arg14[%swap3A, %swap3A_43], %swap3A_46 {strides = array<i32>} : memref<125x16xf32, #tpu.memory_space<vmem>>, vector<1x16xf32>,
      %scan3A_47 = arith.constant 0 : i32
      scf.yield %scan3A_47 : i32
    }
    %scan3A_13 = arith.constant 125 : i32
    %scan3A_14 = arith.constant 0 : i32
    %scan3A_15 = arith.constant 0 : i32
    %scan3A_16 = arith.constant 5 : i32
    %scan3A_17 = arith.addi %scan3A_15, %scan3A_16 : i32
    %scan3A_18 = arith.constant 1 : i32
    %scan3A_19 = scf.for %scan3A_40 = %scan3A_15 to %scan3A_17 step %scan3A_18 iter_args(%scan3A_41 = %scan3A_14) -> (i32)  : i32 {
      %mul3A_42 = arith.constant 640 : i32
      %mul3A_43 = arith.muli %arg1, %mul3A_42 : i32
      %mul3A_44 = arith.constant 128 : i32
      %mul3A_45 = arith.muli %scan3A_40, %mul3A_44 : i32
      %add3A_46 = arith.addi %mul3A_43, %mul3A_45 : i32
      "tpu.region"() ({
        %run_scoped3A = tpu.sem_alloc : memref<!tpu.dma_semaphore, #tpu.memory_space<semaphore_mem>>
        %dma_start3A = arith.constant 0 : i32
        %dma_start3A_48 = tpu.memref_slice %arg16[%add3A_46, %dma_start3A] : memref<10240x16xf32, #tpu.memory_space<vmem_shared>> -> memref<128x16xf32, #tpu.memory_space<vmem_shared>>
        %dma_start3A_49 = arith.constant 0 : i32
        %dma_start3A_50 = tpu.memref_slice %arg16[%add3A_46, %dma_start3A_49] : memref<10240x16xf32, #tpu.memory_space<vmem_shared>> -> memref<128x16xf32, #tpu.memory_space<vmem_shared>>
        tpu.enqueue_dma source(%arg15 : memref<128x16xf32, #tpu.memory_space<vmem>>) target(%dma_start3A_50 : memref<128x16xf32, #tpu.memory_space<vmem_shared>>) target_semaphore(%run_scoped3A : memref<!tpu.dma_semaphore, #tpu.memory_space<semaphore_mem>>)
        %dma_wait3A = arith.constant 0 : i32
        %dma_wait3A_51 = tpu.memref_slice %arg16[%add3A_46, %dma_wait3A] : memref<10240x16xf32, #tpu.memory_space<vmem_shared>> -> memref<128x16xf32, #tpu.memory_space<vmem_shared>>
        %dma_wait3A_52 = arith.constant 0 : i32
        %dma_wait3A_53 = tpu.memref_slice %arg16[%add3A_46, %dma_wait3A_52] : memref<10240x16xf32, #tpu.memory_space<vmem_shared>> -> memref<128x16xf32, #tpu.memory_space<vmem_shared>>
        tpu.wait_dma2 semaphore(%run_scoped3A : memref<!tpu.dma_semaphore, #tpu.memory_space<semaphore_mem>>) src(%arg15 : memref<128x16xf32, #tpu.memory_space<vmem>>) dst(%dma_wait3A_53 : memref<128x16xf32, #tpu.memory_space<vmem_shared>>)
        tpu.yield
      }) : () -> ()
      %scan3A_47 = arith.constant 0 : i32
      scf.yield %scan3A_47 : i32
    }
    %scan3A_20 = arith.constant 5 : i32
    %barrier3A = arith.constant 0 : index
    tpu.barrier barrier_id(%barrier3A)
    %scan3A_21 = arith.constant 0 : i32
    %scan3A_22 = arith.constant 0 : i32
    %scan3A_23 = arith.constant 40 : i32
    %scan3A_24 = arith.addi %scan3A_22, %scan3A_23 : i32
    %scan3A_25 = arith.constant 1 : i32
    %scan3A_26 = scf.for %scan3A_40 = %scan3A_22 to %scan3A_24 step %scan3A_25 iter_args(%scan3A_41 = %scan3A_21) -> (i32)  : i32 {
      "tpu.region"() ({
        %run_scoped3A = tpu.sem_alloc : memref<!tpu.dma_semaphore, #tpu.memory_space<semaphore_mem>>
        %dma_start3A = arith.constant 0 : i32
        %dma_start3A_43 = tpu.memref_slice %arg4[%arg0, %arg1, %scan3A_40, %dma_start3A] : memref<2x16x40x125xi32, #tpu.memory_space<hbm>> -> memref<1x1x1x125xi32, #tpu.memory_space<hbm>>
        %dma_start3A_44 = tpu.memref_squeeze %dma_start3A_43 : memref<1x1x1x125xi32, #tpu.memory_space<hbm>> -> memref<125xi32, #tpu.memory_space<hbm>>
        %dma_start3A_45 = arith.constant 0 : i32
        %dma_start3A_46 = tpu.memref_slice %arg4[%arg0, %arg1, %scan3A_40, %dma_start3A_45] : memref<2x16x40x125xi32, #tpu.memory_space<hbm>> -> memref<1x1x1x125xi32, #tpu.memory_space<hbm>>
        %dma_start3A_47 = tpu.memref_squeeze %dma_start3A_46 : memref<1x1x1x125xi32, #tpu.memory_space<hbm>> -> memref<125xi32, #tpu.memory_space<hbm>>
        tpu.enqueue_dma source(%dma_start3A_47 : memref<125xi32, #tpu.memory_space<hbm>>) target(%arg12 : memref<125xi32, #tpu.memory_space<vmem>>) target_semaphore(%run_scoped3A : memref<!tpu.dma_semaphore, #tpu.memory_space<semaphore_mem>>)
        %dma_wait3A = arith.constant 0 : i32
        %dma_wait3A_48 = tpu.memref_slice %arg4[%arg0, %arg1, %scan3A_40, %dma_wait3A] : memref<2x16x40x125xi32, #tpu.memory_space<hbm>> -> memref<1x1x1x125xi32, #tpu.memory_space<hbm>>
        %dma_wait3A_49 = tpu.memref_squeeze %dma_wait3A_48 : memref<1x1x1x125xi32, #tpu.memory_space<hbm>> -> memref<125xi32, #tpu.memory_space<hbm>>
        %dma_wait3A_50 = arith.constant 0 : i32
        %dma_wait3A_51 = tpu.memref_slice %arg4[%arg0, %arg1, %scan3A_40, %dma_wait3A_50] : memref<2x16x40x125xi32, #tpu.memory_space<hbm>> -> memref<1x1x1x125xi32, #tpu.memory_space<hbm>>
        %dma_wait3A_52 = tpu.memref_squeeze %dma_wait3A_51 : memref<1x1x1x125xi32, #tpu.memory_space<hbm>> -> memref<125xi32, #tpu.memory_space<hbm>>
        tpu.wait_dma2 semaphore(%run_scoped3A : memref<!tpu.dma_semaphore, #tpu.memory_space<semaphore_mem>>) src(%dma_wait3A_52 : memref<125xi32, #tpu.memory_space<hbm>>) dst(%arg12 : memref<125xi32, #tpu.memory_space<vmem>>)
        tpu.yield
      }) : () -> ()
      "tpu.region"() ({
        %run_scoped3A = tpu.sem_alloc : memref<!tpu.dma_semaphore, #tpu.memory_space<semaphore_mem>>
        %dma_start3A = arith.constant 0 : i32
        %dma_start3A_43 = arith.constant 0 : i32
        %dma_start3A_44 = tpu.memref_slice %arg16[%dma_start3A, %dma_start3A_43] : memref<10240x16xf32, #tpu.memory_space<vmem_shared>> -> memref<10240x16xf32, #tpu.memory_space<vmem_shared>>
        tpu.enqueue_indirect_dma source(%arg14 : memref<125x16xf32, #tpu.memory_space<vmem>>) target(%dma_start3A_44 : memref<10240x16xf32, #tpu.memory_space<vmem_shared>>) offsets(%arg12 : memref<125xi32, #tpu.memory_space<vmem>>) semaphore(%run_scoped3A : memref<!tpu.dma_semaphore, #tpu.memory_space<semaphore_mem>>) {add = true}
        %dma_wait3A = arith.constant 0 : i32
        %dma_wait3A_45 = arith.constant 0 : i32
        %dma_wait3A_46 = tpu.memref_slice %arg16[%dma_wait3A, %dma_wait3A_45] : memref<10240x16xf32, #tpu.memory_space<vmem_shared>> -> memref<10240x16xf32, #tpu.memory_space<vmem_shared>>
        tpu.wait_indirect_dma semaphore(%run_scoped3A : memref<!tpu.dma_semaphore, #tpu.memory_space<semaphore_mem>>) src(%arg14 : memref<125x16xf32, #tpu.memory_space<vmem>>) dst(%dma_wait3A_46 : memref<10240x16xf32, #tpu.memory_space<vmem_shared>>)
        tpu.yield
      }) : () -> ()
      %scan3A_42 = arith.constant 0 : i32
      scf.yield %scan3A_42 : i32
    }
    %scan3A_27 = arith.constant 40 : i32
    %barrier3A_28 = arith.constant 0 : index
    tpu.barrier barrier_id(%barrier3A_28)
    %mul3A_29 = arith.constant 640 : i32
    %mul3A_30 = arith.muli %arg1, %mul3A_29 : i32
    %mul3A_31 = arith.constant 640 : i32
    %mul3A_32 = arith.muli %arg1, %mul3A_31 : i32
    "tpu.region"() ({
      %run_scoped3A = tpu.sem_alloc : memref<!tpu.dma_semaphore, #tpu.memory_space<semaphore_mem>>
      %dma_start3A = arith.constant 0 : i32
      %dma_start3A_40 = tpu.memref_slice %arg9[%arg0, %mul3A_32, %dma_start3A] : memref<2x10240x16xf32, #tpu.memory_space<hbm>> -> memref<1x640x16xf32, #tpu.memory_space<hbm>>
      %dma_start3A_41 = tpu.memref_squeeze %dma_start3A_40 : memref<1x640x16xf32, #tpu.memory_space<hbm>> -> memref<640x16xf32, #tpu.memory_space<hbm>>
      %dma_start3A_42 = arith.constant 0 : i32
      %dma_start3A_43 = tpu.memref_slice %arg16[%mul3A_30, %dma_start3A_42] : memref<10240x16xf32, #tpu.memory_space<vmem_shared>> -> memref<640x16xf32, #tpu.memory_space<vmem_shared>>
      tpu.enqueue_dma source(%dma_start3A_43 : memref<640x16xf32, #tpu.memory_space<vmem_shared>>) target(%dma_start3A_41 : memref<640x16xf32, #tpu.memory_space<hbm>>) target_semaphore(%run_scoped3A : memref<!tpu.dma_semaphore, #tpu.memory_space<semaphore_mem>>)
      %dma_wait3A = arith.constant 0 : i32
      %dma_wait3A_44 = tpu.memref_slice %arg9[%arg0, %mul3A_32, %dma_wait3A] : memref<2x10240x16xf32, #tpu.memory_space<hbm>> -> memref<1x640x16xf32, #tpu.memory_space<hbm>>
      %dma_wait3A_45 = tpu.memref_squeeze %dma_wait3A_44 : memref<1x640x16xf32, #tpu.memory_space<hbm>> -> memref<640x16xf32, #tpu.memory_space<hbm>>
      %dma_wait3A_46 = arith.constant 0 : i32
      %dma_wait3A_47 = tpu.memref_slice %arg16[%mul3A_30, %dma_wait3A_46] : memref<10240x16xf32, #tpu.memory_space<vmem_shared>> -> memref<640x16xf32, #tpu.memory_space<vmem_shared>>
      tpu.wait_dma2 semaphore(%run_scoped3A : memref<!tpu.dma_semaphore, #tpu.memory_space<semaphore_mem>>) src(%dma_wait3A_47 : memref<640x16xf32, #tpu.memory_space<vmem_shared>>) dst(%dma_wait3A_45 : memref<640x16xf32, #tpu.memory_space<hbm>>)
      tpu.yield
    }) : () -> ()
    %scan3A_33 = arith.constant 0 : i32
    %scan3A_34 = arith.constant 0 : i32
    %scan3A_35 = arith.constant 4 : i32
    %scan3A_36 = arith.addi %scan3A_34, %scan3A_35 : i32
    %scan3A_37 = arith.constant 1 : i32
    %scan3A_38 = scf.for %scan3A_40 = %scan3A_34 to %scan3A_36 step %scan3A_37 iter_args(%scan3A_41 = %scan3A_33) -> (i32)  : i32 {
      %mul3A_42 = arith.constant 320 : i32
      %mul3A_43 = arith.muli %add3A, %mul3A_42 : i32
      %mul3A_44 = arith.constant 80 : i32
      %mul3A_45 = arith.muli %scan3A_40, %mul3A_44 : i32
      %add3A_46 = arith.addi %mul3A_43, %mul3A_45 : i32
      "tpu.region"() ({
        %run_scoped3A = tpu.sem_alloc : memref<!tpu.dma_semaphore, #tpu.memory_space<semaphore_mem>>
        %dma_start3A_58 = arith.constant 0 : i32
        %dma_start3A_59 = tpu.memref_slice %arg3[%add3A, %scan3A_40, %dma_start3A_58] : memref<32x4x80xi32, #tpu.memory_space<hbm>> -> memref<1x1x80xi32, #tpu.memory_space<hbm>>
        %dma_start3A_60 = tpu.memref_squeeze %dma_start3A_59 : memref<1x1x80xi32, #tpu.memory_space<hbm>> -> memref<80xi32, #tpu.memory_space<hbm>>
        %dma_start3A_61 = arith.constant 0 : i32
        %dma_start3A_62 = tpu.memref_slice %arg3[%add3A, %scan3A_40, %dma_start3A_61] : memref<32x4x80xi32, #tpu.memory_space<hbm>> -> memref<1x1x80xi32, #tpu.memory_space<hbm>>
        %dma_start3A_63 = tpu.memref_squeeze %dma_start3A_62 : memref<1x1x80xi32, #tpu.memory_space<hbm>> -> memref<80xi32, #tpu.memory_space<hbm>>
        tpu.enqueue_dma source(%dma_start3A_63 : memref<80xi32, #tpu.memory_space<hbm>>) target(%arg10 : memref<80xi32, #tpu.memory_space<vmem>>) target_semaphore(%run_scoped3A : memref<!tpu.dma_semaphore, #tpu.memory_space<semaphore_mem>>)
        %dma_wait3A_64 = arith.constant 0 : i32
        %dma_wait3A_65 = tpu.memref_slice %arg3[%add3A, %scan3A_40, %dma_wait3A_64] : memref<32x4x80xi32, #tpu.memory_space<hbm>> -> memref<1x1x80xi32, #tpu.memory_space<hbm>>
        %dma_wait3A_66 = tpu.memref_squeeze %dma_wait3A_65 : memref<1x1x80xi32, #tpu.memory_space<hbm>> -> memref<80xi32, #tpu.memory_space<hbm>>
        %dma_wait3A_67 = arith.constant 0 : i32
        %dma_wait3A_68 = tpu.memref_slice %arg3[%add3A, %scan3A_40, %dma_wait3A_67] : memref<32x4x80xi32, #tpu.memory_space<hbm>> -> memref<1x1x80xi32, #tpu.memory_space<hbm>>
        %dma_wait3A_69 = tpu.memref_squeeze %dma_wait3A_68 : memref<1x1x80xi32, #tpu.memory_space<hbm>> -> memref<80xi32, #tpu.memory_space<hbm>>
        tpu.wait_dma2 semaphore(%run_scoped3A : memref<!tpu.dma_semaphore, #tpu.memory_space<semaphore_mem>>) src(%dma_wait3A_69 : memref<80xi32, #tpu.memory_space<hbm>>) dst(%arg10 : memref<80xi32, #tpu.memory_space<vmem>>)
        tpu.yield
      }) : () -> ()
      %dma_start3A = arith.constant 0 : i32
      %dma_start3A_47 = arith.constant 0 : i32
      %dma_start3A_48 = tpu.memref_slice %arg6[%dma_start3A, %dma_start3A_47] : memref<100000x304xf32, #tpu.memory_space<hbm>> -> memref<100000x304xf32, #tpu.memory_space<hbm>>
      tpu.enqueue_indirect_dma source(%dma_start3A_48 : memref<100000x304xf32, #tpu.memory_space<hbm>>) target(%arg13 : memref<80x304xf32, #tpu.memory_space<vmem>>) offsets(%arg10 : memref<80xi32, #tpu.memory_space<vmem>>) semaphore(%arg17 : memref<!tpu.dma_semaphore, #tpu.memory_space<semaphore_mem>>)
      %dma_wait3A = arith.constant 0 : i32
      %dma_wait3A_49 = arith.constant 0 : i32
      %dma_wait3A_50 = tpu.memref_slice %arg6[%dma_wait3A, %dma_wait3A_49] : memref<100000x304xf32, #tpu.memory_space<hbm>> -> memref<100000x304xf32, #tpu.memory_space<hbm>>
      tpu.wait_indirect_dma semaphore(%arg17 : memref<!tpu.dma_semaphore, #tpu.memory_space<semaphore_mem>>) src(%dma_wait3A_50 : memref<100000x304xf32, #tpu.memory_space<hbm>>) dst(%arg13 : memref<80x304xf32, #tpu.memory_space<vmem>>)
      "tpu.region"() ({
        %run_scoped3A = tpu.sem_alloc : memref<!tpu.dma_semaphore, #tpu.memory_space<semaphore_mem>>
        %dma_start3A_58 = arith.constant 0 : i32
        %dma_start3A_59 = tpu.memref_slice %arg8[%add3A_46, %dma_start3A_58] : memref<10240x304xf32, #tpu.memory_space<hbm>> -> memref<80x304xf32, #tpu.memory_space<hbm>>
        %dma_start3A_60 = arith.constant 0 : i32
        %dma_start3A_61 = tpu.memref_slice %arg8[%add3A_46, %dma_start3A_60] : memref<10240x304xf32, #tpu.memory_space<hbm>> -> memref<80x304xf32, #tpu.memory_space<hbm>>
        tpu.enqueue_dma source(%arg13 : memref<80x304xf32, #tpu.memory_space<vmem>>) target(%dma_start3A_61 : memref<80x304xf32, #tpu.memory_space<hbm>>) target_semaphore(%run_scoped3A : memref<!tpu.dma_semaphore, #tpu.memory_space<semaphore_mem>>)
        %dma_wait3A_62 = arith.constant 0 : i32
        %dma_wait3A_63 = tpu.memref_slice %arg8[%add3A_46, %dma_wait3A_62] : memref<10240x304xf32, #tpu.memory_space<hbm>> -> memref<80x304xf32, #tpu.memory_space<hbm>>
        %dma_wait3A_64 = arith.constant 0 : i32
        %dma_wait3A_65 = tpu.memref_slice %arg8[%add3A_46, %dma_wait3A_64] : memref<10240x304xf32, #tpu.memory_space<hbm>> -> memref<80x304xf32, #tpu.memory_space<hbm>>
        tpu.wait_dma2 semaphore(%run_scoped3A : memref<!tpu.dma_semaphore, #tpu.memory_space<semaphore_mem>>) src(%arg13 : memref<80x304xf32, #tpu.memory_space<vmem>>) dst(%dma_wait3A_65 : memref<80x304xf32, #tpu.memory_space<hbm>>)
        tpu.yield
      }) : () -> ()
      "tpu.region"() ({
        %run_scoped3A = tpu.sem_alloc : memref<!tpu.dma_semaphore, #tpu.memory_space<semaphore_mem>>
        %dma_start3A_58 = arith.constant 0 : i32
        %dma_start3A_59 = tpu.memref_slice %arg2[%add3A, %scan3A_40, %dma_start3A_58] : memref<32x4x80xi32, #tpu.memory_space<hbm>> -> memref<1x1x80xi32, #tpu.memory_space<hbm>>
        %dma_start3A_60 = tpu.memref_squeeze %dma_start3A_59 : memref<1x1x80xi32, #tpu.memory_space<hbm>> -> memref<80xi32, #tpu.memory_space<hbm>>
        %dma_start3A_61 = arith.constant 0 : i32
        %dma_start3A_62 = tpu.memref_slice %arg2[%add3A, %scan3A_40, %dma_start3A_61] : memref<32x4x80xi32, #tpu.memory_space<hbm>> -> memref<1x1x80xi32, #tpu.memory_space<hbm>>
        %dma_start3A_63 = tpu.memref_squeeze %dma_start3A_62 : memref<1x1x80xi32, #tpu.memory_space<hbm>> -> memref<80xi32, #tpu.memory_space<hbm>>
        tpu.enqueue_dma source(%dma_start3A_63 : memref<80xi32, #tpu.memory_space<hbm>>) target(%arg11 : memref<80xi32, #tpu.memory_space<vmem>>) target_semaphore(%run_scoped3A : memref<!tpu.dma_semaphore, #tpu.memory_space<semaphore_mem>>)
        %dma_wait3A_64 = arith.constant 0 : i32
        %dma_wait3A_65 = tpu.memref_slice %arg2[%add3A, %scan3A_40, %dma_wait3A_64] : memref<32x4x80xi32, #tpu.memory_space<hbm>> -> memref<1x1x80xi32, #tpu.memory_space<hbm>>
        %dma_wait3A_66 = tpu.memref_squeeze %dma_wait3A_65 : memref<1x1x80xi32, #tpu.memory_space<hbm>> -> memref<80xi32, #tpu.memory_space<hbm>>
        %dma_wait3A_67 = arith.constant 0 : i32
        %dma_wait3A_68 = tpu.memref_slice %arg2[%add3A, %scan3A_40, %dma_wait3A_67] : memref<32x4x80xi32, #tpu.memory_space<hbm>> -> memref<1x1x80xi32, #tpu.memory_space<hbm>>
        %dma_wait3A_69 = tpu.memref_squeeze %dma_wait3A_68 : memref<1x1x80xi32, #tpu.memory_space<hbm>> -> memref<80xi32, #tpu.memory_space<hbm>>
        tpu.wait_dma2 semaphore(%run_scoped3A : memref<!tpu.dma_semaphore, #tpu.memory_space<semaphore_mem>>) src(%dma_wait3A_69 : memref<80xi32, #tpu.memory_space<hbm>>) dst(%arg11 : memref<80xi32, #tpu.memory_space<vmem>>)
        tpu.yield
      }) : () -> ()
      %dma_start3A_51 = arith.constant 0 : i32
      %dma_start3A_52 = arith.constant 0 : i32
      %dma_start3A_53 = tpu.memref_slice %arg5[%dma_start3A_51, %dma_start3A_52] : memref<201x304xf32, #tpu.memory_space<hbm>> -> memref<201x304xf32, #tpu.memory_space<hbm>>
      tpu.enqueue_indirect_dma source(%dma_start3A_53 : memref<201x304xf32, #tpu.memory_space<hbm>>) target(%arg13 : memref<80x304xf32, #tpu.memory_space<vmem>>) offsets(%arg11 : memref<80xi32, #tpu.memory_space<vmem>>) semaphore(%arg17 : memref<!tpu.dma_semaphore, #tpu.memory_space<semaphore_mem>>)
      %dma_wait3A_54 = arith.constant 0 : i32
      %dma_wait3A_55 = arith.constant 0 : i32
      %dma_wait3A_56 = tpu.memref_slice %arg5[%dma_wait3A_54, %dma_wait3A_55] : memref<201x304xf32, #tpu.memory_space<hbm>> -> memref<201x304xf32, #tpu.memory_space<hbm>>
      tpu.wait_indirect_dma semaphore(%arg17 : memref<!tpu.dma_semaphore, #tpu.memory_space<semaphore_mem>>) src(%dma_wait3A_56 : memref<201x304xf32, #tpu.memory_space<hbm>>) dst(%arg13 : memref<80x304xf32, #tpu.memory_space<vmem>>)
      "tpu.region"() ({
        %run_scoped3A = tpu.sem_alloc : memref<!tpu.dma_semaphore, #tpu.memory_space<semaphore_mem>>
        %dma_start3A_58 = arith.constant 0 : i32
        %dma_start3A_59 = tpu.memref_slice %arg7[%add3A_46, %dma_start3A_58] : memref<10240x304xf32, #tpu.memory_space<hbm>> -> memref<80x304xf32, #tpu.memory_space<hbm>>
        %dma_start3A_60 = arith.constant 0 : i32
        %dma_start3A_61 = tpu.memref_slice %arg7[%add3A_46, %dma_start3A_60] : memref<10240x304xf32, #tpu.memory_space<hbm>> -> memref<80x304xf32, #tpu.memory_space<hbm>>
        tpu.enqueue_dma source(%arg13 : memref<80x304xf32, #tpu.memory_space<vmem>>) target(%dma_start3A_61 : memref<80x304xf32, #tpu.memory_space<hbm>>) target_semaphore(%run_scoped3A : memref<!tpu.dma_semaphore, #tpu.memory_space<semaphore_mem>>)
        %dma_wait3A_62 = arith.constant 0 : i32
        %dma_wait3A_63 = tpu.memref_slice %arg7[%add3A_46, %dma_wait3A_62] : memref<10240x304xf32, #tpu.memory_space<hbm>> -> memref<80x304xf32, #tpu.memory_space<hbm>>
        %dma_wait3A_64 = arith.constant 0 : i32
        %dma_wait3A_65 = tpu.memref_slice %arg7[%add3A_46, %dma_wait3A_64] : memref<10240x304xf32, #tpu.memory_space<hbm>> -> memref<80x304xf32, #tpu.memory_space<hbm>>
        tpu.wait_dma2 semaphore(%run_scoped3A : memref<!tpu.dma_semaphore, #tpu.memory_space<semaphore_mem>>) src(%arg13 : memref<80x304xf32, #tpu.memory_space<vmem>>) dst(%dma_wait3A_65 : memref<80x304xf32, #tpu.memory_space<hbm>>)
        tpu.yield
      }) : () -> ()
      %scan3A_57 = arith.constant 0 : i32
      scf.yield %scan3A_57 : i32
    }
    %scan3A_39 = arith.constant 4 : i32
    return
  }
}

#map = affine_map<(d0, d1) -> (0, 0)>
#map1 = affine_map<(d0, d1) -> (0, 0, 0, 0)>
#map2 = affine_map<(d0, d1) -> (0, 0, 0)>
module attributes {stable_mosaic.version = 14 : i64} {
  func.func @_sc_edge(%arg0: i32, %arg1: i32, %arg2: memref<20480x160xf32, #tpu.memory_space<hbm>>, %arg3: memref<2x16x80x125xi32, #tpu.memory_space<hbm>>, %arg4: memref<16x80x125xi32, #tpu.memory_space<hbm>>, %arg5: memref<2x10240x160xf32, #tpu.memory_space<hbm>>, %arg6: memref<125xi32, #tpu.memory_space<vmem>>, %arg7: memref<125xi32, #tpu.memory_space<vmem>>, %arg8: memref<125x160xf32, #tpu.memory_space<vmem>>, %arg9: memref<10240x160xf32, #tpu.memory_space<vmem_shared>>, %arg10: memref<!tpu.dma_semaphore, #tpu.memory_space<semaphore_mem>>) attributes {dimension_semantics = [#tpu.dimension_semantics<core_parallel>, #tpu.dimension_semantics<subcore_parallel>], iteration_bounds = array<i64: 2, 16>, scalar_prefetch = 0 : i64, scratch_operands = 5 : i64, tpu.core_type = #tpu.core_type<sc_vector_subcore>, window_params = [{transform_indices = #map}, {transform_indices = #map1}, {transform_indices = #map2}, {transform_indices = #map2}]} {
    %scan3A = arith.constant 0 : i32
    %scan3A_0 = arith.constant 0 : i32
    %scan3A_1 = arith.constant 1250 : i32
    %scan3A_2 = arith.addi %scan3A_0, %scan3A_1 : i32
    %scan3A_3 = arith.constant 1 : i32
    %scan3A_4 = scf.for %scan3A_28 = %scan3A_0 to %scan3A_2 step %scan3A_3 iter_args(%scan3A_29 = %scan3A) -> (i32)  : i32 {
      %broadcast_in_dim3A = arith.constant 0.000000e+00 : f32
      %broadcast_in_dim3A_30 = vector.broadcast %broadcast_in_dim3A : f32 to vector<16xf32>
      %jit3A = arith.constant 10 : i32
      %div3A = arith.divsi %scan3A_28, %jit3A : i32
      %sign3A = arith.constant 0 : i32
      %sign3A_31 = arith.cmpi sgt, %scan3A_28, %sign3A : i32
      %sign3A_32 = arith.extui %sign3A_31 : i1 to i32
      %sign3A_33 = arith.constant 0 : i32
      %sign3A_34 = arith.cmpi slt, %scan3A_28, %sign3A_33 : i32
      %sign3A_35 = arith.extui %sign3A_34 : i1 to i32
      %sign3A_36 = arith.subi %sign3A_32, %sign3A_35 : i32
      %sign3A_37 = arith.constant 0 : i32
      %sign3A_38 = arith.cmpi sgt, %jit3A, %sign3A_37 : i32
      %sign3A_39 = arith.extui %sign3A_38 : i1 to i32
      %sign3A_40 = arith.constant 0 : i32
      %sign3A_41 = arith.cmpi slt, %jit3A, %sign3A_40 : i32
      %sign3A_42 = arith.extui %sign3A_41 : i1 to i32
      %sign3A_43 = arith.subi %sign3A_39, %sign3A_42 : i32
      %ne3A = arith.cmpi ne, %sign3A_36, %sign3A_43 : i32
      %rem3A = arith.remsi %scan3A_28, %jit3A : i32
      %ne3A_44 = arith.constant 0 : i32
      %ne3A_45 = arith.cmpi ne, %rem3A, %ne3A_44 : i32
      %and3A = arith.andi %ne3A, %ne3A_45 : i1
      %sub3A_46 = arith.constant 1 : i32
      %sub3A_47 = arith.subi %div3A, %sub3A_46 : i32
      %select_n3A = arith.select %and3A, %sub3A_47, %div3A : i32
      %jit3A_48 = arith.constant 10 : i32
      %eq3A = arith.constant 0 : i32
      %eq3A_49 = arith.cmpi eq, %jit3A_48, %eq3A : i32
      %jit3A_50 = arith.constant 1 : i32
      %select_n3A_51 = arith.select %eq3A_49, %jit3A_50, %jit3A_48 : i32
      %rem3A_52 = arith.remsi %scan3A_28, %select_n3A_51 : i32
      %ne3A_53 = arith.constant 0 : i32
      %ne3A_54 = arith.cmpi ne, %rem3A_52, %ne3A_53 : i32
      %lt3A = arith.constant 0 : i32
      %lt3A_55 = arith.cmpi slt, %rem3A_52, %lt3A : i32
      %lt3A_56 = arith.constant 0 : i32
      %lt3A_57 = arith.cmpi slt, %select_n3A_51, %lt3A_56 : i32
      %ne3A_58 = arith.xori %lt3A_55, %lt3A_57 : i1
      %and3A_59 = arith.andi %ne3A_58, %ne3A_54 : i1
      %add3A_60 = arith.addi %rem3A_52, %select_n3A_51 : i32
      %select_n3A_61 = arith.select %and3A_59, %add3A_60, %rem3A_52 : i32
      %mul3A_62 = arith.constant 16 : i32
      %mul3A_63 = arith.muli %select_n3A_61, %mul3A_62 : i32
      %swap3A = arith.index_cast %select_n3A : i32 to index
      %swap3A_64 = arith.index_cast %mul3A_63 : i32 to index
      %swap3A_65 = tpu.vector_load %arg8[%swap3A, %swap3A_64] {strides = array<i32>} : memref<125x160xf32, #tpu.memory_space<vmem>>, vector<1x16xf32>,
      %swap3A_66 = vector.shape_cast %swap3A_65 : vector<1x16xf32> to vector<16xf32>
      %swap3A_67 = vector.shape_cast %broadcast_in_dim3A_30 : vector<16xf32> to vector<1x16xf32>
      tpu.vector_store %arg8[%swap3A, %swap3A_64], %swap3A_67 {strides = array<i32>} : memref<125x160xf32, #tpu.memory_space<vmem>>, vector<1x16xf32>,
      %scan3A_68 = arith.constant 0 : i32
      scf.yield %scan3A_68 : i32
    }
    %scan3A_5 = arith.constant 1250 : i32
    %scan3A_6 = arith.constant 0 : i32
    %scan3A_7 = arith.constant 0 : i32
    %scan3A_8 = arith.constant 5 : i32
    %scan3A_9 = arith.addi %scan3A_7, %scan3A_8 : i32
    %scan3A_10 = arith.constant 1 : i32
    %scan3A_11 = scf.for %scan3A_28 = %scan3A_7 to %scan3A_9 step %scan3A_10 iter_args(%scan3A_29 = %scan3A_6) -> (i32)  : i32 {
      %mul3A_30 = arith.constant 640 : i32
      %mul3A_31 = arith.muli %arg1, %mul3A_30 : i32
      %mul3A_32 = arith.constant 125 : i32
      %mul3A_33 = arith.muli %scan3A_28, %mul3A_32 : i32
      %add3A_34 = arith.addi %mul3A_31, %mul3A_33 : i32
      "tpu.region"() ({
        %run_scoped3A = tpu.sem_alloc : memref<!tpu.dma_semaphore, #tpu.memory_space<semaphore_mem>>
        %dma_start3A = arith.constant 0 : i32
        %dma_start3A_36 = tpu.memref_slice %arg9[%add3A_34, %dma_start3A] : memref<10240x160xf32, #tpu.memory_space<vmem_shared>> -> memref<125x160xf32, #tpu.memory_space<vmem_shared>>
        %dma_start3A_37 = arith.constant 0 : i32
        %dma_start3A_38 = tpu.memref_slice %arg9[%add3A_34, %dma_start3A_37] : memref<10240x160xf32, #tpu.memory_space<vmem_shared>> -> memref<125x160xf32, #tpu.memory_space<vmem_shared>>
        tpu.enqueue_dma source(%arg8 : memref<125x160xf32, #tpu.memory_space<vmem>>) target(%dma_start3A_38 : memref<125x160xf32, #tpu.memory_space<vmem_shared>>) target_semaphore(%run_scoped3A : memref<!tpu.dma_semaphore, #tpu.memory_space<semaphore_mem>>)
        %dma_wait3A = arith.constant 0 : i32
        %dma_wait3A_39 = tpu.memref_slice %arg9[%add3A_34, %dma_wait3A] : memref<10240x160xf32, #tpu.memory_space<vmem_shared>> -> memref<125x160xf32, #tpu.memory_space<vmem_shared>>
        %dma_wait3A_40 = arith.constant 0 : i32
        %dma_wait3A_41 = tpu.memref_slice %arg9[%add3A_34, %dma_wait3A_40] : memref<10240x160xf32, #tpu.memory_space<vmem_shared>> -> memref<125x160xf32, #tpu.memory_space<vmem_shared>>
        tpu.wait_dma2 semaphore(%run_scoped3A : memref<!tpu.dma_semaphore, #tpu.memory_space<semaphore_mem>>) src(%arg8 : memref<125x160xf32, #tpu.memory_space<vmem>>) dst(%dma_wait3A_41 : memref<125x160xf32, #tpu.memory_space<vmem_shared>>)
        tpu.yield
      }) : () -> ()
      %scan3A_35 = arith.constant 0 : i32
      scf.yield %scan3A_35 : i32
    }
    %scan3A_12 = arith.constant 5 : i32
    %mul3A = arith.constant 640 : i32
    %mul3A_13 = arith.muli %arg1, %mul3A : i32
    %add3A = arith.constant 640 : i32
    %add3A_14 = arith.addi %mul3A_13, %add3A : i32
    %sub3A = arith.constant 15 : i32
    %sub3A_15 = arith.subi %add3A_14, %sub3A : i32
    "tpu.region"() ({
      %run_scoped3A = tpu.sem_alloc : memref<!tpu.dma_semaphore, #tpu.memory_space<semaphore_mem>>
      %dma_start3A = arith.constant 0 : i32
      %dma_start3A_28 = arith.constant 0 : i32
      %dma_start3A_29 = tpu.memref_slice %arg8[%dma_start3A, %dma_start3A_28] : memref<125x160xf32, #tpu.memory_space<vmem>> -> memref<15x160xf32, #tpu.memory_space<vmem>>
      %dma_start3A_30 = arith.constant 0 : i32
      %dma_start3A_31 = tpu.memref_slice %arg9[%sub3A_15, %dma_start3A_30] : memref<10240x160xf32, #tpu.memory_space<vmem_shared>> -> memref<15x160xf32, #tpu.memory_space<vmem_shared>>
      %dma_start3A_32 = arith.constant 0 : i32
      %dma_start3A_33 = tpu.memref_slice %arg9[%sub3A_15, %dma_start3A_32] : memref<10240x160xf32, #tpu.memory_space<vmem_shared>> -> memref<15x160xf32, #tpu.memory_space<vmem_shared>>
      %dma_start3A_34 = arith.constant 0 : i32
      %dma_start3A_35 = arith.constant 0 : i32
      %dma_start3A_36 = tpu.memref_slice %arg8[%dma_start3A_34, %dma_start3A_35] : memref<125x160xf32, #tpu.memory_space<vmem>> -> memref<15x160xf32, #tpu.memory_space<vmem>>
      tpu.enqueue_dma source(%dma_start3A_36 : memref<15x160xf32, #tpu.memory_space<vmem>>) target(%dma_start3A_33 : memref<15x160xf32, #tpu.memory_space<vmem_shared>>) target_semaphore(%run_scoped3A : memref<!tpu.dma_semaphore, #tpu.memory_space<semaphore_mem>>)
      %dma_wait3A = arith.constant 0 : i32
      %dma_wait3A_37 = arith.constant 0 : i32
      %dma_wait3A_38 = tpu.memref_slice %arg8[%dma_wait3A, %dma_wait3A_37] : memref<125x160xf32, #tpu.memory_space<vmem>> -> memref<15x160xf32, #tpu.memory_space<vmem>>
      %dma_wait3A_39 = arith.constant 0 : i32
      %dma_wait3A_40 = tpu.memref_slice %arg9[%sub3A_15, %dma_wait3A_39] : memref<10240x160xf32, #tpu.memory_space<vmem_shared>> -> memref<15x160xf32, #tpu.memory_space<vmem_shared>>
      %dma_wait3A_41 = arith.constant 0 : i32
      %dma_wait3A_42 = tpu.memref_slice %arg9[%sub3A_15, %dma_wait3A_41] : memref<10240x160xf32, #tpu.memory_space<vmem_shared>> -> memref<15x160xf32, #tpu.memory_space<vmem_shared>>
      %dma_wait3A_43 = arith.constant 0 : i32
      %dma_wait3A_44 = arith.constant 0 : i32
      %dma_wait3A_45 = tpu.memref_slice %arg8[%dma_wait3A_43, %dma_wait3A_44] : memref<125x160xf32, #tpu.memory_space<vmem>> -> memref<15x160xf32, #tpu.memory_space<vmem>>
      tpu.wait_dma2 semaphore(%run_scoped3A : memref<!tpu.dma_semaphore, #tpu.memory_space<semaphore_mem>>) src(%dma_wait3A_45 : memref<15x160xf32, #tpu.memory_space<vmem>>) dst(%dma_wait3A_42 : memref<15x160xf32, #tpu.memory_space<vmem_shared>>)
      tpu.yield
    }) : () -> ()
    %barrier3A = arith.constant 0 : index
    tpu.barrier barrier_id(%barrier3A)
    %scan3A_16 = arith.constant 0 : i32
    %scan3A_17 = arith.constant 0 : i32
    %scan3A_18 = arith.constant 80 : i32
    %scan3A_19 = arith.addi %scan3A_17, %scan3A_18 : i32
    %scan3A_20 = arith.constant 1 : i32
    %scan3A_21 = scf.for %scan3A_28 = %scan3A_17 to %scan3A_19 step %scan3A_20 iter_args(%scan3A_29 = %scan3A_16) -> (i32)  : i32 {
      "tpu.region"() ({
        %run_scoped3A = tpu.sem_alloc : memref<!tpu.dma_semaphore, #tpu.memory_space<semaphore_mem>>
        %dma_start3A_35 = arith.constant 0 : i32
        %dma_start3A_36 = tpu.memref_slice %arg3[%arg0, %arg1, %scan3A_28, %dma_start3A_35] : memref<2x16x80x125xi32, #tpu.memory_space<hbm>> -> memref<1x1x1x125xi32, #tpu.memory_space<hbm>>
        %dma_start3A_37 = tpu.memref_squeeze %dma_start3A_36 : memref<1x1x1x125xi32, #tpu.memory_space<hbm>> -> memref<125xi32, #tpu.memory_space<hbm>>
        %dma_start3A_38 = arith.constant 0 : i32
        %dma_start3A_39 = tpu.memref_slice %arg3[%arg0, %arg1, %scan3A_28, %dma_start3A_38] : memref<2x16x80x125xi32, #tpu.memory_space<hbm>> -> memref<1x1x1x125xi32, #tpu.memory_space<hbm>>
        %dma_start3A_40 = tpu.memref_squeeze %dma_start3A_39 : memref<1x1x1x125xi32, #tpu.memory_space<hbm>> -> memref<125xi32, #tpu.memory_space<hbm>>
        tpu.enqueue_dma source(%dma_start3A_40 : memref<125xi32, #tpu.memory_space<hbm>>) target(%arg6 : memref<125xi32, #tpu.memory_space<vmem>>) target_semaphore(%run_scoped3A : memref<!tpu.dma_semaphore, #tpu.memory_space<semaphore_mem>>)
        %dma_wait3A_41 = arith.constant 0 : i32
        %dma_wait3A_42 = tpu.memref_slice %arg3[%arg0, %arg1, %scan3A_28, %dma_wait3A_41] : memref<2x16x80x125xi32, #tpu.memory_space<hbm>> -> memref<1x1x1x125xi32, #tpu.memory_space<hbm>>
        %dma_wait3A_43 = tpu.memref_squeeze %dma_wait3A_42 : memref<1x1x1x125xi32, #tpu.memory_space<hbm>> -> memref<125xi32, #tpu.memory_space<hbm>>
        %dma_wait3A_44 = arith.constant 0 : i32
        %dma_wait3A_45 = tpu.memref_slice %arg3[%arg0, %arg1, %scan3A_28, %dma_wait3A_44] : memref<2x16x80x125xi32, #tpu.memory_space<hbm>> -> memref<1x1x1x125xi32, #tpu.memory_space<hbm>>
        %dma_wait3A_46 = tpu.memref_squeeze %dma_wait3A_45 : memref<1x1x1x125xi32, #tpu.memory_space<hbm>> -> memref<125xi32, #tpu.memory_space<hbm>>
        tpu.wait_dma2 semaphore(%run_scoped3A : memref<!tpu.dma_semaphore, #tpu.memory_space<semaphore_mem>>) src(%dma_wait3A_46 : memref<125xi32, #tpu.memory_space<hbm>>) dst(%arg6 : memref<125xi32, #tpu.memory_space<vmem>>)
        tpu.yield
      }) : () -> ()
      %dma_start3A = arith.constant 0 : i32
      %dma_start3A_30 = arith.constant 0 : i32
      %dma_start3A_31 = tpu.memref_slice %arg2[%dma_start3A, %dma_start3A_30] : memref<20480x160xf32, #tpu.memory_space<hbm>> -> memref<20480x160xf32, #tpu.memory_space<hbm>>
      tpu.enqueue_indirect_dma source(%dma_start3A_31 : memref<20480x160xf32, #tpu.memory_space<hbm>>) target(%arg8 : memref<125x160xf32, #tpu.memory_space<vmem>>) offsets(%arg6 : memref<125xi32, #tpu.memory_space<vmem>>) semaphore(%arg10 : memref<!tpu.dma_semaphore, #tpu.memory_space<semaphore_mem>>)
      "tpu.region"() ({
        %run_scoped3A = tpu.sem_alloc : memref<!tpu.dma_semaphore, #tpu.memory_space<semaphore_mem>>
        %dma_start3A_35 = arith.constant 0 : i32
        %dma_start3A_36 = tpu.memref_slice %arg4[%arg1, %scan3A_28, %dma_start3A_35] : memref<16x80x125xi32, #tpu.memory_space<hbm>> -> memref<1x1x125xi32, #tpu.memory_space<hbm>>
        %dma_start3A_37 = tpu.memref_squeeze %dma_start3A_36 : memref<1x1x125xi32, #tpu.memory_space<hbm>> -> memref<125xi32, #tpu.memory_space<hbm>>
        %dma_start3A_38 = arith.constant 0 : i32
        %dma_start3A_39 = tpu.memref_slice %arg4[%arg1, %scan3A_28, %dma_start3A_38] : memref<16x80x125xi32, #tpu.memory_space<hbm>> -> memref<1x1x125xi32, #tpu.memory_space<hbm>>
        %dma_start3A_40 = tpu.memref_squeeze %dma_start3A_39 : memref<1x1x125xi32, #tpu.memory_space<hbm>> -> memref<125xi32, #tpu.memory_space<hbm>>
        tpu.enqueue_dma source(%dma_start3A_40 : memref<125xi32, #tpu.memory_space<hbm>>) target(%arg7 : memref<125xi32, #tpu.memory_space<vmem>>) target_semaphore(%run_scoped3A : memref<!tpu.dma_semaphore, #tpu.memory_space<semaphore_mem>>)
        %dma_wait3A_41 = arith.constant 0 : i32
        %dma_wait3A_42 = tpu.memref_slice %arg4[%arg1, %scan3A_28, %dma_wait3A_41] : memref<16x80x125xi32, #tpu.memory_space<hbm>> -> memref<1x1x125xi32, #tpu.memory_space<hbm>>
        %dma_wait3A_43 = tpu.memref_squeeze %dma_wait3A_42 : memref<1x1x125xi32, #tpu.memory_space<hbm>> -> memref<125xi32, #tpu.memory_space<hbm>>
        %dma_wait3A_44 = arith.constant 0 : i32
        %dma_wait3A_45 = tpu.memref_slice %arg4[%arg1, %scan3A_28, %dma_wait3A_44] : memref<16x80x125xi32, #tpu.memory_space<hbm>> -> memref<1x1x125xi32, #tpu.memory_space<hbm>>
        %dma_wait3A_46 = tpu.memref_squeeze %dma_wait3A_45 : memref<1x1x125xi32, #tpu.memory_space<hbm>> -> memref<125xi32, #tpu.memory_space<hbm>>
        tpu.wait_dma2 semaphore(%run_scoped3A : memref<!tpu.dma_semaphore, #tpu.memory_space<semaphore_mem>>) src(%dma_wait3A_46 : memref<125xi32, #tpu.memory_space<hbm>>) dst(%arg7 : memref<125xi32, #tpu.memory_space<vmem>>)
        tpu.yield
      }) : () -> ()
      %dma_wait3A = arith.constant 0 : i32
      %dma_wait3A_32 = arith.constant 0 : i32
      %dma_wait3A_33 = tpu.memref_slice %arg2[%dma_wait3A, %dma_wait3A_32] : memref<20480x160xf32, #tpu.memory_space<hbm>> -> memref<20480x160xf32, #tpu.memory_space<hbm>>
      tpu.wait_indirect_dma semaphore(%arg10 : memref<!tpu.dma_semaphore, #tpu.memory_space<semaphore_mem>>) src(%dma_wait3A_33 : memref<20480x160xf32, #tpu.memory_space<hbm>>) dst(%arg8 : memref<125x160xf32, #tpu.memory_space<vmem>>)
      "tpu.region"() ({
        %run_scoped3A = tpu.sem_alloc : memref<!tpu.dma_semaphore, #tpu.memory_space<semaphore_mem>>
        %dma_start3A_35 = arith.constant 0 : i32
        %dma_start3A_36 = arith.constant 0 : i32
        %dma_start3A_37 = tpu.memref_slice %arg9[%dma_start3A_35, %dma_start3A_36] : memref<10240x160xf32, #tpu.memory_space<vmem_shared>> -> memref<10240x160xf32, #tpu.memory_space<vmem_shared>>
        tpu.enqueue_indirect_dma source(%arg8 : memref<125x160xf32, #tpu.memory_space<vmem>>) target(%dma_start3A_37 : memref<10240x160xf32, #tpu.memory_space<vmem_shared>>) offsets(%arg7 : memref<125xi32, #tpu.memory_space<vmem>>) semaphore(%run_scoped3A : memref<!tpu.dma_semaphore, #tpu.memory_space<semaphore_mem>>) {add = true}
        %dma_wait3A_38 = arith.constant 0 : i32
        %dma_wait3A_39 = arith.constant 0 : i32
        %dma_wait3A_40 = tpu.memref_slice %arg9[%dma_wait3A_38, %dma_wait3A_39] : memref<10240x160xf32, #tpu.memory_space<vmem_shared>> -> memref<10240x160xf32, #tpu.memory_space<vmem_shared>>
        tpu.wait_indirect_dma semaphore(%run_scoped3A : memref<!tpu.dma_semaphore, #tpu.memory_space<semaphore_mem>>) src(%arg8 : memref<125x160xf32, #tpu.memory_space<vmem>>) dst(%dma_wait3A_40 : memref<10240x160xf32, #tpu.memory_space<vmem_shared>>)
        tpu.yield
      }) : () -> ()
      %scan3A_34 = arith.constant 0 : i32
      scf.yield %scan3A_34 : i32
    }
    %scan3A_22 = arith.constant 80 : i32
    %barrier3A_23 = arith.constant 0 : index
    tpu.barrier barrier_id(%barrier3A_23)
    %mul3A_24 = arith.constant 640 : i32
    %mul3A_25 = arith.muli %arg1, %mul3A_24 : i32
    %mul3A_26 = arith.constant 640 : i32
    %mul3A_27 = arith.muli %arg1, %mul3A_26 : i32
    "tpu.region"() ({
      %run_scoped3A = tpu.sem_alloc : memref<!tpu.dma_semaphore, #tpu.memory_space<semaphore_mem>>
      %dma_start3A = arith.constant 0 : i32
      %dma_start3A_28 = tpu.memref_slice %arg5[%arg0, %mul3A_27, %dma_start3A] : memref<2x10240x160xf32, #tpu.memory_space<hbm>> -> memref<1x640x160xf32, #tpu.memory_space<hbm>>
      %dma_start3A_29 = tpu.memref_squeeze %dma_start3A_28 : memref<1x640x160xf32, #tpu.memory_space<hbm>> -> memref<640x160xf32, #tpu.memory_space<hbm>>
      %dma_start3A_30 = arith.constant 0 : i32
      %dma_start3A_31 = tpu.memref_slice %arg9[%mul3A_25, %dma_start3A_30] : memref<10240x160xf32, #tpu.memory_space<vmem_shared>> -> memref<640x160xf32, #tpu.memory_space<vmem_shared>>
      tpu.enqueue_dma source(%dma_start3A_31 : memref<640x160xf32, #tpu.memory_space<vmem_shared>>) target(%dma_start3A_29 : memref<640x160xf32, #tpu.memory_space<hbm>>) target_semaphore(%run_scoped3A : memref<!tpu.dma_semaphore, #tpu.memory_space<semaphore_mem>>)
      %dma_wait3A = arith.constant 0 : i32
      %dma_wait3A_32 = tpu.memref_slice %arg5[%arg0, %mul3A_27, %dma_wait3A] : memref<2x10240x160xf32, #tpu.memory_space<hbm>> -> memref<1x640x160xf32, #tpu.memory_space<hbm>>
      %dma_wait3A_33 = tpu.memref_squeeze %dma_wait3A_32 : memref<1x640x160xf32, #tpu.memory_space<hbm>> -> memref<640x160xf32, #tpu.memory_space<hbm>>
      %dma_wait3A_34 = arith.constant 0 : i32
      %dma_wait3A_35 = tpu.memref_slice %arg9[%mul3A_25, %dma_wait3A_34] : memref<10240x160xf32, #tpu.memory_space<vmem_shared>> -> memref<640x160xf32, #tpu.memory_space<vmem_shared>>
      tpu.wait_dma2 semaphore(%run_scoped3A : memref<!tpu.dma_semaphore, #tpu.memory_space<semaphore_mem>>) src(%dma_wait3A_35 : memref<640x160xf32, #tpu.memory_space<vmem_shared>>) dst(%dma_wait3A_33 : memref<640x160xf32, #tpu.memory_space<hbm>>)
      tpu.yield
    }) : () -> ()
    return
  }
}

#map = affine_map<(d0, d1) -> (0, 0)>
#map1 = affine_map<(d0, d1) -> (0, 0, 0, 0)>
#map2 = affine_map<(d0, d1) -> (0, 0, 0)>
module attributes {stable_mosaic.version = 14 : i64} {
  func.func @_sc_edge(%arg0: i32, %arg1: i32, %arg2: memref<20480x160xf32, #tpu.memory_space<hbm>>, %arg3: memref<2x16x80x125xi32, #tpu.memory_space<hbm>>, %arg4: memref<16x80x125xi32, #tpu.memory_space<hbm>>, %arg5: memref<2x10240x160xf32, #tpu.memory_space<hbm>>, %arg6: memref<125xi32, #tpu.memory_space<vmem>>, %arg7: memref<125xi32, #tpu.memory_space<vmem>>, %arg8: memref<125x160xf32, #tpu.memory_space<vmem>>, %arg9: memref<10240x160xf32, #tpu.memory_space<vmem_shared>>, %arg10: memref<!tpu.dma_semaphore, #tpu.memory_space<semaphore_mem>>) attributes {dimension_semantics = [#tpu.dimension_semantics<core_parallel>, #tpu.dimension_semantics<subcore_parallel>], iteration_bounds = array<i64: 2, 16>, scalar_prefetch = 0 : i64, scratch_operands = 5 : i64, tpu.core_type = #tpu.core_type<sc_vector_subcore>, window_params = [{transform_indices = #map}, {transform_indices = #map1}, {transform_indices = #map2}, {transform_indices = #map2}]} {
    %scan3A = arith.constant 0 : i32
    %scan3A_0 = arith.constant 0 : i32
    %scan3A_1 = arith.constant 1250 : i32
    %scan3A_2 = arith.addi %scan3A_0, %scan3A_1 : i32
    %scan3A_3 = arith.constant 1 : i32
    %scan3A_4 = scf.for %scan3A_28 = %scan3A_0 to %scan3A_2 step %scan3A_3 iter_args(%scan3A_29 = %scan3A) -> (i32)  : i32 {
      %broadcast_in_dim3A = arith.constant 0.000000e+00 : f32
      %broadcast_in_dim3A_30 = vector.broadcast %broadcast_in_dim3A : f32 to vector<16xf32>
      %jit3A = arith.constant 10 : i32
      %div3A = arith.divsi %scan3A_28, %jit3A : i32
      %sign3A = arith.constant 0 : i32
      %sign3A_31 = arith.cmpi sgt, %scan3A_28, %sign3A : i32
      %sign3A_32 = arith.extui %sign3A_31 : i1 to i32
      %sign3A_33 = arith.constant 0 : i32
      %sign3A_34 = arith.cmpi slt, %scan3A_28, %sign3A_33 : i32
      %sign3A_35 = arith.extui %sign3A_34 : i1 to i32
      %sign3A_36 = arith.subi %sign3A_32, %sign3A_35 : i32
      %sign3A_37 = arith.constant 0 : i32
      %sign3A_38 = arith.cmpi sgt, %jit3A, %sign3A_37 : i32
      %sign3A_39 = arith.extui %sign3A_38 : i1 to i32
      %sign3A_40 = arith.constant 0 : i32
      %sign3A_41 = arith.cmpi slt, %jit3A, %sign3A_40 : i32
      %sign3A_42 = arith.extui %sign3A_41 : i1 to i32
      %sign3A_43 = arith.subi %sign3A_39, %sign3A_42 : i32
      %ne3A = arith.cmpi ne, %sign3A_36, %sign3A_43 : i32
      %rem3A = arith.remsi %scan3A_28, %jit3A : i32
      %ne3A_44 = arith.constant 0 : i32
      %ne3A_45 = arith.cmpi ne, %rem3A, %ne3A_44 : i32
      %and3A = arith.andi %ne3A, %ne3A_45 : i1
      %sub3A_46 = arith.constant 1 : i32
      %sub3A_47 = arith.subi %div3A, %sub3A_46 : i32
      %select_n3A = arith.select %and3A, %sub3A_47, %div3A : i32
      %jit3A_48 = arith.constant 10 : i32
      %eq3A = arith.constant 0 : i32
      %eq3A_49 = arith.cmpi eq, %jit3A_48, %eq3A : i32
      %jit3A_50 = arith.constant 1 : i32
      %select_n3A_51 = arith.select %eq3A_49, %jit3A_50, %jit3A_48 : i32
      %rem3A_52 = arith.remsi %scan3A_28, %select_n3A_51 : i32
      %ne3A_53 = arith.constant 0 : i32
      %ne3A_54 = arith.cmpi ne, %rem3A_52, %ne3A_53 : i32
      %lt3A = arith.constant 0 : i32
      %lt3A_55 = arith.cmpi slt, %rem3A_52, %lt3A : i32
      %lt3A_56 = arith.constant 0 : i32
      %lt3A_57 = arith.cmpi slt, %select_n3A_51, %lt3A_56 : i32
      %ne3A_58 = arith.xori %lt3A_55, %lt3A_57 : i1
      %and3A_59 = arith.andi %ne3A_58, %ne3A_54 : i1
      %add3A_60 = arith.addi %rem3A_52, %select_n3A_51 : i32
      %select_n3A_61 = arith.select %and3A_59, %add3A_60, %rem3A_52 : i32
      %mul3A_62 = arith.constant 16 : i32
      %mul3A_63 = arith.muli %select_n3A_61, %mul3A_62 : i32
      %swap3A = arith.index_cast %select_n3A : i32 to index
      %swap3A_64 = arith.index_cast %mul3A_63 : i32 to index
      %swap3A_65 = tpu.vector_load %arg8[%swap3A, %swap3A_64] {strides = array<i32>} : memref<125x160xf32, #tpu.memory_space<vmem>>, vector<1x16xf32>,
      %swap3A_66 = vector.shape_cast %swap3A_65 : vector<1x16xf32> to vector<16xf32>
      %swap3A_67 = vector.shape_cast %broadcast_in_dim3A_30 : vector<16xf32> to vector<1x16xf32>
      tpu.vector_store %arg8[%swap3A, %swap3A_64], %swap3A_67 {strides = array<i32>} : memref<125x160xf32, #tpu.memory_space<vmem>>, vector<1x16xf32>,
      %scan3A_68 = arith.constant 0 : i32
      scf.yield %scan3A_68 : i32
    }
    %scan3A_5 = arith.constant 1250 : i32
    %scan3A_6 = arith.constant 0 : i32
    %scan3A_7 = arith.constant 0 : i32
    %scan3A_8 = arith.constant 5 : i32
    %scan3A_9 = arith.addi %scan3A_7, %scan3A_8 : i32
    %scan3A_10 = arith.constant 1 : i32
    %scan3A_11 = scf.for %scan3A_28 = %scan3A_7 to %scan3A_9 step %scan3A_10 iter_args(%scan3A_29 = %scan3A_6) -> (i32)  : i32 {
      %mul3A_30 = arith.constant 640 : i32
      %mul3A_31 = arith.muli %arg1, %mul3A_30 : i32
      %mul3A_32 = arith.constant 125 : i32
      %mul3A_33 = arith.muli %scan3A_28, %mul3A_32 : i32
      %add3A_34 = arith.addi %mul3A_31, %mul3A_33 : i32
      "tpu.region"() ({
        %run_scoped3A = tpu.sem_alloc : memref<!tpu.dma_semaphore, #tpu.memory_space<semaphore_mem>>
        %dma_start3A = arith.constant 0 : i32
        %dma_start3A_36 = tpu.memref_slice %arg9[%add3A_34, %dma_start3A] : memref<10240x160xf32, #tpu.memory_space<vmem_shared>> -> memref<125x160xf32, #tpu.memory_space<vmem_shared>>
        %dma_start3A_37 = arith.constant 0 : i32
        %dma_start3A_38 = tpu.memref_slice %arg9[%add3A_34, %dma_start3A_37] : memref<10240x160xf32, #tpu.memory_space<vmem_shared>> -> memref<125x160xf32, #tpu.memory_space<vmem_shared>>
        tpu.enqueue_dma source(%arg8 : memref<125x160xf32, #tpu.memory_space<vmem>>) target(%dma_start3A_38 : memref<125x160xf32, #tpu.memory_space<vmem_shared>>) target_semaphore(%run_scoped3A : memref<!tpu.dma_semaphore, #tpu.memory_space<semaphore_mem>>)
        %dma_wait3A = arith.constant 0 : i32
        %dma_wait3A_39 = tpu.memref_slice %arg9[%add3A_34, %dma_wait3A] : memref<10240x160xf32, #tpu.memory_space<vmem_shared>> -> memref<125x160xf32, #tpu.memory_space<vmem_shared>>
        %dma_wait3A_40 = arith.constant 0 : i32
        %dma_wait3A_41 = tpu.memref_slice %arg9[%add3A_34, %dma_wait3A_40] : memref<10240x160xf32, #tpu.memory_space<vmem_shared>> -> memref<125x160xf32, #tpu.memory_space<vmem_shared>>
        tpu.wait_dma2 semaphore(%run_scoped3A : memref<!tpu.dma_semaphore, #tpu.memory_space<semaphore_mem>>) src(%arg8 : memref<125x160xf32, #tpu.memory_space<vmem>>) dst(%dma_wait3A_41 : memref<125x160xf32, #tpu.memory_space<vmem_shared>>)
        tpu.yield
      }) : () -> ()
      %scan3A_35 = arith.constant 0 : i32
      scf.yield %scan3A_35 : i32
    }
    %scan3A_12 = arith.constant 5 : i32
    %mul3A = arith.constant 640 : i32
    %mul3A_13 = arith.muli %arg1, %mul3A : i32
    %add3A = arith.constant 640 : i32
    %add3A_14 = arith.addi %mul3A_13, %add3A : i32
    %sub3A = arith.constant 15 : i32
    %sub3A_15 = arith.subi %add3A_14, %sub3A : i32
    "tpu.region"() ({
      %run_scoped3A = tpu.sem_alloc : memref<!tpu.dma_semaphore, #tpu.memory_space<semaphore_mem>>
      %dma_start3A = arith.constant 0 : i32
      %dma_start3A_28 = arith.constant 0 : i32
      %dma_start3A_29 = tpu.memref_slice %arg8[%dma_start3A, %dma_start3A_28] : memref<125x160xf32, #tpu.memory_space<vmem>> -> memref<15x160xf32, #tpu.memory_space<vmem>>
      %dma_start3A_30 = arith.constant 0 : i32
      %dma_start3A_31 = tpu.memref_slice %arg9[%sub3A_15, %dma_start3A_30] : memref<10240x160xf32, #tpu.memory_space<vmem_shared>> -> memref<15x160xf32, #tpu.memory_space<vmem_shared>>
      %dma_start3A_32 = arith.constant 0 : i32
      %dma_start3A_33 = tpu.memref_slice %arg9[%sub3A_15, %dma_start3A_32] : memref<10240x160xf32, #tpu.memory_space<vmem_shared>> -> memref<15x160xf32, #tpu.memory_space<vmem_shared>>
      %dma_start3A_34 = arith.constant 0 : i32
      %dma_start3A_35 = arith.constant 0 : i32
      %dma_start3A_36 = tpu.memref_slice %arg8[%dma_start3A_34, %dma_start3A_35] : memref<125x160xf32, #tpu.memory_space<vmem>> -> memref<15x160xf32, #tpu.memory_space<vmem>>
      tpu.enqueue_dma source(%dma_start3A_36 : memref<15x160xf32, #tpu.memory_space<vmem>>) target(%dma_start3A_33 : memref<15x160xf32, #tpu.memory_space<vmem_shared>>) target_semaphore(%run_scoped3A : memref<!tpu.dma_semaphore, #tpu.memory_space<semaphore_mem>>)
      %dma_wait3A = arith.constant 0 : i32
      %dma_wait3A_37 = arith.constant 0 : i32
      %dma_wait3A_38 = tpu.memref_slice %arg8[%dma_wait3A, %dma_wait3A_37] : memref<125x160xf32, #tpu.memory_space<vmem>> -> memref<15x160xf32, #tpu.memory_space<vmem>>
      %dma_wait3A_39 = arith.constant 0 : i32
      %dma_wait3A_40 = tpu.memref_slice %arg9[%sub3A_15, %dma_wait3A_39] : memref<10240x160xf32, #tpu.memory_space<vmem_shared>> -> memref<15x160xf32, #tpu.memory_space<vmem_shared>>
      %dma_wait3A_41 = arith.constant 0 : i32
      %dma_wait3A_42 = tpu.memref_slice %arg9[%sub3A_15, %dma_wait3A_41] : memref<10240x160xf32, #tpu.memory_space<vmem_shared>> -> memref<15x160xf32, #tpu.memory_space<vmem_shared>>
      %dma_wait3A_43 = arith.constant 0 : i32
      %dma_wait3A_44 = arith.constant 0 : i32
      %dma_wait3A_45 = tpu.memref_slice %arg8[%dma_wait3A_43, %dma_wait3A_44] : memref<125x160xf32, #tpu.memory_space<vmem>> -> memref<15x160xf32, #tpu.memory_space<vmem>>
      tpu.wait_dma2 semaphore(%run_scoped3A : memref<!tpu.dma_semaphore, #tpu.memory_space<semaphore_mem>>) src(%dma_wait3A_45 : memref<15x160xf32, #tpu.memory_space<vmem>>) dst(%dma_wait3A_42 : memref<15x160xf32, #tpu.memory_space<vmem_shared>>)
      tpu.yield
    }) : () -> ()
    %barrier3A = arith.constant 0 : index
    tpu.barrier barrier_id(%barrier3A)
    %scan3A_16 = arith.constant 0 : i32
    %scan3A_17 = arith.constant 0 : i32
    %scan3A_18 = arith.constant 80 : i32
    %scan3A_19 = arith.addi %scan3A_17, %scan3A_18 : i32
    %scan3A_20 = arith.constant 1 : i32
    %scan3A_21 = scf.for %scan3A_28 = %scan3A_17 to %scan3A_19 step %scan3A_20 iter_args(%scan3A_29 = %scan3A_16) -> (i32)  : i32 {
      "tpu.region"() ({
        %run_scoped3A = tpu.sem_alloc : memref<!tpu.dma_semaphore, #tpu.memory_space<semaphore_mem>>
        %dma_start3A_35 = arith.constant 0 : i32
        %dma_start3A_36 = tpu.memref_slice %arg3[%arg0, %arg1, %scan3A_28, %dma_start3A_35] : memref<2x16x80x125xi32, #tpu.memory_space<hbm>> -> memref<1x1x1x125xi32, #tpu.memory_space<hbm>>
        %dma_start3A_37 = tpu.memref_squeeze %dma_start3A_36 : memref<1x1x1x125xi32, #tpu.memory_space<hbm>> -> memref<125xi32, #tpu.memory_space<hbm>>
        %dma_start3A_38 = arith.constant 0 : i32
        %dma_start3A_39 = tpu.memref_slice %arg3[%arg0, %arg1, %scan3A_28, %dma_start3A_38] : memref<2x16x80x125xi32, #tpu.memory_space<hbm>> -> memref<1x1x1x125xi32, #tpu.memory_space<hbm>>
        %dma_start3A_40 = tpu.memref_squeeze %dma_start3A_39 : memref<1x1x1x125xi32, #tpu.memory_space<hbm>> -> memref<125xi32, #tpu.memory_space<hbm>>
        tpu.enqueue_dma source(%dma_start3A_40 : memref<125xi32, #tpu.memory_space<hbm>>) target(%arg6 : memref<125xi32, #tpu.memory_space<vmem>>) target_semaphore(%run_scoped3A : memref<!tpu.dma_semaphore, #tpu.memory_space<semaphore_mem>>)
        %dma_wait3A_41 = arith.constant 0 : i32
        %dma_wait3A_42 = tpu.memref_slice %arg3[%arg0, %arg1, %scan3A_28, %dma_wait3A_41] : memref<2x16x80x125xi32, #tpu.memory_space<hbm>> -> memref<1x1x1x125xi32, #tpu.memory_space<hbm>>
        %dma_wait3A_43 = tpu.memref_squeeze %dma_wait3A_42 : memref<1x1x1x125xi32, #tpu.memory_space<hbm>> -> memref<125xi32, #tpu.memory_space<hbm>>
        %dma_wait3A_44 = arith.constant 0 : i32
        %dma_wait3A_45 = tpu.memref_slice %arg3[%arg0, %arg1, %scan3A_28, %dma_wait3A_44] : memref<2x16x80x125xi32, #tpu.memory_space<hbm>> -> memref<1x1x1x125xi32, #tpu.memory_space<hbm>>
        %dma_wait3A_46 = tpu.memref_squeeze %dma_wait3A_45 : memref<1x1x1x125xi32, #tpu.memory_space<hbm>> -> memref<125xi32, #tpu.memory_space<hbm>>
        tpu.wait_dma2 semaphore(%run_scoped3A : memref<!tpu.dma_semaphore, #tpu.memory_space<semaphore_mem>>) src(%dma_wait3A_46 : memref<125xi32, #tpu.memory_space<hbm>>) dst(%arg6 : memref<125xi32, #tpu.memory_space<vmem>>)
        tpu.yield
      }) : () -> ()
      %dma_start3A = arith.constant 0 : i32
      %dma_start3A_30 = arith.constant 0 : i32
      %dma_start3A_31 = tpu.memref_slice %arg2[%dma_start3A, %dma_start3A_30] : memref<20480x160xf32, #tpu.memory_space<hbm>> -> memref<20480x160xf32, #tpu.memory_space<hbm>>
      tpu.enqueue_indirect_dma source(%dma_start3A_31 : memref<20480x160xf32, #tpu.memory_space<hbm>>) target(%arg8 : memref<125x160xf32, #tpu.memory_space<vmem>>) offsets(%arg6 : memref<125xi32, #tpu.memory_space<vmem>>) semaphore(%arg10 : memref<!tpu.dma_semaphore, #tpu.memory_space<semaphore_mem>>)
      "tpu.region"() ({
        %run_scoped3A = tpu.sem_alloc : memref<!tpu.dma_semaphore, #tpu.memory_space<semaphore_mem>>
        %dma_start3A_35 = arith.constant 0 : i32
        %dma_start3A_36 = tpu.memref_slice %arg4[%arg1, %scan3A_28, %dma_start3A_35] : memref<16x80x125xi32, #tpu.memory_space<hbm>> -> memref<1x1x125xi32, #tpu.memory_space<hbm>>
        %dma_start3A_37 = tpu.memref_squeeze %dma_start3A_36 : memref<1x1x125xi32, #tpu.memory_space<hbm>> -> memref<125xi32, #tpu.memory_space<hbm>>
        %dma_start3A_38 = arith.constant 0 : i32
        %dma_start3A_39 = tpu.memref_slice %arg4[%arg1, %scan3A_28, %dma_start3A_38] : memref<16x80x125xi32, #tpu.memory_space<hbm>> -> memref<1x1x125xi32, #tpu.memory_space<hbm>>
        %dma_start3A_40 = tpu.memref_squeeze %dma_start3A_39 : memref<1x1x125xi32, #tpu.memory_space<hbm>> -> memref<125xi32, #tpu.memory_space<hbm>>
        tpu.enqueue_dma source(%dma_start3A_40 : memref<125xi32, #tpu.memory_space<hbm>>) target(%arg7 : memref<125xi32, #tpu.memory_space<vmem>>) target_semaphore(%run_scoped3A : memref<!tpu.dma_semaphore, #tpu.memory_space<semaphore_mem>>)
        %dma_wait3A_41 = arith.constant 0 : i32
        %dma_wait3A_42 = tpu.memref_slice %arg4[%arg1, %scan3A_28, %dma_wait3A_41] : memref<16x80x125xi32, #tpu.memory_space<hbm>> -> memref<1x1x125xi32, #tpu.memory_space<hbm>>
        %dma_wait3A_43 = tpu.memref_squeeze %dma_wait3A_42 : memref<1x1x125xi32, #tpu.memory_space<hbm>> -> memref<125xi32, #tpu.memory_space<hbm>>
        %dma_wait3A_44 = arith.constant 0 : i32
        %dma_wait3A_45 = tpu.memref_slice %arg4[%arg1, %scan3A_28, %dma_wait3A_44] : memref<16x80x125xi32, #tpu.memory_space<hbm>> -> memref<1x1x125xi32, #tpu.memory_space<hbm>>
        %dma_wait3A_46 = tpu.memref_squeeze %dma_wait3A_45 : memref<1x1x125xi32, #tpu.memory_space<hbm>> -> memref<125xi32, #tpu.memory_space<hbm>>
        tpu.wait_dma2 semaphore(%run_scoped3A : memref<!tpu.dma_semaphore, #tpu.memory_space<semaphore_mem>>) src(%dma_wait3A_46 : memref<125xi32, #tpu.memory_space<hbm>>) dst(%arg7 : memref<125xi32, #tpu.memory_space<vmem>>)
        tpu.yield
      }) : () -> ()
      %dma_wait3A = arith.constant 0 : i32
      %dma_wait3A_32 = arith.constant 0 : i32
      %dma_wait3A_33 = tpu.memref_slice %arg2[%dma_wait3A, %dma_wait3A_32] : memref<20480x160xf32, #tpu.memory_space<hbm>> -> memref<20480x160xf32, #tpu.memory_space<hbm>>
      tpu.wait_indirect_dma semaphore(%arg10 : memref<!tpu.dma_semaphore, #tpu.memory_space<semaphore_mem>>) src(%dma_wait3A_33 : memref<20480x160xf32, #tpu.memory_space<hbm>>) dst(%arg8 : memref<125x160xf32, #tpu.memory_space<vmem>>)
      "tpu.region"() ({
        %run_scoped3A = tpu.sem_alloc : memref<!tpu.dma_semaphore, #tpu.memory_space<semaphore_mem>>
        %dma_start3A_35 = arith.constant 0 : i32
        %dma_start3A_36 = arith.constant 0 : i32
        %dma_start3A_37 = tpu.memref_slice %arg9[%dma_start3A_35, %dma_start3A_36] : memref<10240x160xf32, #tpu.memory_space<vmem_shared>> -> memref<10240x160xf32, #tpu.memory_space<vmem_shared>>
        tpu.enqueue_indirect_dma source(%arg8 : memref<125x160xf32, #tpu.memory_space<vmem>>) target(%dma_start3A_37 : memref<10240x160xf32, #tpu.memory_space<vmem_shared>>) offsets(%arg7 : memref<125xi32, #tpu.memory_space<vmem>>) semaphore(%run_scoped3A : memref<!tpu.dma_semaphore, #tpu.memory_space<semaphore_mem>>) {add = true}
        %dma_wait3A_38 = arith.constant 0 : i32
        %dma_wait3A_39 = arith.constant 0 : i32
        %dma_wait3A_40 = tpu.memref_slice %arg9[%dma_wait3A_38, %dma_wait3A_39] : memref<10240x160xf32, #tpu.memory_space<vmem_shared>> -> memref<10240x160xf32, #tpu.memory_space<vmem_shared>>
        tpu.wait_indirect_dma semaphore(%run_scoped3A : memref<!tpu.dma_semaphore, #tpu.memory_space<semaphore_mem>>) src(%arg8 : memref<125x160xf32, #tpu.memory_space<vmem>>) dst(%dma_wait3A_40 : memref<10240x160xf32, #tpu.memory_space<vmem_shared>>)
        tpu.yield
      }) : () -> ()
      %scan3A_34 = arith.constant 0 : i32
      scf.yield %scan3A_34 : i32
    }
    %scan3A_22 = arith.constant 80 : i32
    %barrier3A_23 = arith.constant 0 : index
    tpu.barrier barrier_id(%barrier3A_23)
    %mul3A_24 = arith.constant 640 : i32
    %mul3A_25 = arith.muli %arg1, %mul3A_24 : i32
    %mul3A_26 = arith.constant 640 : i32
    %mul3A_27 = arith.muli %arg1, %mul3A_26 : i32
    "tpu.region"() ({
      %run_scoped3A = tpu.sem_alloc : memref<!tpu.dma_semaphore, #tpu.memory_space<semaphore_mem>>
      %dma_start3A = arith.constant 0 : i32
      %dma_start3A_28 = tpu.memref_slice %arg5[%arg0, %mul3A_27, %dma_start3A] : memref<2x10240x160xf32, #tpu.memory_space<hbm>> -> memref<1x640x160xf32, #tpu.memory_space<hbm>>
      %dma_start3A_29 = tpu.memref_squeeze %dma_start3A_28 : memref<1x640x160xf32, #tpu.memory_space<hbm>> -> memref<640x160xf32, #tpu.memory_space<hbm>>
      %dma_start3A_30 = arith.constant 0 : i32
      %dma_start3A_31 = tpu.memref_slice %arg9[%mul3A_25, %dma_start3A_30] : memref<10240x160xf32, #tpu.memory_space<vmem_shared>> -> memref<640x160xf32, #tpu.memory_space<vmem_shared>>
      tpu.enqueue_dma source(%dma_start3A_31 : memref<640x160xf32, #tpu.memory_space<vmem_shared>>) target(%dma_start3A_29 : memref<640x160xf32, #tpu.memory_space<hbm>>) target_semaphore(%run_scoped3A : memref<!tpu.dma_semaphore, #tpu.memory_space<semaphore_mem>>)
      %dma_wait3A = arith.constant 0 : i32
      %dma_wait3A_32 = tpu.memref_slice %arg5[%arg0, %mul3A_27, %dma_wait3A] : memref<2x10240x160xf32, #tpu.memory_space<hbm>> -> memref<1x640x160xf32, #tpu.memory_space<hbm>>
      %dma_wait3A_33 = tpu.memref_squeeze %dma_wait3A_32 : memref<1x640x160xf32, #tpu.memory_space<hbm>> -> memref<640x160xf32, #tpu.memory_space<hbm>>
      %dma_wait3A_34 = arith.constant 0 : i32
      %dma_wait3A_35 = tpu.memref_slice %arg9[%mul3A_25, %dma_wait3A_34] : memref<10240x160xf32, #tpu.memory_space<vmem_shared>> -> memref<640x160xf32, #tpu.memory_space<vmem_shared>>
      tpu.wait_dma2 semaphore(%run_scoped3A : memref<!tpu.dma_semaphore, #tpu.memory_space<semaphore_mem>>) src(%dma_wait3A_35 : memref<640x160xf32, #tpu.memory_space<vmem_shared>>) dst(%dma_wait3A_33 : memref<640x160xf32, #tpu.memory_space<hbm>>)
      tpu.yield
    }) : () -> ()
    return
  }
}

module attributes {stable_mosaic.version = 14 : i64} {
  func.func @_tc_pad_body(%arg0: i32, %arg1: memref<1000x300xf32, #tpu.memory_space<vmem>>, %arg2: memref<1000x304xf32, #tpu.memory_space<vmem>>) attributes {dimension_semantics = [#tpu.dimension_semantics<arbitrary>], iteration_bounds = array<i64: 100>, scalar_prefetch = 0 : i64, scratch_operands = 0 : i64, tpu.core_type = #tpu.core_type<tc>, window_params = [{transform_indices = @transform_0, window_bounds = array<i64: 1000, 300>}, {transform_indices = @transform_1, window_bounds = array<i64: 1000, 304>}]} {
    %get3A = arith.constant 0 : index
    %get3A_0 = arith.constant 0 : index
    %get3A_1 = vector.load %arg1[%get3A, %get3A_0] : memref<1000x300xf32, #tpu.memory_space<vmem>>, vector<1000x300xf32>
    %broadcast_in_dim3A = arith.constant 0.000000e+00 : f32
    %broadcast_in_dim3A_2 = vector.broadcast %broadcast_in_dim3A : f32 to vector<1000x4xf32>
    %concatenate3A = tpu.concatenate %get3A_1, %broadcast_in_dim3A_2 in 1 : vector<1000x300xf32>, vector<1000x4xf32> -> vector<1000x304xf32>
    %swap3A = arith.constant 0 : index
    %swap3A_3 = arith.constant 0 : index
    %swap3A_4 = vector.load %arg2[%swap3A, %swap3A_3] : memref<1000x304xf32, #tpu.memory_space<vmem>>, vector<1000x304xf32>
    tpu.vector_store %arg2[%swap3A, %swap3A_3], %concatenate3A {strides = array<i32>} : memref<1000x304xf32, #tpu.memory_space<vmem>>, vector<1000x304xf32>,
    return
  }
  func.func @transform_0(%arg0: i32) -> (i32, i32) {
    %c0_i32 = arith.constant 0 : i32
    %c0_i32_0 = arith.constant 0 : i32
    return %arg0, %c0_i32 : i32, i32
  }
  func.func @transform_1(%arg0: i32) -> (i32, i32) {
    %c0_i32 = arith.constant 0 : i32
    %c0_i32_0 = arith.constant 0 : i32
    return %arg0, %c0_i32 : i32, i32
  }
}

module attributes {stable_mosaic.version = 14 : i64} {
  func.func @_tc_hop0_body(%arg0: i32, %arg1: memref<256x304xf32, #tpu.memory_space<vmem>>, %arg2: memref<256x304xf32, #tpu.memory_space<vmem>>, %arg3: memref<2x256x16xf32, #tpu.memory_space<vmem>>, %arg4: memref<300x300xf32, #tpu.memory_space<vmem>>, %arg5: memref<2x256x160xf32, #tpu.memory_space<vmem>>, %arg6: memref<256x300xf32, #tpu.memory_space<vmem>>) attributes {dimension_semantics = [#tpu.dimension_semantics<arbitrary>], iteration_bounds = array<i64: 40>, scalar_prefetch = 0 : i64, scratch_operands = 0 : i64, tpu.core_type = #tpu.core_type<tc>, window_params = [{transform_indices = @transform_0, window_bounds = array<i64: 256, 304>}, {transform_indices = @transform_1, window_bounds = array<i64: 256, 304>}, {transform_indices = @transform_2, window_bounds = array<i64: 2, 256, 16>}, {pipeline_mode = #tpu.pipeline_mode<synchronous>, transform_indices = @transform_3, window_bounds = array<i64: 300, 300>}, {transform_indices = @transform_4, window_bounds = array<i64: 2, 256, 160>}, {transform_indices = @transform_5, window_bounds = array<i64: 256, 300>}]} {
    %get3A = arith.constant 0 : index
    %get3A_0 = arith.constant 0 : index
    %get3A_1 = arith.constant 0 : index
    %get3A_2 = vector.load %arg3[%get3A, %get3A_0, %get3A_1] : memref<2x256x16xf32, #tpu.memory_space<vmem>>, vector<1x256x1xf32>
    %get3A_3 = vector.shape_cast %get3A_2 : vector<1x256x1xf32> to vector<256x1xf32>
    %get3A_4 = arith.constant 1 : index
    %get3A_5 = arith.constant 0 : index
    %get3A_6 = arith.constant 0 : index
    %get3A_7 = vector.load %arg3[%get3A_4, %get3A_5, %get3A_6] : memref<2x256x16xf32, #tpu.memory_space<vmem>>, vector<1x256x1xf32>
    %get3A_8 = vector.shape_cast %get3A_7 : vector<1x256x1xf32> to vector<256x1xf32>
    %add3A = arith.addf %get3A_3, %get3A_8 : vector<256x1xf32>
    %add3A_9 = arith.constant 1.000000e+00 : f32
    %add3A_10 = vector.broadcast %add3A_9 : f32 to vector<256x1xf32>
    %add3A_11 = arith.addf %add3A, %add3A_10 : vector<256x1xf32>
    %rsqrt3A = math.rsqrt %add3A_11 : vector<256x1xf32>
    %get3A_12 = arith.constant 0 : index
    %get3A_13 = arith.constant 0 : index
    %get3A_14 = vector.load %arg1[%get3A_12, %get3A_13] : memref<256x304xf32, #tpu.memory_space<vmem>>, vector<256x300xf32>
    %get3A_15 = arith.constant 0 : index
    %get3A_16 = arith.constant 0 : index
    %get3A_17 = vector.load %arg2[%get3A_15, %get3A_16] : memref<256x304xf32, #tpu.memory_space<vmem>>, vector<256x300xf32>
    %add3A_18 = arith.addf %get3A_14, %get3A_17 : vector<256x300xf32>
    %get3A_19 = arith.constant 0 : index
    %get3A_20 = arith.constant 0 : index
    %get3A_21 = vector.load %arg4[%get3A_19, %get3A_20] : memref<300x300xf32, #tpu.memory_space<vmem>>, vector<300x300xf32>
    %dot_general3A = arith.constant dense<0.000000e+00> : vector<256x300xf32>
    %dot_general3A_22 = tpu.matmul %add3A_18, %get3A_21, %dot_general3A {dimension_numbers = #tpu.dot_dimension_numbers<[1], [0], [0], [1], [0, 0, 1, 1], [], []>, transpose_lhs_hint = false} : vector<256x300xf32>, vector<300x300xf32>, vector<256x300xf32> -> vector<256x300xf32>
    %swap3A = arith.constant 0 : index
    %swap3A_23 = arith.constant 0 : index
    %swap3A_24 = vector.load %arg6[%swap3A, %swap3A_23] : memref<256x300xf32, #tpu.memory_space<vmem>>, vector<256x300xf32>
    tpu.vector_store %arg6[%swap3A, %swap3A_23], %dot_general3A_22 {strides = array<i32>} : memref<256x300xf32, #tpu.memory_space<vmem>>, vector<256x300xf32>,
    %mul3A = vector.broadcast %rsqrt3A : vector<256x1xf32> to vector<256x300xf32>
    %mul3A_25 = arith.mulf %dot_general3A_22, %mul3A : vector<256x300xf32>
    %slice3A = vector.extract_strided_slice %mul3A_25 {offsets = [0, 0], sizes = [256, 160], strides = [1, 1]} : vector<256x300xf32> to vector<256x160xf32>
    %slice3A_26 = vector.extract_strided_slice %mul3A_25 {offsets = [0, 140], sizes = [256, 160], strides = [1, 1]} : vector<256x300xf32> to vector<256x160xf32>
    %stack3A = vector.shape_cast %slice3A : vector<256x160xf32> to vector<1x256x160xf32>
    %stack3A_27 = vector.shape_cast %slice3A_26 : vector<256x160xf32> to vector<1x256x160xf32>
    %stack3A_28 = tpu.concatenate %stack3A, %stack3A_27 in 0 : vector<1x256x160xf32>, vector<1x256x160xf32> -> vector<2x256x160xf32>
    %swap3A_29 = arith.constant 0 : index
    %swap3A_30 = arith.constant 0 : index
    %swap3A_31 = arith.constant 0 : index
    %swap3A_32 = vector.load %arg5[%swap3A_29, %swap3A_30, %swap3A_31] : memref<2x256x160xf32, #tpu.memory_space<vmem>>, vector<2x256x160xf32>
    tpu.vector_store %arg5[%swap3A_29, %swap3A_30, %swap3A_31], %stack3A_28 {strides = array<i32>} : memref<2x256x160xf32, #tpu.memory_space<vmem>>, vector<2x256x160xf32>,
    return
  }
  func.func @transform_0(%arg0: i32) -> (i32, i32) {
    %c0_i32 = arith.constant 0 : i32
    %c0_i32_0 = arith.constant 0 : i32
    return %arg0, %c0_i32 : i32, i32
  }
  func.func @transform_1(%arg0: i32) -> (i32, i32) {
    %c0_i32 = arith.constant 0 : i32
    %c0_i32_0 = arith.constant 0 : i32
    return %arg0, %c0_i32 : i32, i32
  }
  func.func @transform_2(%arg0: i32) -> (i32, i32, i32) {
    %c0_i32 = arith.constant 0 : i32
    %c0_i32_0 = arith.constant 0 : i32
    %c0_i32_1 = arith.constant 0 : i32
    return %c0_i32, %arg0, %c0_i32_0 : i32, i32, i32
  }
  func.func @transform_3(%arg0: i32) -> (i32, i32) {
    %c0_i32 = arith.constant 0 : i32
    %c0_i32_0 = arith.constant 0 : i32
    %c0_i32_1 = arith.constant 0 : i32
    return %c0_i32, %c0_i32_0 : i32, i32
  }
  func.func @transform_4(%arg0: i32) -> (i32, i32, i32) {
    %c0_i32 = arith.constant 0 : i32
    %c0_i32_0 = arith.constant 0 : i32
    %c0_i32_1 = arith.constant 0 : i32
    return %c0_i32, %arg0, %c0_i32_0 : i32, i32, i32
  }
  func.func @transform_5(%arg0: i32) -> (i32, i32) {
    %c0_i32 = arith.constant 0 : i32
    %c0_i32_0 = arith.constant 0 : i32
    return %arg0, %c0_i32 : i32, i32
  }
}

module attributes {stable_mosaic.version = 14 : i64} {
  func.func @_tc_hop_body(%arg0: i32, %arg1: memref<2x256x160xf32, #tpu.memory_space<vmem>>, %arg2: memref<256x300xf32, #tpu.memory_space<vmem>>, %arg3: memref<2x256x16xf32, #tpu.memory_space<vmem>>, %arg4: memref<300x300xf32, #tpu.memory_space<vmem>>, %arg5: memref<8x300xf32, #tpu.memory_space<vmem>>, %arg6: memref<2x256x160xf32, #tpu.memory_space<vmem>>, %arg7: memref<256x300xf32, #tpu.memory_space<vmem>>) attributes {dimension_semantics = [#tpu.dimension_semantics<arbitrary>], iteration_bounds = array<i64: 40>, scalar_prefetch = 0 : i64, scratch_operands = 0 : i64, tpu.core_type = #tpu.core_type<tc>, window_params = [{transform_indices = @transform_0, window_bounds = array<i64: 2, 256, 160>}, {transform_indices = @transform_1, window_bounds = array<i64: 256, 300>}, {transform_indices = @transform_2, window_bounds = array<i64: 2, 256, 16>}, {pipeline_mode = #tpu.pipeline_mode<synchronous>, transform_indices = @transform_3, window_bounds = array<i64: 300, 300>}, {pipeline_mode = #tpu.pipeline_mode<synchronous>, transform_indices = @transform_4, window_bounds = array<i64: 8, 300>}, {transform_indices = @transform_5, window_bounds = array<i64: 2, 256, 160>}, {transform_indices = @transform_6, window_bounds = array<i64: 256, 300>}]} {
    %get3A = arith.constant 0 : index
    %get3A_0 = arith.constant 0 : index
    %get3A_1 = arith.constant 0 : index
    %get3A_2 = vector.load %arg3[%get3A, %get3A_0, %get3A_1] : memref<2x256x16xf32, #tpu.memory_space<vmem>>, vector<1x256x1xf32>
    %get3A_3 = vector.shape_cast %get3A_2 : vector<1x256x1xf32> to vector<256x1xf32>
    %get3A_4 = arith.constant 1 : index
    %get3A_5 = arith.constant 0 : index
    %get3A_6 = arith.constant 0 : index
    %get3A_7 = vector.load %arg3[%get3A_4, %get3A_5, %get3A_6] : memref<2x256x16xf32, #tpu.memory_space<vmem>>, vector<1x256x1xf32>
    %get3A_8 = vector.shape_cast %get3A_7 : vector<1x256x1xf32> to vector<256x1xf32>
    %add3A = arith.addf %get3A_3, %get3A_8 : vector<256x1xf32>
    %add3A_9 = arith.constant 1.000000e+00 : f32
    %add3A_10 = vector.broadcast %add3A_9 : f32 to vector<256x1xf32>
    %add3A_11 = arith.addf %add3A, %add3A_10 : vector<256x1xf32>
    %rsqrt3A = math.rsqrt %add3A_11 : vector<256x1xf32>
    %get3A_12 = arith.constant 0 : index
    %get3A_13 = arith.constant 0 : index
    %get3A_14 = arith.constant 0 : index
    %get3A_15 = vector.load %arg1[%get3A_12, %get3A_13, %get3A_14] : memref<2x256x160xf32, #tpu.memory_space<vmem>>, vector<1x256x160xf32>
    %get3A_16 = vector.shape_cast %get3A_15 : vector<1x256x160xf32> to vector<256x160xf32>
    %get3A_17 = arith.constant 1 : index
    %get3A_18 = arith.constant 0 : index
    %get3A_19 = arith.constant 0 : index
    %get3A_20 = vector.load %arg1[%get3A_17, %get3A_18, %get3A_19] : memref<2x256x160xf32, #tpu.memory_space<vmem>>, vector<1x256x160xf32>
    %get3A_21 = vector.shape_cast %get3A_20 : vector<1x256x160xf32> to vector<256x160xf32>
    %slice3A = vector.extract_strided_slice %get3A_21 {offsets = [0, 20], sizes = [256, 140], strides = [1, 1]} : vector<256x160xf32> to vector<256x140xf32>
    %concatenate3A = tpu.concatenate %get3A_16, %slice3A in 1 : vector<256x160xf32>, vector<256x140xf32> -> vector<256x300xf32>
    %mul3A = vector.broadcast %rsqrt3A : vector<256x1xf32> to vector<256x300xf32>
    %mul3A_22 = arith.mulf %mul3A, %concatenate3A : vector<256x300xf32>
    %mul3A_23 = arith.mulf %rsqrt3A, %rsqrt3A : vector<256x1xf32>
    %get3A_24 = arith.constant 0 : index
    %get3A_25 = arith.constant 0 : index
    %get3A_26 = vector.load %arg2[%get3A_24, %get3A_25] : memref<256x300xf32, #tpu.memory_space<vmem>>, vector<256x300xf32>
    %mul3A_27 = vector.broadcast %mul3A_23 : vector<256x1xf32> to vector<256x300xf32>
    %mul3A_28 = arith.mulf %mul3A_27, %get3A_26 : vector<256x300xf32>
    %add3A_29 = arith.addf %mul3A_22, %mul3A_28 : vector<256x300xf32>
    %get3A_30 = arith.constant 0 : index
    %get3A_31 = arith.constant 0 : index
    %get3A_32 = vector.load %arg5[%get3A_30, %get3A_31] : memref<8x300xf32, #tpu.memory_space<vmem>>, vector<1x300xf32>
    %add3A_33 = vector.broadcast %get3A_32 : vector<1x300xf32> to vector<256x300xf32>
    %add3A_34 = arith.addf %add3A_29, %add3A_33 : vector<256x300xf32>
    %get3A_35 = arith.constant 0 : index
    %get3A_36 = arith.constant 0 : index
    %get3A_37 = vector.load %arg4[%get3A_35, %get3A_36] : memref<300x300xf32, #tpu.memory_space<vmem>>, vector<300x300xf32>
    %dot_general3A = arith.constant dense<0.000000e+00> : vector<256x300xf32>
    %dot_general3A_38 = tpu.matmul %add3A_34, %get3A_37, %dot_general3A {dimension_numbers = #tpu.dot_dimension_numbers<[1], [0], [0], [1], [0, 0, 1, 1], [], []>, transpose_lhs_hint = false} : vector<256x300xf32>, vector<300x300xf32>, vector<256x300xf32> -> vector<256x300xf32>
    %swap3A = arith.constant 0 : index
    %swap3A_39 = arith.constant 0 : index
    %swap3A_40 = vector.load %arg7[%swap3A, %swap3A_39] : memref<256x300xf32, #tpu.memory_space<vmem>>, vector<256x300xf32>
    tpu.vector_store %arg7[%swap3A, %swap3A_39], %dot_general3A_38 {strides = array<i32>} : memref<256x300xf32, #tpu.memory_space<vmem>>, vector<256x300xf32>,
    %mul3A_41 = vector.broadcast %rsqrt3A : vector<256x1xf32> to vector<256x300xf32>
    %mul3A_42 = arith.mulf %dot_general3A_38, %mul3A_41 : vector<256x300xf32>
    %slice3A_43 = vector.extract_strided_slice %mul3A_42 {offsets = [0, 0], sizes = [256, 160], strides = [1, 1]} : vector<256x300xf32> to vector<256x160xf32>
    %slice3A_44 = vector.extract_strided_slice %mul3A_42 {offsets = [0, 140], sizes = [256, 160], strides = [1, 1]} : vector<256x300xf32> to vector<256x160xf32>
    %stack3A = vector.shape_cast %slice3A_43 : vector<256x160xf32> to vector<1x256x160xf32>
    %stack3A_45 = vector.shape_cast %slice3A_44 : vector<256x160xf32> to vector<1x256x160xf32>
    %stack3A_46 = tpu.concatenate %stack3A, %stack3A_45 in 0 : vector<1x256x160xf32>, vector<1x256x160xf32> -> vector<2x256x160xf32>
    %swap3A_47 = arith.constant 0 : index
    %swap3A_48 = arith.constant 0 : index
    %swap3A_49 = arith.constant 0 : index
    %swap3A_50 = vector.load %arg6[%swap3A_47, %swap3A_48, %swap3A_49] : memref<2x256x160xf32, #tpu.memory_space<vmem>>, vector<2x256x160xf32>
    tpu.vector_store %arg6[%swap3A_47, %swap3A_48, %swap3A_49], %stack3A_46 {strides = array<i32>} : memref<2x256x160xf32, #tpu.memory_space<vmem>>, vector<2x256x160xf32>,
    return
  }
  func.func @transform_0(%arg0: i32) -> (i32, i32, i32) {
    %c0_i32 = arith.constant 0 : i32
    %c0_i32_0 = arith.constant 0 : i32
    %c0_i32_1 = arith.constant 0 : i32
    return %c0_i32, %arg0, %c0_i32_0 : i32, i32, i32
  }
  func.func @transform_1(%arg0: i32) -> (i32, i32) {
    %c0_i32 = arith.constant 0 : i32
    %c0_i32_0 = arith.constant 0 : i32
    return %arg0, %c0_i32 : i32, i32
  }
  func.func @transform_2(%arg0: i32) -> (i32, i32, i32) {
    %c0_i32 = arith.constant 0 : i32
    %c0_i32_0 = arith.constant 0 : i32
    %c0_i32_1 = arith.constant 0 : i32
    return %c0_i32, %arg0, %c0_i32_0 : i32, i32, i32
  }
  func.func @transform_3(%arg0: i32) -> (i32, i32) {
    %c0_i32 = arith.constant 0 : i32
    %c0_i32_0 = arith.constant 0 : i32
    %c0_i32_1 = arith.constant 0 : i32
    return %c0_i32, %c0_i32_0 : i32, i32
  }
  func.func @transform_4(%arg0: i32) -> (i32, i32) {
    %c0_i32 = arith.constant 0 : i32
    %c0_i32_0 = arith.constant 0 : i32
    %c0_i32_1 = arith.constant 0 : i32
    return %c0_i32, %c0_i32_0 : i32, i32
  }
  func.func @transform_5(%arg0: i32) -> (i32, i32, i32) {
    %c0_i32 = arith.constant 0 : i32
    %c0_i32_0 = arith.constant 0 : i32
    %c0_i32_1 = arith.constant 0 : i32
    return %c0_i32, %arg0, %c0_i32_0 : i32, i32, i32
  }
  func.func @transform_6(%arg0: i32) -> (i32, i32) {
    %c0_i32 = arith.constant 0 : i32
    %c0_i32_0 = arith.constant 0 : i32
    return %arg0, %c0_i32 : i32, i32
  }
}

module attributes {stable_mosaic.version = 14 : i64} {
  func.func @_tc_pool_body(%arg0: i32, %arg1: memref<2x256x160xf32, #tpu.memory_space<vmem>>, %arg2: memref<256x300xf32, #tpu.memory_space<vmem>>, %arg3: memref<2x256x16xf32, #tpu.memory_space<vmem>>, %arg4: memref<1x1x256xi32, #tpu.memory_space<vmem>>, %arg5: memref<8x300xf32, #tpu.memory_space<vmem>>, %arg6: memref<256x300xf32, #tpu.memory_space<vmem>>, %arg7: memref<256x300xf32, #tpu.memory_space<vmem>>, %arg8: memref<256x128xf32, #tpu.memory_space<vmem>>) attributes {dimension_semantics = [#tpu.dimension_semantics<arbitrary>], iteration_bounds = array<i64: 40>, scalar_prefetch = 0 : i64, scratch_operands = 2 : i64, tpu.core_type = #tpu.core_type<tc>, window_params = [{transform_indices = @transform_0, window_bounds = array<i64: 2, 256, 160>}, {transform_indices = @transform_1, window_bounds = array<i64: 256, 300>}, {transform_indices = @transform_2, window_bounds = array<i64: 2, 256, 16>}, {transform_indices = @transform_3, window_bounds = array<i64: 1, 1, 256>}, {pipeline_mode = #tpu.pipeline_mode<synchronous>, transform_indices = @transform_4, window_bounds = array<i64: 8, 300>}, {pipeline_mode = #tpu.pipeline_mode<synchronous>, transform_indices = @transform_5, window_bounds = array<i64: 256, 300>}]} {
    %eq3A = arith.constant 0 : i32
    %eq3A_0 = arith.cmpi eq, %arg0, %eq3A : i32
    %convert_element_type3A = arith.extui %eq3A_0 : i1 to i32
    %cond3A = arith.constant 0 : i32
    %cond3A_1 = arith.cmpi ne, %convert_element_type3A, %cond3A : i32
    scf.if %cond3A_1 {
      %broadcast_in_dim3A_68 = arith.constant 0.000000e+00 : f32
      %broadcast_in_dim3A_69 = vector.broadcast %broadcast_in_dim3A_68 : f32 to vector<256x300xf32>
      %swap3A_70 = arith.constant 0 : index
      %swap3A_71 = arith.constant 0 : index
      %swap3A_72 = vector.load %arg7[%swap3A_70, %swap3A_71] : memref<256x300xf32, #tpu.memory_space<vmem>>, vector<256x300xf32>
      tpu.vector_store %arg7[%swap3A_70, %swap3A_71], %broadcast_in_dim3A_69 {strides = array<i32>} : memref<256x300xf32, #tpu.memory_space<vmem>>, vector<256x300xf32>,
      %broadcast_in_dim3A_73 = arith.constant 0.000000e+00 : f32
      %broadcast_in_dim3A_74 = vector.broadcast %broadcast_in_dim3A_73 : f32 to vector<256x128xf32>
      %swap3A_75 = arith.constant 0 : index
      %swap3A_76 = arith.constant 0 : index
      %swap3A_77 = vector.load %arg8[%swap3A_75, %swap3A_76] : memref<256x128xf32, #tpu.memory_space<vmem>>, vector<256x128xf32>
      tpu.vector_store %arg8[%swap3A_75, %swap3A_76], %broadcast_in_dim3A_74 {strides = array<i32>} : memref<256x128xf32, #tpu.memory_space<vmem>>, vector<256x128xf32>,
    } else {
    }
    %get3A = arith.constant 0 : index
    %get3A_2 = arith.constant 0 : index
    %get3A_3 = arith.constant 0 : index
    %get3A_4 = vector.load %arg3[%get3A, %get3A_2, %get3A_3] : memref<2x256x16xf32, #tpu.memory_space<vmem>>, vector<1x256x1xf32>
    %get3A_5 = vector.shape_cast %get3A_4 : vector<1x256x1xf32> to vector<256x1xf32>
    %get3A_6 = arith.constant 1 : index
    %get3A_7 = arith.constant 0 : index
    %get3A_8 = arith.constant 0 : index
    %get3A_9 = vector.load %arg3[%get3A_6, %get3A_7, %get3A_8] : memref<2x256x16xf32, #tpu.memory_space<vmem>>, vector<1x256x1xf32>
    %get3A_10 = vector.shape_cast %get3A_9 : vector<1x256x1xf32> to vector<256x1xf32>
    %add3A = arith.addf %get3A_5, %get3A_10 : vector<256x1xf32>
    %add3A_11 = arith.constant 1.000000e+00 : f32
    %add3A_12 = vector.broadcast %add3A_11 : f32 to vector<256x1xf32>
    %add3A_13 = arith.addf %add3A, %add3A_12 : vector<256x1xf32>
    %rsqrt3A = math.rsqrt %add3A_13 : vector<256x1xf32>
    %get3A_14 = arith.constant 0 : index
    %get3A_15 = arith.constant 0 : index
    %get3A_16 = arith.constant 0 : index
    %get3A_17 = vector.load %arg1[%get3A_14, %get3A_15, %get3A_16] : memref<2x256x160xf32, #tpu.memory_space<vmem>>, vector<1x256x160xf32>
    %get3A_18 = vector.shape_cast %get3A_17 : vector<1x256x160xf32> to vector<256x160xf32>
    %get3A_19 = arith.constant 1 : index
    %get3A_20 = arith.constant 0 : index
    %get3A_21 = arith.constant 0 : index
    %get3A_22 = vector.load %arg1[%get3A_19, %get3A_20, %get3A_21] : memref<2x256x160xf32, #tpu.memory_space<vmem>>, vector<1x256x160xf32>
    %get3A_23 = vector.shape_cast %get3A_22 : vector<1x256x160xf32> to vector<256x160xf32>
    %slice3A = vector.extract_strided_slice %get3A_23 {offsets = [0, 20], sizes = [256, 140], strides = [1, 1]} : vector<256x160xf32> to vector<256x140xf32>
    %concatenate3A = tpu.concatenate %get3A_18, %slice3A in 1 : vector<256x160xf32>, vector<256x140xf32> -> vector<256x300xf32>
    %mul3A = vector.broadcast %rsqrt3A : vector<256x1xf32> to vector<256x300xf32>
    %mul3A_24 = arith.mulf %mul3A, %concatenate3A : vector<256x300xf32>
    %mul3A_25 = arith.mulf %rsqrt3A, %rsqrt3A : vector<256x1xf32>
    %get3A_26 = arith.constant 0 : index
    %get3A_27 = arith.constant 0 : index
    %get3A_28 = vector.load %arg2[%get3A_26, %get3A_27] : memref<256x300xf32, #tpu.memory_space<vmem>>, vector<256x300xf32>
    %mul3A_29 = vector.broadcast %mul3A_25 : vector<256x1xf32> to vector<256x300xf32>
    %mul3A_30 = arith.mulf %mul3A_29, %get3A_28 : vector<256x300xf32>
    %add3A_31 = arith.addf %mul3A_24, %mul3A_30 : vector<256x300xf32>
    %get3A_32 = arith.constant 0 : index
    %get3A_33 = arith.constant 0 : index
    %get3A_34 = vector.load %arg5[%get3A_32, %get3A_33] : memref<8x300xf32, #tpu.memory_space<vmem>>, vector<1x300xf32>
    %add3A_35 = vector.broadcast %get3A_34 : vector<1x300xf32> to vector<256x300xf32>
    %add3A_36 = arith.addf %add3A_31, %add3A_35 : vector<256x300xf32>
    %get3A_37 = arith.constant 0 : index
    %get3A_38 = arith.constant 0 : index
    %get3A_39 = arith.constant 0 : index
    %get3A_40 = vector.load %arg4[%get3A_37, %get3A_38, %get3A_39] : memref<1x1x256xi32, #tpu.memory_space<vmem>>, vector<1x1x256xi32>
    %get3A_41 = vector.shape_cast %get3A_40 : vector<1x1x256xi32> to vector<1x256xi32>
    %iota3A = tpu.iota {dimensions = array<i32: 0>} : vector<256x256xi32>
    %eq3A_42 = vector.broadcast %get3A_41 : vector<1x256xi32> to vector<256x256xi32>
    %eq3A_43 = arith.cmpi eq, %eq3A_42, %iota3A : vector<256x256xi32>
    %convert_element_type3A_44 = arith.extui %eq3A_43 : vector<256x256xi1> to vector<256x256xi32>
    %convert_element_type3A_45 = arith.sitofp %convert_element_type3A_44 : vector<256x256xi32> to vector<256x256xf32>
    %get3A_46 = arith.constant 0 : index
    %get3A_47 = arith.constant 0 : index
    %get3A_48 = vector.load %arg7[%get3A_46, %get3A_47] : memref<256x300xf32, #tpu.memory_space<vmem>>, vector<256x300xf32>
    %dot_general3A = arith.constant dense<0.000000e+00> : vector<256x300xf32>
    %dot_general3A_49 = tpu.matmul %convert_element_type3A_45, %add3A_36, %dot_general3A {dimension_numbers = #tpu.dot_dimension_numbers<[1], [0], [0], [1], [0, 0, 1, 1], [], []>, transpose_lhs_hint = false} : vector<256x256xf32>, vector<256x300xf32>, vector<256x300xf32> -> vector<256x300xf32>
    %add3A_50 = arith.addf %get3A_48, %dot_general3A_49 : vector<256x300xf32>
    %swap3A = arith.constant 0 : index
    %swap3A_51 = arith.constant 0 : index
    %swap3A_52 = vector.load %arg7[%swap3A, %swap3A_51] : memref<256x300xf32, #tpu.memory_space<vmem>>, vector<256x300xf32>
    tpu.vector_store %arg7[%swap3A, %swap3A_51], %add3A_50 {strides = array<i32>} : memref<256x300xf32, #tpu.memory_space<vmem>>, vector<256x300xf32>,
    %get3A_53 = arith.constant 0 : index
    %get3A_54 = arith.constant 0 : index
    %get3A_55 = vector.load %arg8[%get3A_53, %get3A_54] : memref<256x128xf32, #tpu.memory_space<vmem>>, vector<256x128xf32>
    %broadcast_in_dim3A = arith.constant 1.000000e+00 : f32
    %broadcast_in_dim3A_56 = vector.broadcast %broadcast_in_dim3A : f32 to vector<256x128xf32>
    %dot_general3A_57 = arith.constant dense<0.000000e+00> : vector<256x128xf32>
    %dot_general3A_58 = tpu.matmul %convert_element_type3A_45, %broadcast_in_dim3A_56, %dot_general3A_57 {dimension_numbers = #tpu.dot_dimension_numbers<[1], [0], [0], [1], [0, 0, 1, 1], [], []>, transpose_lhs_hint = false} : vector<256x256xf32>, vector<256x128xf32>, vector<256x128xf32> -> vector<256x128xf32>
    %add3A_59 = arith.addf %get3A_55, %dot_general3A_58 : vector<256x128xf32>
    %swap3A_60 = arith.constant 0 : index
    %swap3A_61 = arith.constant 0 : index
    %swap3A_62 = vector.load %arg8[%swap3A_60, %swap3A_61] : memref<256x128xf32, #tpu.memory_space<vmem>>, vector<256x128xf32>
    tpu.vector_store %arg8[%swap3A_60, %swap3A_61], %add3A_59 {strides = array<i32>} : memref<256x128xf32, #tpu.memory_space<vmem>>, vector<256x128xf32>,
    %eq3A_63 = arith.constant 39 : i32
    %eq3A_64 = arith.cmpi eq, %arg0, %eq3A_63 : i32
    %convert_element_type3A_65 = arith.extui %eq3A_64 : i1 to i32
    %cond3A_66 = arith.constant 0 : i32
    %cond3A_67 = arith.cmpi ne, %convert_element_type3A_65, %cond3A_66 : i32
    scf.if %cond3A_67 {
      %get3A_68 = arith.constant 0 : index
      %get3A_69 = arith.constant 0 : index
      %get3A_70 = vector.load %arg7[%get3A_68, %get3A_69] : memref<256x300xf32, #tpu.memory_space<vmem>>, vector<256x300xf32>
      %get3A_71 = arith.constant 0 : index
      %get3A_72 = arith.constant 0 : index
      %get3A_73 = vector.load %arg8[%get3A_71, %get3A_72] : memref<256x128xf32, #tpu.memory_space<vmem>>, vector<256x1xf32>
      %jit3A = arith.constant 1.000000e+00 : f32
      %max3A = vector.broadcast %jit3A : f32 to vector<256x1xf32>
      %max3A_74 = arith.maximumf %max3A, %get3A_73 : vector<256x1xf32>
      %div3A = vector.broadcast %max3A_74 : vector<256x1xf32> to vector<256x300xf32>
      %div3A_75 = arith.divf %get3A_70, %div3A : vector<256x300xf32>
      %swap3A_76 = arith.constant 0 : index
      %swap3A_77 = arith.constant 0 : index
      %swap3A_78 = vector.load %arg6[%swap3A_76, %swap3A_77] : memref<256x300xf32, #tpu.memory_space<vmem>>, vector<256x300xf32>
      tpu.vector_store %arg6[%swap3A_76, %swap3A_77], %div3A_75 {strides = array<i32>} : memref<256x300xf32, #tpu.memory_space<vmem>>, vector<256x300xf32>,
    } else {
    }
    return
  }
  func.func @transform_0(%arg0: i32) -> (i32, i32, i32) {
    %c0_i32 = arith.constant 0 : i32
    %c0_i32_0 = arith.constant 0 : i32
    %c0_i32_1 = arith.constant 0 : i32
    return %c0_i32, %arg0, %c0_i32_0 : i32, i32, i32
  }
  func.func @transform_1(%arg0: i32) -> (i32, i32) {
    %c0_i32 = arith.constant 0 : i32
    %c0_i32_0 = arith.constant 0 : i32
    return %arg0, %c0_i32 : i32, i32
  }
  func.func @transform_2(%arg0: i32) -> (i32, i32, i32) {
    %c0_i32 = arith.constant 0 : i32
    %c0_i32_0 = arith.constant 0 : i32
    %c0_i32_1 = arith.constant 0 : i32
    return %c0_i32, %arg0, %c0_i32_0 : i32, i32, i32
  }
  func.func @transform_3(%arg0: i32) -> (i32, i32, i32) {
    %c0_i32 = arith.constant 0 : i32
    %c0_i32_0 = arith.constant 0 : i32
    %c0_i32_1 = arith.constant 0 : i32
    return %arg0, %c0_i32, %c0_i32_0 : i32, i32, i32
  }
  func.func @transform_4(%arg0: i32) -> (i32, i32) {
    %c0_i32 = arith.constant 0 : i32
    %c0_i32_0 = arith.constant 0 : i32
    %c0_i32_1 = arith.constant 0 : i32
    return %c0_i32, %c0_i32_0 : i32, i32
  }
  func.func @transform_5(%arg0: i32) -> (i32, i32) {
    %c0_i32 = arith.constant 0 : i32
    %c0_i32_0 = arith.constant 0 : i32
    %c0_i32_1 = arith.constant 0 : i32
    return %c0_i32, %c0_i32_0 : i32, i32
  }
}

</mosaic_0001>

<sc_bundles>
// kernel: kernel.11.cloned.1.call-start
scs
__scs_entry_jumppad:
0x0: {  	(pc) =	sbr.rel $0x88, $3  }
0x1: {  	(tag) =	ssettag $0x0;
	lr =	simm.s32 $0x1  }
0x2: {  	[smem:$0x3F9A] =	sst lr;
	_ =	strace $0xD0000000  }
0x3: {  	_ = 	snop  }
0x4: {  	_ = 	snop  }
0x5: {  	_ = 	snop  }
0x6: {  	_ = 	snop  }
0x7: {  	_ = 	snop  }
__scs_overlays_trampoline_lowered:
0x8: {  	[smem:$0x3FA9] =	sst s0  }
0x9: {  	[smem:$0x3FAA] =	sst s1  }
0xa: {  	[smem:$0x3FAB] =	sst s2  }
0xb: {  	[smem:$0x3FAC] =	sst s3  }
0xc: {  	[smem:$0x3FAD] =	sst s4  }
0xd: {  	[smem:$0x3FAE] =	sst s5  }
0xe: {  	[smem:$0x3FAF] =	sst s6  }
0xf: {  	[smem:$0x3FB0] =	sst s7  }
0x10: {  	[smem:$0x3FB1] =	sst s8  }
0x11: {  	[smem:$0x3FB2] =	sst s9;
	s0 =	simm.s32 @!p0 $0x0  }
0x12: {  	s1 =	sld [smem:$0x3F98];
	s0 =	simm.s32 @p0 $0x1  }
0x13: {  	[smem:$0x3FB3] =	sst s0;
	s0 =	simm.s32 @!p1 $0x0  }
0x14: {  	s2 =	sld [smem:$0x3F97];
	s0 =	simm.s32 @p1 $0x1  }
0x15: {  	[smem:$0x3FB4] =	sst s0;
	s0 =	simm.s32 @!p2 $0x0  }
0x16: {  	s3 =	sld [smem:$0x3FDB];
	s0 =	simm.s32 @p2 $0x1  }
0x17: {  	s4 =	simm.s32 $0x1BF5;
	[smem:$0x3FB6] =	sst s0  }
0x18: {  	s0 =	sld [smem:$0x3F99];
	_ =	swait.ge [sflag:s4], $0x0  }
0x19: {  	s7 =	sld [smem:$0x3F9A]  }
0x1a: {  	s8 =	sadd.s32 $0xFFFFE003, lr  }
0x1b: {  	s9 =	sadd.s32 $0xFFFFFEF7, lr;
	s5 =	simm.s32 $0xFFFFFFFF;
	p2 =	slt.u32 s8, $0xFFFFF086  }
0x1c: {  	p1 =	slt.u32 s9, $0xF7A;
	s5 =	simm.s32 @!p2 $0x0  }
0x1d: {  	s5 =	simm.s32 @p1 $0x1;
	p0 =	seq.s32 s7, s2  }
0x1e: {  	s7 =	smul.u32 @!p0 $0xF7A, s2;
	p2 =	seq.s32 @!p0 s5, $0x0  }
0x1f: {  	s9 =	smul.u32 $0xF7A, s1;
	s8 =	simm.s32 @!p0 $0x1BF5;
	p2 =	por !p2, p0  }
0x20: {  	[sflag:s8] =	ssyncset.s32 @!p0 $0xFFFFF086;
	s6 =	sadd.s32 @!p0 s3, s7;
	s7 =	simm.s32 @!p0 $0x108  }
0x21: {  	s3 =	sadd.s32 s3, s9;
	s6 =	sadd.s32 @!p0 $0x88, s6;
	s7 =	simm.s32 @p2 $0x1082  }
0x22: {  	[simem:s7], [sflag:s8] =	dma.local @!p0 [hbm:s6], $0xF7A  }
0x23: {  	s9 =	sor.u32 $0xD0000000, s2;
	s6 =	simm.s32 $0x108;
	_ =	swait.ge @!p0 [sflag:s8], $0x0  }
0x24: {  	s3 =	sadd.s32 $0x88, s3;
	s6 =	simm.s32 @!p1 $0x1082;
	[sflag:s4] =	ssyncset.s32 $0xFFFFF086  }
0x25: {  	[simem:s6], [sflag:s4] =	dma.local [hbm:s3], $0xF7A  }
0x26: {  	[smem:$0x3F9A] =	sst s1;
	(tag) =	ssettag s2;
	_ =	strace s9  }
0x27: {  	s1 =	sld [smem:$0x3FAA]  }
0x28: {  	s2 =	sld [smem:$0x3FAB]  }
0x29: {  	s4 =	sld [smem:$0x3FAD]  }
0x2a: {  	p0 =	seq.s32 s5, $0x0;
	s5 =	sld [smem:$0x3FAE]  }
0x2b: {  	s6 =	sld [smem:$0x3FAF]  }
0x2c: {  	s7 =	sld [smem:$0x3FB0]  }
0x2d: {  	s3 =	simm.s32 $0x108;
	s8 =	sld [smem:$0x3FB1]  }
0x2e: {  	s3 =	simm.s32 @!p0 $0x1082;
	s9 =	sld [smem:$0x3FB2]  }
0x2f: {  	lr =	sadd.s32 s0, s3;
	s0 =	sld [smem:$0x3FA9]  }
0x30: {  	s3 =	sld [smem:$0x3FAC]  }
0x31: {  	[smem:$0x3FB5] =	sst s10  }
0x32: {  	s10 =	sld [smem:$0x3FB3];
	_ =	sdelay $0x3  }
0x33: {  	p0 =	seq.s32 s10, $0x1;
	s10 =	sld [smem:$0x3FB5];
	_ =	sdelay $0x3  }
0x34: {  	[smem:$0x3FB5] =	sst s10  }
0x35: {  	s10 =	sld [smem:$0x3FB4];
	_ =	sdelay $0x3  }
0x36: {  	p1 =	seq.s32 s10, $0x1;
	s10 =	sld [smem:$0x3FB5];
	_ =	sdelay $0x3  }
0x37: {  	[smem:$0x3FB5] =	sst s10  }
0x38: {  	s10 =	sld [smem:$0x3FB6]  }
0x39: {  	_ = 	snop;
	(pc) =	sbr.ind lr, $3  }
0x3a: {  	_ = 	snop  }
0x3b: {  	_ = 	snop  }
0x3c: {  	p2 =	seq.s32 s10, $0x1;
	s10 =	sld [smem:$0x3FB5]  }
0x3d: {  	_ =	shalt  }
0x3e: {  	_ =	shalt  }
0x3f: {  	_ =	shalt  }
0x40: {  	_ =	shalt  }
0x41: {  	_ =	shalt  }
0x42: {  	_ =	shalt  }
0x43: {  	_ =	shalt  }
0x44: {  	_ =	shalt  }
0x45: {  	_ =	shalt  }
0x46: {  	_ =	shalt  }
0x47: {  	_ =	shalt  }
0x48: {  	_ =	shalt  }
0x49: {  	_ =	shalt  }
0x4a: {  	_ =	shalt  }
0x4b: {  	_ =	shalt  }
0x4c: {  	_ =	shalt  }
0x4d: {  	_ =	shalt  }
0x4e: {  	_ =	shalt  }
0x4f: {  	_ =	shalt  }
0x50: {  	_ =	shalt  }
0x51: {  	_ =	shalt  }
0x52: {  	_ =	shalt  }
0x53: {  	_ =	shalt  }
0x54: {  	_ =	shalt  }
0x55: {  	_ =	shalt  }
0x56: {  	_ =	shalt  }
0x57: {  	_ =	shalt  }
0x58: {  	_ =	shalt  }
0x59: {  	_ =	shalt  }
0x5a: {  	_ =	shalt  }
0x5b: {  	_ =	shalt  }
0x5c: {  	_ =	shalt  }
0x5d: {  	_ =	shalt  }
0x5e: {  	_ =	shalt  }
0x5f: {  	_ =	shalt  }
0x60: {  	_ =	shalt  }
0x61: {  	_ =	shalt  }
0x62: {  	_ =	shalt  }
0x63: {  	_ =	shalt  }
0x64: {  	_ =	shalt  }
0x65: {  	_ =	shalt  }
0x66: {  	_ =	shalt  }
0x67: {  	_ =	shalt  }
0x68: {  	_ =	shalt  }
0x69: {  	_ =	shalt  }
0x6a: {  	_ =	shalt  }
0x6b: {  	_ =	shalt  }
0x6c: {  	_ =	shalt  }
0x6d: {  	_ =	shalt  }
0x6e: {  	_ =	shalt  }
0x6f: {  	_ =	shalt  }
0x70: {  	_ =	shalt  }
0x71: {  	_ =	shalt  }
0x72: {  	_ =	shalt  }
0x73: {  	_ =	shalt  }
0x74: {  	_ =	shalt  }
0x75: {  	_ =	shalt  }
0x76: {  	_ =	shalt  }
0x77: {  	_ =	shalt  }
0x78: {  	_ =	shalt  }
0x79: {  	_ =	shalt  }
0x7a: {  	_ =	shalt  }
0x7b: {  	_ =	shalt  }
0x7c: {  	_ =	shalt  }
0x7d: {  	_ =	shalt  }
0x7e: {  	_ =	shalt  }
0x7f: {  	_ =	shalt  }
0x80: {  	_ =	shalt  }
0x81: {  	_ =	shalt  }
0x82: {  	_ =	shalt  }
0x83: {  	_ =	shalt  }
0x84: {  	_ =	shalt  }
0x85: {  	_ =	shalt  }
0x86: {  	_ =	shalt  }
0x87: {  	_ =	shalt  }
.Lfunc_end0:
.L_simem_size_0:
called_computation_lowered:
.L_overlay_start_0:
0x88: {  	s2 =	sld [smem:$0x3FD9]  }
0x89: {  	s3 =	sld [smem:$0x3FFE];
	_ =	sdelay $0x1  }
0x8a: {  	s1 =	srdreg.scid  }
0x8b: {  	s0 =	sand.u32 $0x1, s1  }
0x8c: {  	s17 =	sshll.u32 s0, $0xA;
	s2 =	sadd.s32 s3, s2  }
0x8d: {  	s2 =	sadd.s32 s2, s17  }
0x8e: {  	[smem:$0x3FC1] =	sst s2  }
0x8f: {  	_ = 	snop  }
0x90: {  	s2 =	sld [smem:$0x3FD0];
	(tm) =	ssettm $0x1  }
0x91: {  	s18 =	sld [smem:$0x3FFB];
	_ =	sdelay $0x3  }
0x92: {  	_ =	strace s18  }
0x93: {  	s3 =	sld [smem:$0x3FFC];
	_ =	sdelay $0x3  }
0x94: {  	_ =	strace s3  }
0x95: {  	s3 =	sld [smem:$0x3FFD];
	_ =	sdelay $0x3  }
0x96: {  	_ =	strace s3  }
0x97: {  	_ =	strace $0x8FFFFFFF  }
0x98: {  	s19 =	sld [smem:$0x3FDB];
	_ =	sdelay $0x1  }
0x99: {  	s4 =	simm.s32 $_scs_section_size  }
0x9a: {  	s5 =	simm.s32 $_size__tile_overlayer_lowered;
	s6 =	simm.s32 $_tile_overlayer_lowered  }
0x9b: {  	s22 =	simm.s32 $0x1BFF;
	s21 =	sshll.u32 s6, $0x1;
	s3 =	sadd.s32 s4, s19  }
0x9c: {  	s7 =	simm.s32 $0x0;
	s20 =	sshll.u32 s5, $0x1;
	s5 =	sadd.s32 s21, s3  }
0x9d: {  	[timem:s7], [sflag:s22] =	dma.local [hbm:s5], s20  }
0x9e: {  	_ =	swait.ge [sflag:s22], s20  }
0x9f: {  	s4 =	ssub.s32 $0x0, s20;
	[sflag:s22] =	ssyncset.done $0x0  }
0xa0: {  	[sflag:s22] =	ssyncadd.s32 s4;
	_ =	sdelay $0x1  }
0xa1: {  	s23 =	simm.s32 $0x1B8B  }
0xa2: {  	_ =	swait.ge [sflag:s23], $0x1  }
0xa3: {  	[sflag:s23] =	ssyncset.done $0x0  }
0xa4: {  	s25 =	simm.s32 $0x1B8E;
	s24 =	sld [smem:$0x3FFE];
	[sflag:s23] =	ssyncadd.s32 $0xFFFFFFFF  }
0xa5: {  	s26 =	simm.s32 $execute0_lowered;
	[smem:$0x3FD2] =	sst s25  }
0xa6: {  	s5 =	sshll.u32 s26, $0x1;
	_ =	strace $0x80000046;
	[dreg:$0x1] =	wrdreg $0xFFFFFFFF  }
0xa7: {  	s28 =	simm.s32 $_size_execute0_lowered;
	s3 =	sadd.s32 s3, s5;
	[dreg:$0x0] =	wrdreg $0x0  }
0xa8: {  	s5 =	sshll.u32 s28, $0x1;
	[dreg:$0x2] =	wrdreg s3  }
0xa9: {  	[dreg:$0x3] =	wrdreg s5  }
0xaa: {  	[dreg:$0x4] =	wrdreg $0xC0  }
0xab: {  	_ =	task [dreg:s7], $0x5FFFF  }
0xac: {  	[dreg:$0x1] =	wrdreg $0xFFFFFFFF  }
0xad: {  	[dreg:$0x0] =	wrdreg $0x60  }
0xae: {  	[dreg:$0x2] =	wrdreg s24  }
0xaf: {  	[dreg:$0x3] =	wrdreg s2  }
0xb0: {  	[dreg:$0x4] =	wrdreg $0x6FF00  }
0xb1: {  	[dreg:$0x5] =	wrdreg $0x9  }
0xb2: {  	_ =	task.clear_ibuf [dreg:s7], $0x6FFFF;
	_ =	strace $0x90000046  }
0xb3: {  	s29 =	simm.s32 $0x9;
	_ =	strace $0x80000048  }
0xb4: {  	_ =	swait.ge [sflag:s29], $0x1  }
0xb5: {  	[sflag:s29] =	ssyncadd.s32 $0xFFFFFFFF  }
0xb6: {  	_ =	strace $0x90000048  }
0xb7: {  	_ =	sfence  }
0xb8: {  	s30 =	sld [smem:$0x0];
	_ =	sdelay $0x2  }
0xb9: {  	s31 =	sshll.u32 s1, $0xD;
	s1 =	sshrl.u32 s1, $0x2  }
0xba: {  	s3 =	sand.u32 $0x4000, s31;
	s1 =	sadd.s32 s1, s30  }
0xbb: {  	s0 =	sor.u32 s3, s0;
	s1 =	sshll.u32 s1, $0x11  }
0xbc: {  	s0 =	sor.u32 s1, s0  }
0xbd: {  	s0 =	sadd.s32 $0x8F2B, s0  }
0xbe: {  	[sflag:s0] =	ssyncadd.remote.s32 $0x1  }
0xbf: {  	_ =	sfence.sel $0xFFFF  }
0xc0: {  	[dreg:$0x0] =	wrdreg $0xFFFFFFFF;
	(pc) =	sbr.abs _section_cstart, $3  }
0xc1: {  	[dreg:$0x1] =	wrdreg $0xFFFFFFFF  }
0xc2: {  	_ =	task.clear_ibuf [dreg:s7], $0x2FFFF;
	_ =	strace $0x9FFFFFFF  }
0xc3: {  	(tm) =	ssettm $0x7FFFFFFF  }
tec
execute0_lowered:
.L_overlay_start_1:
0x0: {  	(tag) =	ssettag $0x1  }
0x1: {  	s21 =	stileid.u32  }
0x2: {  	s7 =	smul.u32 $0x140, s21  }
0x3: {  	s1 =	rddreg [dreg:$0x0];
	s9 =	smul.u32 $0x1400, s21  }
0x4: {  	s0 =	srdreg.scid;
	s25 =	smul.u32 $0x2800, s21  }
0x5: {  	s2 =	rddreg [dreg:$0x1];
	s10 =	smul.u32 $0xA000, s21  }
0x6: {  	s3 =	rddreg [dreg:$0x2];
	s6 =	sand.u32 $0x1, s0;
	s15 =	smul.u32 $0x2F80, s21  }
0x7: {  	s4 =	simm.s32 $0x0;
	s18 =	simm.s32 $0x67F0;
	s5 =	smul.u32 $0x1400, s6  }
0x8: {  	s19 =	simm.s32 $0x2;
	s20 =	simm.s32 $0xA0;
	s8 =	smul.u32 $0x14000, s6  }
0x9: {  	s28 =	simm.s32 $0x0;
	[smem:$0x7FF] =	sst s4;
	s22 =	smul.u32 $0x2F800, s6  }
0xa: {  	s21 =	simm.s32 $0x7D;
	s23 =	smul.u32 $0x28000, s6;
	s6 =	ssub.s32 $0x2, s6  }
0xb: {  	_ =	strace $0x80000047;
	s29 =	sshrl.u32 s6, $0x1;
	s10 =	sshrl.u32 s10, $0x2  }
0xc: {  	s30 =	sadd.s32 s25, s3;
	s5 =	sadd.s32 s7, s5;
	s8 =	sadd.s32 s9, s8  }
0xd: {  	s13 =	sadd.s32 s22, s1;
	s26 =	sadd.s32 s25, s23;
	s14 =	ssub.s32 s6, s29  }
0xe: {  	s6 =	sadd.s32 s10, s3;
	s22 =	simm.s32 $0x6020;
	s23 =	sshrl.u32 s30, $0x3  }
0xf: {  	s25 =	simm.s32 $0x120;
	s5 =	sshrl.u32 s5, $0x3;
	s24 =	sshrl.u32 s8, $0x3  }
0x10: {  	s7 =	sshrl.u32 s26, $0x3;
	s31 =	sadd.s32 $0x800, s6;
	s9 =	sadd.s32 $0x1000, s6  }
0x11: {  	s10 =	sadd.s32 $0x1800, s6;
	s11 =	sadd.s32 $0x2000, s6;
	s15 =	sadd.s32 s15, s13  }
0x12: {  	s13 =	smax.u32 s14, $0x1;
	s26 =	simm.s32 $0x1;
	s17 =	sadd.s32 s5, s1  }
0x13: {  	s12 =	sadd.s32 s24, s1;
	s5 =	sadd.s32 $0x16000, s1;
	s1 =	sadd.s32 s7, s1  }
0x14: {  	[dreg:$0x5] =	wrdreg s31;
	s14 =	sadd.s32 $0x3BFC00, s15;
	s15 =	sadd.s32 $0x41EC00, s15  }
0x15: {  	s24 =	simm.s32 $0x50;
	s1 =	sadd.s32 $0x3B5C00, s1;
	s12 =	sadd.s32 $0x10400, s12  }
0x16: {  	v0 =	vimm.f32 $0.0e+00;
	v1 =	vimm.f32 $1.000000000e+00;
	s16 =	sadd.s32 $0x15A00, s17;
	s17 =	sadd.s32 $0x15400, s17;
	[dreg:$0x4] =	wrdreg s1  }
.LBB2_1:
0x17: {  	s1 =	simm.s32 $0x0  }
.LBB2_2:
0x18: {  	p0 =	sne.s32 s1, $0x1FC0  }
.Ltmp0:
0x19: {  	_ = 	snop;
	(pc) =	sbr.rel @p0 .LBB2_2-.Ltmp0, $3  }
0x1a: {  	_ =	sdelay $0x1  }
0x1b: {  	s29 =	sshra.s32 s1, $0x2  }
0x1c: {  	s1 =	sadd.s32 $0x40, s1;
	[tilespmem:s29+$0x67F0] =	vst v0  }
0x1d: {  	s1 =	simm.s32 $0x40;
	s29 =	simm.s32 $0x0  }
.LBB2_4:
0x1e: {  	p0 =	sne.s32 s1, $0x1F00;
	[tilespmem:s29+$0x6020] =	vst v1;
	s29 =	smov.u32 s1;
	s1 =	sadd.s32 $0x40, s1  }
.Ltmp1:
0x1f: {  	(pc) =	sbr.rel @p0 .LBB2_4-.Ltmp1, $2  }
0x20: {  	_ =	sdelay $0x2  }
0x21: {  	s29 =	sshra.s32 s29, $0x2  }
0x22: {  	[tilespmem:s29+$0x6020] =	vst v1  }
0x23: {  	[spmem:s6] =	stream.linear.scatter [tilespmem:s18], [sflag:$0x2], $0x800, $0x38;
	[tilespmem:$0x97F0] =	vst v63  }
0x24: {  	_ =	swait.ge [sflag:s19], $0x800  }
0x25: {  	[sflag:s19] =	ssyncset.done $0x0  }
0x26: {  	s0 =	rddreg [dreg:$0x5];
	[sflag:s19] =	ssyncadd.s32 $0xFFFFF800  }
0x27: {  	[spmem:s0] =	stream.linear.scatter [tilespmem:s18], [sflag:$0x2], $0x800, $0x38;
	[tilespmem:$0x97F0] =	vst v63  }
0x28: {  	_ =	swait.ge [sflag:s19], $0x800  }
0x29: {  	[sflag:s19] =	ssyncset.done $0x0  }
0x2a: {  	[sflag:s19] =	ssyncadd.s32 $0xFFFFF800  }
0x2b: {  	[spmem:s9] =	stream.linear.scatter [tilespmem:s18], [sflag:$0x2], $0x800, $0x38;
	[tilespmem:$0x97F0] =	vst v63  }
0x2c: {  	_ =	swait.ge [sflag:s19], $0x800  }
0x2d: {  	[sflag:s19] =	ssyncset.done $0x0  }
0x2e: {  	[sflag:s19] =	ssyncadd.s32 $0xFFFFF800  }
0x2f: {  	[spmem:s10] =	stream.linear.scatter [tilespmem:s18], [sflag:$0x2], $0x800, $0x38;
	[tilespmem:$0x97F0] =	vst v63  }
0x30: {  	_ =	swait.ge [sflag:s19], $0x800  }
0x31: {  	[sflag:s19] =	ssyncset.done $0x0  }
0x32: {  	[sflag:s19] =	ssyncadd.s32 $0xFFFFF800  }
0x33: {  	[spmem:s11] =	stream.linear.scatter [tilespmem:s18], [sflag:$0x2], $0x800, $0x38;
	[tilespmem:$0x97F0] =	vst v63  }
0x34: {  	_ =	swait.ge [sflag:s19], $0x800  }
0x35: {  	[sflag:s19] =	ssyncset.done $0x0  }
0x36: {  	[sflag:s19] =	ssyncadd.s32 $0xFFFFF800  }
0x37: {  	s1 =	sadd.s32 $0x0, s12;
	[bflag:$0x0] =	sbarrier.arrive $0xFFFF  }
0x38: {  	[tilespmem:s20], [sflag:$0x2] =	stream.linear.gather [hbm4b:s1+s4], $0x80, $0x38;
	[tilespmem:$0x97F0] =	vst v63  }
0x39: {  	_ =	swait.ge [sflag:s19], $0x80  }
0x3a: {  	[sflag:s19] =	ssyncset.done $0x0  }
0x3b: {  	[sflag:s19] =	ssyncadd.s32 $0xFFFFFF80  }
0x3c: {  	[spmem:s3] =	stream.indirect.scatter.add.f32 [tilespmem:s22], [sflag:$0x2], $0x10, s20, s21, $0xb8;
	[tilespmem:$0x97F0] =	vst v63  }
0x3d: {  	_ =	swait.ge [sflag:s19], $0x7D0  }
0x3e: {  	s29 =	simm.s32 $0x10;
	s1 =	simm.s32 $0x20;
	[sflag:s19] =	ssyncset.done $0x0  }
.LBB2_6:
0x3f: {  	s30 =	sadd.s32 s29, s12  }
0x40: {  	[sflag:s19] =	ssyncadd.s32 $0xFFFFF830;
	s29 =	smov.u32 s1;
	s31 =	sadd.s32 $0x10, s1  }
0x41: {  	[tilespmem:s20], [sflag:$0x2] =	stream.linear.gather [hbm4b:s30+s4], $0x80, $0x38;
	[tilespmem:$0x97F0] =	vst v63  }
0x42: {  	p0 =	sne.s32 s1, $0x270;
	_ =	swait.ge [sflag:s19], $0x80  }
.Ltmp2:
0x43: {  	[sflag:s19] =	ssyncset.done $0x0;
	(pc) =	sbr.rel @p0 .LBB2_6-.Ltmp2, $4  }
0x44: {  	[sflag:s19] =	ssyncadd.s32 $0xFFFFFF80  }
0x45: {  	[spmem:s3] =	stream.indirect.scatter.add.f32 [tilespmem:s22], [sflag:$0x2], $0x10, s20, s21, $0xb8;
	[tilespmem:$0x97F0] =	vst v63  }
0x46: {  	_ =	swait.ge [sflag:s19], $0x7D0  }
0x47: {  	s1 =	smov.u32 s31;
	[sflag:s19] =	ssyncset.done $0x0  }
0x48: {  	s1 =	sadd.s32 s29, s12;
	[sflag:s19] =	ssyncadd.s32 $0xFFFFF830  }
0x49: {  	[tilespmem:s20], [sflag:$0x2] =	stream.linear.gather [hbm4b:s1+s4], $0x80, $0x38;
	[tilespmem:$0x97F0] =	vst v63  }
0x4a: {  	_ =	swait.ge [sflag:s19], $0x80  }
0x4b: {  	[sflag:s19] =	ssyncset.done $0x0  }
0x4c: {  	[sflag:s19] =	ssyncadd.s32 $0xFFFFFF80  }
0x4d: {  	[spmem:s3] =	stream.indirect.scatter.add.f32 [tilespmem:s22], [sflag:$0x2], $0x10, s20, s21, $0xb8;
	[tilespmem:$0x97F0] =	vst v63  }
0x4e: {  	_ =	swait.ge [sflag:s19], $0x7D0  }
0x4f: {  	[sflag:s19] =	ssyncset.done $0x0  }
0x50: {  	s0 =	stileid.u32;
	[sflag:s19] =	ssyncadd.s32 $0xFFFFF830  }
0x51: {  	s7 =	sshll.u32 s0, $0x6;
	[bflag:$0x0] =	sbarrier.arrive $0xFFFF  }
0x52: {  	s1 =	sor.u32 $0x1C02, s7;
	s8 =	rddreg [dreg:$0x4]  }
0x53: {  	[hbm:s8], [sflag:s1] =	dma.local [spmem:s23], $0x500  }
0x54: {  	_ =	swait.ge [sflag:s19], $0x500  }
0x55: {  	[sflag:s19] =	ssyncset.done $0x0  }
0x56: {  	s7 =	sadd.s32 $0x0, s17;
	[sflag:s19] =	ssyncadd.s32 $0xFFFFFB00  }
0x57: {  	[tilespmem:s4], [sflag:$0x2] =	stream.linear.gather [hbm4b:s7+s4], $0x50, $0x38;
	[tilespmem:$0x97F0] =	vst v63  }
0x58: {  	_ =	swait.ge [sflag:s19], $0x50  }
0x59: {  	[sflag:s19] =	ssyncset.done $0x0  }
0x5a: {  	[sflag:s19] =	ssyncadd.s32 $0xFFFFFFB0  }
0x5b: {  	[tilespmem:s25], [sflag:$0x1] =	stream.indirect.gather [hbm4b:s5+s24], $0x130, s4, s24, $0xb8;
	[tilespmem:$0x97F0] =	vst v63  }
0x5c: {  	_ =	swait.ge [sflag:s26], $0x5F00  }
0x5d: {  	[sflag:s26] =	ssyncset.done $0x0  }
0x5e: {  	[sflag:s26] =	ssyncadd.s32 $0xFFFFA100  }
0x5f: {  	[hbm4b:s14+s4] =	stream.linear.scatter [tilespmem:s25], [sflag:$0x2], $0x5F00, $0x38;
	[tilespmem:$0x97F0] =	vst v63  }
0x60: {  	_ =	swait.ge [sflag:s19], $0x5F00  }
0x61: {  	[sflag:s19] =	ssyncset.done $0x0  }
0x62: {  	s8 =	sadd.s32 $0x0, s16;
	[sflag:s19] =	ssyncadd.s32 $0xFFFFA100  }
0x63: {  	[tilespmem:s24], [sflag:$0x2] =	stream.linear.gather [hbm4b:s8+s4], $0x50, $0x38;
	[tilespmem:$0x97F0] =	vst v63  }
0x64: {  	_ =	swait.ge [sflag:s19], $0x50  }
0x65: {  	[sflag:s19] =	ssyncset.done $0x0  }
0x66: {  	[sflag:s19] =	ssyncadd.s32 $0xFFFFFFB0  }
0x67: {  	[tilespmem:s25], [sflag:$0x1] =	stream.indirect.gather [hbm4b:s2+s24], $0x130, s24, s24, $0xb8;
	[tilespmem:$0x97F0] =	vst v63  }
0x68: {  	_ =	swait.ge [sflag:s26], $0x5F00  }
0x69: {  	[sflag:s26] =	ssyncset.done $0x0  }
0x6a: {  	[sflag:s26] =	ssyncadd.s32 $0xFFFFA100  }
0x6b: {  	[hbm4b:s15+s4] =	stream.linear.scatter [tilespmem:s25], [sflag:$0x2], $0x5F00, $0x38;
	[tilespmem:$0x97F0] =	vst v63  }
0x6c: {  	s30 =	simm.s32 $0xA;
	s31 =	sadd.s32 $0xBE0, s14;
	_ =	swait.ge [sflag:s19], $0x5F00  }
0x6d: {  	s29 =	sadd.s32 $0xBE0, s15;
	s1 =	simm.s32 $0x14;
	[sflag:s19] =	ssyncset.done $0x0  }
.LBB2_8:
0x6e: {  	s0 =	sadd.s32 s30, s17  }
0x6f: {  	[sflag:s19] =	ssyncadd.s32 $0xFFFFA100;
	s7 =	smov.u32 s1;
	s8 =	sadd.s32 $0xA, s1  }
0x70: {  	[tilespmem:s4], [sflag:$0x2] =	stream.linear.gather [hbm4b:s0+s4], $0x50, $0x38;
	[tilespmem:$0x97F0] =	vst v63  }
0x71: {  	p0 =	sne.s32 s1, $0x1E;
	_ =	swait.ge [sflag:s19], $0x50  }
0x72: {  	[sflag:s19] =	ssyncset.done $0x0  }
0x73: {  	[sflag:s19] =	ssyncadd.s32 $0xFFFFFFB0  }
0x74: {  	[tilespmem:s25], [sflag:$0x1] =	stream.indirect.gather [hbm4b:s5+s24], $0x130, s4, s24, $0xb8;
	[tilespmem:$0x97F0] =	vst v63  }
0x75: {  	_ =	swait.ge [sflag:s26], $0x5F00  }
0x76: {  	[sflag:s26] =	ssyncset.done $0x0  }
0x77: {  	[sflag:s26] =	ssyncadd.s32 $0xFFFFA100  }
0x78: {  	[hbm4b:s31+s4] =	stream.linear.scatter [tilespmem:s25], [sflag:$0x2], $0x5F00, $0x38;
	[tilespmem:$0x97F0] =	vst v63  }
0x79: {  	_ =	swait.ge [sflag:s19], $0x5F00  }
0x7a: {  	[sflag:s19] =	ssyncset.done $0x0  }
0x7b: {  	s0 =	sadd.s32 s30, s16;
	s30 =	smov.u32 s7;
	[sflag:s19] =	ssyncadd.s32 $0xFFFFA100  }
0x7c: {  	[tilespmem:s24], [sflag:$0x2] =	stream.linear.gather [hbm4b:s0+s4], $0x50, $0x38;
	[tilespmem:$0x97F0] =	vst v63  }
0x7d: {  	_ =	swait.ge [sflag:s19], $0x50  }
0x7e: {  	[sflag:s19] =	ssyncset.done $0x0  }
0x7f: {  	[sflag:s19] =	ssyncadd.s32 $0xFFFFFFB0  }
0x80: {  	[tilespmem:s25], [sflag:$0x1] =	stream.indirect.gather [hbm4b:s2+s24], $0x130, s24, s24, $0xb8;
	[tilespmem:$0x97F0] =	vst v63  }
0x81: {  	_ =	swait.ge [sflag:s26], $0x5F00  }
.Ltmp3:
0x82: {  	[sflag:s26] =	ssyncset.done $0x0;
	(pc) =	sbr.rel @p0 .LBB2_8-.Ltmp3, $4  }
0x83: {  	[sflag:s26] =	ssyncadd.s32 $0xFFFFA100  }
0x84: {  	[hbm4b:s29+s4] =	stream.linear.scatter [tilespmem:s25], [sflag:$0x2], $0x5F00, $0x38;
	[tilespmem:$0x97F0] =	vst v63  }
0x85: {  	s1 =	smov.u32 s8;
	_ =	swait.ge [sflag:s19], $0x5F00  }
0x86: {  	s31 =	sadd.s32 $0xBE0, s31;
	s29 =	sadd.s32 $0xBE0, s29;
	[sflag:s19] =	ssyncset.done $0x0  }
0x87: {  	s0 =	sadd.s32 s30, s17;
	[sflag:s19] =	ssyncadd.s32 $0xFFFFA100  }
0x88: {  	[tilespmem:s4], [sflag:$0x2] =	stream.linear.gather [hbm4b:s0+s4], $0x50, $0x38;
	[tilespmem:$0x97F0] =	vst v63  }
0x89: {  	_ =	swait.ge [sflag:s19], $0x50  }
0x8a: {  	[sflag:s19] =	ssyncset.done $0x0  }
0x8b: {  	[sflag:s19] =	ssyncadd.s32 $0xFFFFFFB0  }
0x8c: {  	[tilespmem:s25], [sflag:$0x1] =	stream.indirect.gather [hbm4b:s5+s24], $0x130, s4, s24, $0xb8;
	[tilespmem:$0x97F0] =	vst v63  }
0x8d: {  	_ =	swait.ge [sflag:s26], $0x5F00  }
0x8e: {  	[sflag:s26] =	ssyncset.done $0x0  }
0x8f: {  	[sflag:s26] =	ssyncadd.s32 $0xFFFFA100  }
0x90: {  	[hbm4b:s31+s4] =	stream.linear.scatter [tilespmem:s25], [sflag:$0x2], $0x5F00, $0x38;
	[tilespmem:$0x97F0] =	vst v63  }
0x91: {  	_ =	swait.ge [sflag:s19], $0x5F00  }
0x92: {  	[sflag:s19] =	ssyncset.done $0x0  }
0x93: {  	s31 =	sadd.s32 s30, s16;
	[sflag:s19] =	ssyncadd.s32 $0xFFFFA100  }
0x94: {  	[tilespmem:s24], [sflag:$0x2] =	stream.linear.gather [hbm4b:s31+s4], $0x50, $0x38;
	[tilespmem:$0x97F0] =	vst v63  }
0x95: {  	_ =	swait.ge [sflag:s19], $0x50  }
0x96: {  	[sflag:s19] =	ssyncset.done $0x0  }
0x97: {  	[sflag:s19] =	ssyncadd.s32 $0xFFFFFFB0  }
0x98: {  	[tilespmem:s25], [sflag:$0x1] =	stream.indirect.gather [hbm4b:s2+s24], $0x130, s24, s24, $0xb8;
	[tilespmem:$0x97F0] =	vst v63  }
0x99: {  	s28 =	sadd.s32 $0x1, s28;
	_ =	swait.ge [sflag:s26], $0x5F00  }
0x9a: {  	p0 =	sne.s32 s28, s13;
	[sflag:s26] =	ssyncset.done $0x0  }
.Ltmp4:
0x9b: {  	[sflag:s26] =	ssyncadd.s32 $0xFFFFA100;
	(pc) =	sbr.rel @p0 .LBB2_1-.Ltmp4, $4  }
0x9c: {  	[hbm4b:s29+s4] =	stream.linear.scatter [tilespmem:s25], [sflag:$0x2], $0x5F00, $0x38;
	[tilespmem:$0x97F0] =	vst v63  }
0x9d: {  	_ =	swait.ge [sflag:s19], $0x5F00  }
0x9e: {  	[sflag:s19] =	ssyncset.done $0x0  }
0x9f: {  	[sflag:s19] =	ssyncadd.s32 $0xFFFFA100  }
0xa0: {  	_ =	sfence.sel $0x180000  }
0xa1: {  	[bflag:$0x0] =	sbarrier.arrive $0xFFFF  }
0xa2: {  	_ =	strace $0x90000047  }
0xa3: {  	s0 =	stileid.u32;
	[bflag:$0x2] =	sbarrier.arrive $0xFFFF  }
0xa4: {  	p0 =	sne.s32 s0, $0x0;
	s0 =	rddreg [dreg:$0x3]  }
0xa5: {  	s0 =	sadd.s32 @!p0 $0x100000, s0  }
0xa6: {  	[sflag:s0] =	ssyncadd.tile.s32 @!p0 $0x1;
	_ =	shalt  }
.Lfunc_end2:
_tile_overlayer_lowered:
.L_overlay_start_2:
0xa7: {  	(tag) =	ssettag $0x2  }
0xa8: {  	s0 =	rddreg [dreg:$0x0];
	s2 =	stileid.u32  }
0xa9: {  	s1 =	rddreg [dreg:$0x1];
	p0 =	sne.s32 s2, $0x0  }
0xaa: {  	s3 =	rddreg [dreg:$0x2];
	[bflag:$0x3] =	sbarrier.arrive $0xFFFF;
	s2 =	simm.s32 @!p0 $0x1C02  }
0xab: {  	[timem:s3], [sflag:s2] =	dma.local @!p0 [hbm:s0], s1  }
0xac: {  	s0 =	simm.s32 @!p0 $0x2  }
0xad: {  	_ =	swait.ge @!p0 [sflag:s0], s1  }
0xae: {  	s1 =	ssub.s32 @!p0 $0x0, s1;
	[sflag:s0] =	ssyncset.done @!p0 $0x0  }
0xaf: {  	[sflag:s0] =	ssyncadd.s32 @!p0 s1  }
0xb0: {  	[bflag:$0x3] =	sbarrier.arrive $0xFFFF  }
0xb1: {  	_ =	shalt  }

// kernel: kernel.14.cloned.1.call-start
scs
__scs_entry_jumppad:
0x0: {  	(pc) =	sbr.rel $0x88, $3  }
0x1: {  	(tag) =	ssettag $0x0;
	lr =	simm.s32 $0x1  }
0x2: {  	[smem:$0x3F9A] =	sst lr;
	_ =	strace $0xD0000000  }
0x3: {  	_ = 	snop  }
0x4: {  	_ = 	snop  }
0x5: {  	_ = 	snop  }
0x6: {  	_ = 	snop  }
0x7: {  	_ = 	snop  }
__scs_overlays_trampoline_lowered:
0x8: {  	[smem:$0x3FA9] =	sst s0  }
0x9: {  	[smem:$0x3FAA] =	sst s1  }
0xa: {  	[smem:$0x3FAB] =	sst s2  }
0xb: {  	[smem:$0x3FAC] =	sst s3  }
0xc: {  	[smem:$0x3FAD] =	sst s4  }
0xd: {  	[smem:$0x3FAE] =	sst s5  }
0xe: {  	[smem:$0x3FAF] =	sst s6  }
0xf: {  	[smem:$0x3FB0] =	sst s7  }
0x10: {  	[smem:$0x3FB1] =	sst s8  }
0x11: {  	[smem:$0x3FB2] =	sst s9;
	s0 =	simm.s32 @!p0 $0x0  }
0x12: {  	s1 =	sld [smem:$0x3F98];
	s0 =	simm.s32 @p0 $0x1  }
0x13: {  	[smem:$0x3FB3] =	sst s0;
	s0 =	simm.s32 @!p1 $0x0  }
0x14: {  	s2 =	sld [smem:$0x3F97];
	s0 =	simm.s32 @p1 $0x1  }
0x15: {  	[smem:$0x3FB4] =	sst s0;
	s0 =	simm.s32 @!p2 $0x0  }
0x16: {  	s3 =	sld [smem:$0x3FDB];
	s0 =	simm.s32 @p2 $0x1  }
0x17: {  	s4 =	simm.s32 $0x1BF5;
	[smem:$0x3FB6] =	sst s0  }
0x18: {  	s0 =	sld [smem:$0x3F99];
	_ =	swait.ge [sflag:s4], $0x0  }
0x19: {  	s7 =	sld [smem:$0x3F9A]  }
0x1a: {  	s8 =	sadd.s32 $0xFFFFE003, lr  }
0x1b: {  	s9 =	sadd.s32 $0xFFFFFEF7, lr;
	s5 =	simm.s32 $0xFFFFFFFF;
	p2 =	slt.u32 s8, $0xFFFFF086  }
0x1c: {  	p1 =	slt.u32 s9, $0xF7A;
	s5 =	simm.s32 @!p2 $0x0  }
0x1d: {  	s5 =	simm.s32 @p1 $0x1;
	p0 =	seq.s32 s7, s2  }
0x1e: {  	s7 =	smul.u32 @!p0 $0xF7A, s2;
	p2 =	seq.s32 @!p0 s5, $0x0  }
0x1f: {  	s9 =	smul.u32 $0xF7A, s1;
	s8 =	simm.s32 @!p0 $0x1BF5;
	p2 =	por !p2, p0  }
0x20: {  	[sflag:s8] =	ssyncset.s32 @!p0 $0xFFFFF086;
	s6 =	sadd.s32 @!p0 s3, s7;
	s7 =	simm.s32 @!p0 $0x108  }
0x21: {  	s3 =	sadd.s32 s3, s9;
	s6 =	sadd.s32 @!p0 $0x88, s6;
	s7 =	simm.s32 @p2 $0x1082  }
0x22: {  	[simem:s7], [sflag:s8] =	dma.local @!p0 [hbm:s6], $0xF7A  }
0x23: {  	s9 =	sor.u32 $0xD0000000, s2;
	s6 =	simm.s32 $0x108;
	_ =	swait.ge @!p0 [sflag:s8], $0x0  }
0x24: {  	s3 =	sadd.s32 $0x88, s3;
	s6 =	simm.s32 @!p1 $0x1082;
	[sflag:s4] =	ssyncset.s32 $0xFFFFF086  }
0x25: {  	[simem:s6], [sflag:s4] =	dma.local [hbm:s3], $0xF7A  }
0x26: {  	[smem:$0x3F9A] =	sst s1;
	(tag) =	ssettag s2;
	_ =	strace s9  }
0x27: {  	s1 =	sld [smem:$0x3FAA]  }
0x28: {  	s2 =	sld [smem:$0x3FAB]  }
0x29: {  	s4 =	sld [smem:$0x3FAD]  }
0x2a: {  	p0 =	seq.s32 s5, $0x0;
	s5 =	sld [smem:$0x3FAE]  }
0x2b: {  	s6 =	sld [smem:$0x3FAF]  }
0x2c: {  	s7 =	sld [smem:$0x3FB0]  }
0x2d: {  	s3 =	simm.s32 $0x108;
	s8 =	sld [smem:$0x3FB1]  }
0x2e: {  	s3 =	simm.s32 @!p0 $0x1082;
	s9 =	sld [smem:$0x3FB2]  }
0x2f: {  	lr =	sadd.s32 s0, s3;
	s0 =	sld [smem:$0x3FA9]  }
0x30: {  	s3 =	sld [smem:$0x3FAC]  }
0x31: {  	[smem:$0x3FB5] =	sst s10  }
0x32: {  	s10 =	sld [smem:$0x3FB3];
	_ =	sdelay $0x3  }
0x33: {  	p0 =	seq.s32 s10, $0x1;
	s10 =	sld [smem:$0x3FB5];
	_ =	sdelay $0x3  }
0x34: {  	[smem:$0x3FB5] =	sst s10  }
0x35: {  	s10 =	sld [smem:$0x3FB4];
	_ =	sdelay $0x3  }
0x36: {  	p1 =	seq.s32 s10, $0x1;
	s10 =	sld [smem:$0x3FB5];
	_ =	sdelay $0x3  }
0x37: {  	[smem:$0x3FB5] =	sst s10  }
0x38: {  	s10 =	sld [smem:$0x3FB6]  }
0x39: {  	_ = 	snop;
	(pc) =	sbr.ind lr, $3  }
0x3a: {  	_ = 	snop  }
0x3b: {  	_ = 	snop  }
0x3c: {  	p2 =	seq.s32 s10, $0x1;
	s10 =	sld [smem:$0x3FB5]  }
0x3d: {  	_ =	shalt  }
0x3e: {  	_ =	shalt  }
0x3f: {  	_ =	shalt  }
0x40: {  	_ =	shalt  }
0x41: {  	_ =	shalt  }
0x42: {  	_ =	shalt  }
0x43: {  	_ =	shalt  }
0x44: {  	_ =	shalt  }
0x45: {  	_ =	shalt  }
0x46: {  	_ =	shalt  }
0x47: {  	_ =	shalt  }
0x48: {  	_ =	shalt  }
0x49: {  	_ =	shalt  }
0x4a: {  	_ =	shalt  }
0x4b: {  	_ =	shalt  }
0x4c: {  	_ =	shalt  }
0x4d: {  	_ =	shalt  }
0x4e: {  	_ =	shalt  }
0x4f: {  	_ =	shalt  }
0x50: {  	_ =	shalt  }
0x51: {  	_ =	shalt  }
0x52: {  	_ =	shalt  }
0x53: {  	_ =	shalt  }
0x54: {  	_ =	shalt  }
0x55: {  	_ =	shalt  }
0x56: {  	_ =	shalt  }
0x57: {  	_ =	shalt  }
0x58: {  	_ =	shalt  }
0x59: {  	_ =	shalt  }
0x5a: {  	_ =	shalt  }
0x5b: {  	_ =	shalt  }
0x5c: {  	_ =	shalt  }
0x5d: {  	_ =	shalt  }
0x5e: {  	_ =	shalt  }
0x5f: {  	_ =	shalt  }
0x60: {  	_ =	shalt  }
0x61: {  	_ =	shalt  }
0x62: {  	_ =	shalt  }
0x63: {  	_ =	shalt  }
0x64: {  	_ =	shalt  }
0x65: {  	_ =	shalt  }
0x66: {  	_ =	shalt  }
0x67: {  	_ =	shalt  }
0x68: {  	_ =	shalt  }
0x69: {  	_ =	shalt  }
0x6a: {  	_ =	shalt  }
0x6b: {  	_ =	shalt  }
0x6c: {  	_ =	shalt  }
0x6d: {  	_ =	shalt  }
0x6e: {  	_ =	shalt  }
0x6f: {  	_ =	shalt  }
0x70: {  	_ =	shalt  }
0x71: {  	_ =	shalt  }
0x72: {  	_ =	shalt  }
0x73: {  	_ =	shalt  }
0x74: {  	_ =	shalt  }
0x75: {  	_ =	shalt  }
0x76: {  	_ =	shalt  }
0x77: {  	_ =	shalt  }
0x78: {  	_ =	shalt  }
0x79: {  	_ =	shalt  }
0x7a: {  	_ =	shalt  }
0x7b: {  	_ =	shalt  }
0x7c: {  	_ =	shalt  }
0x7d: {  	_ =	shalt  }
0x7e: {  	_ =	shalt  }
0x7f: {  	_ =	shalt  }
0x80: {  	_ =	shalt  }
0x81: {  	_ =	shalt  }
0x82: {  	_ =	shalt  }
0x83: {  	_ =	shalt  }
0x84: {  	_ =	shalt  }
0x85: {  	_ =	shalt  }
0x86: {  	_ =	shalt  }
0x87: {  	_ =	shalt  }
.Lfunc_end0:
.L_simem_size_0:
called_computation.1_lowered:
.L_overlay_start_0:
0x88: {  	s2 =	sld [smem:$0x3FD9]  }
0x89: {  	s3 =	sld [smem:$0x3FFE];
	_ =	sdelay $0x1  }
0x8a: {  	s1 =	srdreg.scid  }
0x8b: {  	s0 =	sand.u32 $0x1, s1  }
0x8c: {  	s16 =	sshll.u32 s0, $0xA;
	s2 =	sadd.s32 s3, s2  }
0x8d: {  	s2 =	sadd.s32 s2, s16  }
0x8e: {  	[smem:$0x3FC1] =	sst s2  }
0x8f: {  	_ = 	snop  }
0x90: {  	(tm) =	ssettm $0x1  }
0x91: {  	s17 =	sld [smem:$0x3FFB];
	_ =	sdelay $0x3  }
0x92: {  	_ =	strace s17  }
0x93: {  	s2 =	sld [smem:$0x3FFC];
	_ =	sdelay $0x3  }
0x94: {  	_ =	strace s2  }
0x95: {  	s2 =	sld [smem:$0x3FFD];
	_ =	sdelay $0x3  }
0x96: {  	_ =	strace s2  }
0x97: {  	_ =	strace $0x8FFFFFFF  }
0x98: {  	s18 =	sld [smem:$0x3FDB];
	_ =	sdelay $0x1  }
0x99: {  	s19 =	simm.s32 $_scs_section_size  }
0x9a: {  	s4 =	simm.s32 $_size__tile_overlayer_lowered;
	s5 =	simm.s32 $_tile_overlayer_lowered  }
0x9b: {  	s22 =	simm.s32 $0x1BFF;
	s21 =	sshll.u32 s5, $0x1;
	s2 =	sadd.s32 s19, s18  }
0x9c: {  	s6 =	simm.s32 $0x0;
	s20 =	sshll.u32 s4, $0x1;
	s4 =	sadd.s32 s21, s2  }
0x9d: {  	[timem:s6], [sflag:s22] =	dma.local [hbm:s4], s20  }
0x9e: {  	_ =	swait.ge [sflag:s22], s20  }
0x9f: {  	s3 =	ssub.s32 $0x0, s20;
	[sflag:s22] =	ssyncset.done $0x0  }
0xa0: {  	[sflag:s22] =	ssyncadd.s32 s3;
	_ =	sdelay $0x1  }
0xa1: {  	s23 =	simm.s32 $0x1B8B  }
0xa2: {  	_ =	swait.ge [sflag:s23], $0x1  }
0xa3: {  	[sflag:s23] =	ssyncset.done $0x0  }
0xa4: {  	s25 =	simm.s32 $0x1B8E;
	s24 =	sld [smem:$0x3FFE];
	[sflag:s23] =	ssyncadd.s32 $0xFFFFFFFF  }
0xa5: {  	s26 =	simm.s32 $execute0_lowered;
	[smem:$0x3FD2] =	sst s25  }
0xa6: {  	s4 =	sshll.u32 s26, $0x1;
	_ =	strace $0x80000049;
	[dreg:$0x1] =	wrdreg $0xFFFFFFFF  }
0xa7: {  	s28 =	simm.s32 $_size_execute0_lowered;
	s2 =	sadd.s32 s2, s4;
	[dreg:$0x0] =	wrdreg $0x0  }
0xa8: {  	s4 =	sshll.u32 s28, $0x1;
	[dreg:$0x2] =	wrdreg s2  }
0xa9: {  	[dreg:$0x3] =	wrdreg s4  }
0xaa: {  	[dreg:$0x4] =	wrdreg $0xC0  }
0xab: {  	_ =	task [dreg:s6], $0x5FFFF  }
0xac: {  	[dreg:$0x1] =	wrdreg $0xFFFFFFFF  }
0xad: {  	[dreg:$0x0] =	wrdreg $0x60  }
0xae: {  	[dreg:$0x2] =	wrdreg s24  }
0xaf: {  	[dreg:$0x3] =	wrdreg $0x4F200  }
0xb0: {  	[dreg:$0x4] =	wrdreg $0x9  }
0xb1: {  	_ =	task.clear_ibuf [dreg:s6], $0x5FFFF;
	_ =	strace $0x90000049  }
0xb2: {  	s29 =	simm.s32 $0x9;
	_ =	strace $0x8000004B  }
0xb3: {  	_ =	swait.ge [sflag:s29], $0x1  }
0xb4: {  	[sflag:s29] =	ssyncadd.s32 $0xFFFFFFFF  }
0xb5: {  	_ =	strace $0x9000004B  }
0xb6: {  	_ =	sfence  }
0xb7: {  	s30 =	sld [smem:$0x0];
	_ =	sdelay $0x2  }
0xb8: {  	s31 =	sshll.u32 s1, $0xD;
	s1 =	sshrl.u32 s1, $0x2  }
0xb9: {  	s3 =	sand.u32 $0x4000, s31;
	s1 =	sadd.s32 s1, s30  }
0xba: {  	s0 =	sor.u32 s3, s0;
	s1 =	sshll.u32 s1, $0x11  }
0xbb: {  	s0 =	sor.u32 s1, s0  }
0xbc: {  	s0 =	sadd.s32 $0x8F2B, s0  }
0xbd: {  	[sflag:s0] =	ssyncadd.remote.s32 $0x1  }
0xbe: {  	_ =	sfence.sel $0xFFFF  }
0xbf: {  	[dreg:$0x0] =	wrdreg $0xFFFFFFFF;
	(pc) =	sbr.abs _section_cstart, $3  }
0xc0: {  	[dreg:$0x1] =	wrdreg $0xFFFFFFFF  }
0xc1: {  	_ =	task.clear_ibuf [dreg:s6], $0x2FFFF;
	_ =	strace $0x9FFFFFFF  }
0xc2: {  	(tm) =	ssettm $0x7FFFFFFF  }
0xc3: {  	_ =	shalt  }
tec
execute0_lowered:
.L_overlay_start_1:
0x0: {  	(tag) =	ssettag $0x1  }
0x1: {  	s6 =	rddreg [dreg:$0x0]  }
0x2: {  	s0 =	srdreg.scid;
	s2 =	rddreg [dreg:$0x1]  }
0x3: {  	s1 =	rddreg [dreg:$0x2];
	s5 =	sand.u32 $0x1, s0  }
0x4: {  	s3 =	simm.s32 $0x0;
	s0 =	stileid.u32;
	s4 =	smul.u32 $0x28000, s5  }
0x5: {  	s15 =	simm.s32 $0x100;
	s16 =	simm.s32 $0x2;
	s7 =	smul.u32 $0x2800, s0  }
0x6: {  	s17 =	simm.s32 $0x7D;
	s18 =	simm.s32 $0x80;
	s8 =	smul.u32 $0x500, s0  }
0x7: {  	s19 =	simm.s32 $0x1;
	[smem:$0x7FF] =	sst s3;
	s9 =	smul.u32 $0x190000, s5  }
0x8: {  	s22 =	simm.s32 $0x0;
	s10 =	smul.u32 $0x19000, s0;
	_ =	strace $0x8000004A  }
0x9: {  	s11 =	smul.u32 $0x64000, s0;
	s29 =	ssub.s32 $0x2, s5;
	s20 =	sshll.u32 s0, $0x6  }
0xa: {  	s31 =	sshrl.u32 s29, $0x1;
	s20 =	sor.u32 $0x1C02, s20;
	s4 =	sadd.s32 s4, s7  }
0xb: {  	s14 =	sadd.s32 s8, s6;
	s28 =	sadd.s32 s10, s9;
	s30 =	sshrl.u32 s11, $0x2  }
0xc: {  	s8 =	ssub.s32 s29, s31;
	s21 =	sadd.s32 s10, s2;
	s7 =	sshrl.u32 s4, $0x3  }
0xd: {  	s4 =	sadd.s32 $0xB400, s6;
	s5 =	sadd.s32 s30, s2;
	s8 =	smax.u32 s8, $0x1  }
0xe: {  	s14 =	sadd.s32 $0x47DC00, s14;
	s21 =	sshrl.u32 s21, $0x3;
	s13 =	sadd.s32 s7, s6  }
0xf: {  	s7 =	sshrl.u32 s28, $0x3;
	s9 =	sadd.s32 $0x4E20, s5;
	s10 =	sadd.s32 $0x9C40, s5  }
0x10: {  	s11 =	sadd.s32 $0xEA60, s5;
	s12 =	sadd.s32 $0x13880, s5;
	s7 =	sadd.s32 s7, s6  }
0x11: {  	v0 =	vimm.f32 $0.0e+00;
	s6 =	sadd.s32 $0x186A0, s5;
	s13 =	sadd.s32 $0x1400, s13;
	s7 =	sadd.s32 $0x6F400, s7  }
.LBB2_1:
0x12: {  	s23 =	smul.u32 $0xCCCD, s3;
	_ =	sdelay $0x1  }
0x13: {  	s24 =	sshrl.u32 s23, $0x13  }
0x14: {  	s25 =	simm.s32 $0x0;
	s23 =	simm.s32 $0x1;
	s26 =	smul.u32 $0xA, s24  }
.LBB2_2:
0x15: {  	s28 =	smul.u32 $0xCCCD, s23  }
0x16: {  	s29 =	smov.u32 s23;
	s24 =	smul.u32 $0x280, s24;
	p0 =	sne.s32 s23, $0x4E1  }
.Ltmp0:
0x17: {  	s25 =	ssub.s32 s25, s26;
	(pc) =	sbr.rel @p0 .LBB2_2-.Ltmp0, $4  }
0x18: {  	s23 =	sadd.s32 $0x1, s23;
	s25 =	sand.u32 $0xFFFF, s25  }
0x19: {  	s26 =	sshrl.u32 s24, $0x2;
	s30 =	sshll.u32 s25, $0x4;
	s25 =	smov.u32 s29  }
0x1a: {  	s24 =	sshrl.u32 s28, $0x13;
	s28 =	sadd.s32 s30, s26  }
0x1b: {  	s26 =	smul.u32 $0xA, s24;
	[tilespmem:s28+$0x100] =	vst v0  }
0x1c: {  	_ = 	snop  }
0x1d: {  	s24 =	smul.u32 $0x280, s24;
	s23 =	ssub.s32 s25, s26  }
0x1e: {  	s23 =	sand.u32 $0xFFFF, s23  }
0x1f: {  	s24 =	sshrl.u32 s24, $0x2;
	s23 =	sshll.u32 s23, $0x4  }
0x20: {  	s23 =	sadd.s32 s23, s24  }
0x21: {  	[tilespmem:s23+$0x100] =	vst v0  }
0x22: {  	[spmem:s5] =	stream.linear.scatter [tilespmem:s15], [sflag:$0x2], $0x4E20, $0x38;
	[tilespmem:$0x1DF20] =	vst v63  }
0x23: {  	_ =	swait.ge [sflag:s16], $0x4E20  }
0x24: {  	[sflag:s16] =	ssyncset.done $0x0  }
0x25: {  	[sflag:s16] =	ssyncadd.s32 $0xFFFFB1E0  }
0x26: {  	[spmem:s9] =	stream.linear.scatter [tilespmem:s15], [sflag:$0x2], $0x4E20, $0x38;
	[tilespmem:$0x1DF20] =	vst v63  }
0x27: {  	_ =	swait.ge [sflag:s16], $0x4E20  }
0x28: {  	[sflag:s16] =	ssyncset.done $0x0  }
0x29: {  	[sflag:s16] =	ssyncadd.s32 $0xFFFFB1E0  }
0x2a: {  	[spmem:s10] =	stream.linear.scatter [tilespmem:s15], [sflag:$0x2], $0x4E20, $0x38;
	[tilespmem:$0x1DF20] =	vst v63  }
0x2b: {  	_ =	swait.ge [sflag:s16], $0x4E20  }
0x2c: {  	[sflag:s16] =	ssyncset.done $0x0  }
0x2d: {  	[sflag:s16] =	ssyncadd.s32 $0xFFFFB1E0  }
0x2e: {  	[spmem:s11] =	stream.linear.scatter [tilespmem:s15], [sflag:$0x2], $0x4E20, $0x38;
	[tilespmem:$0x1DF20] =	vst v63  }
0x2f: {  	_ =	swait.ge [sflag:s16], $0x4E20  }
0x30: {  	[sflag:s16] =	ssyncset.done $0x0  }
0x31: {  	[sflag:s16] =	ssyncadd.s32 $0xFFFFB1E0  }
0x32: {  	[spmem:s12] =	stream.linear.scatter [tilespmem:s15], [sflag:$0x2], $0x4E20, $0x38;
	[tilespmem:$0x1DF20] =	vst v63  }
0x33: {  	_ =	swait.ge [sflag:s16], $0x4E20  }
0x34: {  	[sflag:s16] =	ssyncset.done $0x0  }
0x35: {  	[sflag:s16] =	ssyncadd.s32 $0xFFFFB1E0  }
0x36: {  	[spmem:s6] =	stream.linear.scatter [tilespmem:s15], [sflag:$0x2], $0x960, $0x38;
	[tilespmem:$0x1DF20] =	vst v63  }
0x37: {  	_ =	swait.ge [sflag:s16], $0x960  }
0x38: {  	[sflag:s16] =	ssyncset.done $0x0  }
0x39: {  	[sflag:s16] =	ssyncadd.s32 $0xFFFFF6A0  }
0x3a: {  	s30 =	sadd.s32 $0x0, s13;
	[bflag:$0x0] =	sbarrier.arrive $0xFFFF  }
0x3b: {  	[tilespmem:s3], [sflag:$0x2] =	stream.linear.gather [hbm4b:s30+s3], $0x80, $0x38;
	[tilespmem:$0x1DF20] =	vst v63  }
0x3c: {  	_ =	swait.ge [sflag:s16], $0x80  }
0x3d: {  	[sflag:s16] =	ssyncset.done $0x0  }
0x3e: {  	[sflag:s16] =	ssyncadd.s32 $0xFFFFFF80  }
0x3f: {  	[tilespmem:s15], [sflag:$0x1] =	stream.indirect.gather [hbm4b:s4+s17], $0xA0, s3, s17, $0xb8;
	[tilespmem:$0x1DF20] =	vst v63  }
0x40: {  	s31 =	sadd.s32 $0x0, s14  }
0x41: {  	[tilespmem:s18], [sflag:$0x2] =	stream.linear.gather [hbm4b:s31+s3], $0x80, $0x38;
	[tilespmem:$0x1DF20] =	vst v63  }
0x42: {  	_ =	swait.ge [sflag:s16], $0x80  }
0x43: {  	[sflag:s16] =	ssyncset.done $0x0  }
0x44: {  	[sflag:s16] =	ssyncadd.s32 $0xFFFFFF80  }
0x45: {  	_ =	swait.ge [sflag:s19], $0x4E20  }
0x46: {  	[sflag:s19] =	ssyncset.done $0x0  }
0x47: {  	[sflag:s19] =	ssyncadd.s32 $0xFFFFB1E0  }
0x48: {  	[spmem:s2] =	stream.indirect.scatter.add.f32 [tilespmem:s15], [sflag:$0x2], $0xA0, s18, s17, $0xb8;
	[tilespmem:$0x1DF20] =	vst v63  }
0x49: {  	_ =	swait.ge [sflag:s16], $0x4E20  }
0x4a: {  	s24 =	simm.s32 $0x20;
	s23 =	simm.s32 $0x10;
	[sflag:s16] =	ssyncset.done $0x0  }
.LBB2_4:
0x4b: {  	s25 =	sadd.s32 s23, s13  }
0x4c: {  	[sflag:s16] =	ssyncadd.s32 $0xFFFFB1E0;
	s26 =	smov.u32 s24;
	s28 =	sadd.s32 $0x10, s24  }
0x4d: {  	[tilespmem:s3], [sflag:$0x2] =	stream.linear.gather [hbm4b:s25+s3], $0x80, $0x38;
	[tilespmem:$0x1DF20] =	vst v63  }
0x4e: {  	p0 =	sne.s32 s24, $0x4F0;
	_ =	swait.ge [sflag:s16], $0x80  }
0x4f: {  	[sflag:s16] =	ssyncset.done $0x0  }
0x50: {  	[sflag:s16] =	ssyncadd.s32 $0xFFFFFF80  }
0x51: {  	[tilespmem:s15], [sflag:$0x1] =	stream.indirect.gather [hbm4b:s4+s17], $0xA0, s3, s17, $0xb8;
	[tilespmem:$0x1DF20] =	vst v63  }
0x52: {  	s24 =	sadd.s32 s23, s14;
	s23 =	smov.u32 s26  }
0x53: {  	[tilespmem:s18], [sflag:$0x2] =	stream.linear.gather [hbm4b:s24+s3], $0x80, $0x38;
	[tilespmem:$0x1DF20] =	vst v63  }
0x54: {  	_ =	swait.ge [sflag:s16], $0x80  }
0x55: {  	[sflag:s16] =	ssyncset.done $0x0  }
0x56: {  	[sflag:s16] =	ssyncadd.s32 $0xFFFFFF80  }
0x57: {  	_ =	swait.ge [sflag:s19], $0x4E20  }
.Ltmp1:
0x58: {  	[sflag:s19] =	ssyncset.done $0x0;
	(pc) =	sbr.rel @p0 .LBB2_4-.Ltmp1, $4  }
0x59: {  	[sflag:s19] =	ssyncadd.s32 $0xFFFFB1E0  }
0x5a: {  	[spmem:s2] =	stream.indirect.scatter.add.f32 [tilespmem:s15], [sflag:$0x2], $0xA0, s18, s17, $0xb8;
	[tilespmem:$0x1DF20] =	vst v63  }
0x5b: {  	_ =	swait.ge [sflag:s16], $0x4E20  }
0x5c: {  	s24 =	smov.u32 s28;
	[sflag:s16] =	ssyncset.done $0x0  }
0x5d: {  	s24 =	sadd.s32 s23, s13;
	[sflag:s16] =	ssyncadd.s32 $0xFFFFB1E0  }
0x5e: {  	[tilespmem:s3], [sflag:$0x2] =	stream.linear.gather [hbm4b:s24+s3], $0x80, $0x38;
	[tilespmem:$0x1DF20] =	vst v63  }
0x5f: {  	_ =	swait.ge [sflag:s16], $0x80  }
0x60: {  	[sflag:s16] =	ssyncset.done $0x0  }
0x61: {  	[sflag:s16] =	ssyncadd.s32 $0xFFFFFF80  }
0x62: {  	[tilespmem:s15], [sflag:$0x1] =	stream.indirect.gather [hbm4b:s4+s17], $0xA0, s3, s17, $0xb8;
	[tilespmem:$0x1DF20] =	vst v63  }
0x63: {  	s31 =	sadd.s32 s23, s14  }
0x64: {  	[tilespmem:s18], [sflag:$0x2] =	stream.linear.gather [hbm4b:s31+s3], $0x80, $0x38;
	[tilespmem:$0x1DF20] =	vst v63  }
0x65: {  	_ =	swait.ge [sflag:s16], $0x80  }
0x66: {  	[sflag:s16] =	ssyncset.done $0x0  }
0x67: {  	[sflag:s16] =	ssyncadd.s32 $0xFFFFFF80  }
0x68: {  	_ =	swait.ge [sflag:s19], $0x4E20  }
0x69: {  	[sflag:s19] =	ssyncset.done $0x0  }
0x6a: {  	[sflag:s19] =	ssyncadd.s32 $0xFFFFB1E0  }
0x6b: {  	[spmem:s2] =	stream.indirect.scatter.add.f32 [tilespmem:s15], [sflag:$0x2], $0xA0, s18, s17, $0xb8;
	[tilespmem:$0x1DF20] =	vst v63  }
0x6c: {  	_ =	swait.ge [sflag:s16], $0x4E20  }
0x6d: {  	s22 =	sadd.s32 $0x1, s22;
	[sflag:s16] =	ssyncset.done $0x0  }
0x6e: {  	p0 =	sne.s32 s22, s8;
	[sflag:s16] =	ssyncadd.s32 $0xFFFFB1E0  }
.Ltmp2:
0x6f: {  	[bflag:$0x0] =	sbarrier.arrive $0xFFFF;
	(pc) =	sbr.rel @p0 .LBB2_1-.Ltmp2, $4  }
0x70: {  	[hbm:s7], [sflag:s20] =	dma.local [spmem:s21], $0x3200  }
0x71: {  	_ =	swait.ge [sflag:s16], $0x3200  }
0x72: {  	[sflag:s16] =	ssyncset.done $0x0  }
0x73: {  	[sflag:s16] =	ssyncadd.s32 $0xFFFFCE00  }
0x74: {  	_ =	sfence.sel $0x180000  }
0x75: {  	[bflag:$0x0] =	sbarrier.arrive $0xFFFF  }
0x76: {  	p0 =	sne.s32 s0, $0x0;
	_ =	strace $0x9000004A  }
0x77: {  	s0 =	sadd.s32 @!p0 $0x100000, s1;
	[bflag:$0x2] =	sbarrier.arrive $0xFFFF  }
0x78: {  	[sflag:s0] =	ssyncadd.tile.s32 @!p0 $0x1;
	_ =	shalt  }
.Lfunc_end2:
_tile_overlayer_lowered:
.L_overlay_start_2:
0x79: {  	(tag) =	ssettag $0x2  }
0x7a: {  	s0 =	rddreg [dreg:$0x0];
	s2 =	stileid.u32  }
0x7b: {  	s1 =	rddreg [dreg:$0x1];
	p0 =	sne.s32 s2, $0x0  }
0x7c: {  	s3 =	rddreg [dreg:$0x2];
	[bflag:$0x3] =	sbarrier.arrive $0xFFFF;
	s2 =	simm.s32 @!p0 $0x1C02  }
0x7d: {  	[timem:s3], [sflag:s2] =	dma.local @!p0 [hbm:s0], s1  }
0x7e: {  	s0 =	simm.s32 @!p0 $0x2  }
0x7f: {  	_ =	swait.ge @!p0 [sflag:s0], s1  }
0x80: {  	s1 =	ssub.s32 @!p0 $0x0, s1;
	[sflag:s0] =	ssyncset.done @!p0 $0x0  }
0x81: {  	[sflag:s0] =	ssyncadd.s32 @!p0 s1  }
0x82: {  	[bflag:$0x3] =	sbarrier.arrive $0xFFFF  }
0x83: {  	_ =	shalt  }

// kernel: kernel.17.cloned.1.call-start
scs
__scs_entry_jumppad:
0x0: {  	(pc) =	sbr.rel $0x88, $3  }
0x1: {  	(tag) =	ssettag $0x0;
	lr =	simm.s32 $0x1  }
0x2: {  	[smem:$0x3F9A] =	sst lr;
	_ =	strace $0xD0000000  }
0x3: {  	_ = 	snop  }
0x4: {  	_ = 	snop  }
0x5: {  	_ = 	snop  }
0x6: {  	_ = 	snop  }
0x7: {  	_ = 	snop  }
__scs_overlays_trampoline_lowered:
0x8: {  	[smem:$0x3FA9] =	sst s0  }
0x9: {  	[smem:$0x3FAA] =	sst s1  }
0xa: {  	[smem:$0x3FAB] =	sst s2  }
0xb: {  	[smem:$0x3FAC] =	sst s3  }
0xc: {  	[smem:$0x3FAD] =	sst s4  }
0xd: {  	[smem:$0x3FAE] =	sst s5  }
0xe: {  	[smem:$0x3FAF] =	sst s6  }
0xf: {  	[smem:$0x3FB0] =	sst s7  }
0x10: {  	[smem:$0x3FB1] =	sst s8  }
0x11: {  	[smem:$0x3FB2] =	sst s9;
	s0 =	simm.s32 @!p0 $0x0  }
0x12: {  	s1 =	sld [smem:$0x3F98];
	s0 =	simm.s32 @p0 $0x1  }
0x13: {  	[smem:$0x3FB3] =	sst s0;
	s0 =	simm.s32 @!p1 $0x0  }
0x14: {  	s2 =	sld [smem:$0x3F97];
	s0 =	simm.s32 @p1 $0x1  }
0x15: {  	[smem:$0x3FB4] =	sst s0;
	s0 =	simm.s32 @!p2 $0x0  }
0x16: {  	s3 =	sld [smem:$0x3FDB];
	s0 =	simm.s32 @p2 $0x1  }
0x17: {  	s4 =	simm.s32 $0x1BF5;
	[smem:$0x3FB6] =	sst s0  }
0x18: {  	s0 =	sld [smem:$0x3F99];
	_ =	swait.ge [sflag:s4], $0x0  }
0x19: {  	s7 =	sld [smem:$0x3F9A]  }
0x1a: {  	s8 =	sadd.s32 $0xFFFFE003, lr  }
0x1b: {  	s9 =	sadd.s32 $0xFFFFFEF7, lr;
	s5 =	simm.s32 $0xFFFFFFFF;
	p2 =	slt.u32 s8, $0xFFFFF086  }
0x1c: {  	p1 =	slt.u32 s9, $0xF7A;
	s5 =	simm.s32 @!p2 $0x0  }
0x1d: {  	s5 =	simm.s32 @p1 $0x1;
	p0 =	seq.s32 s7, s2  }
0x1e: {  	s7 =	smul.u32 @!p0 $0xF7A, s2;
	p2 =	seq.s32 @!p0 s5, $0x0  }
0x1f: {  	s9 =	smul.u32 $0xF7A, s1;
	s8 =	simm.s32 @!p0 $0x1BF5;
	p2 =	por !p2, p0  }
0x20: {  	[sflag:s8] =	ssyncset.s32 @!p0 $0xFFFFF086;
	s6 =	sadd.s32 @!p0 s3, s7;
	s7 =	simm.s32 @!p0 $0x108  }
0x21: {  	s3 =	sadd.s32 s3, s9;
	s6 =	sadd.s32 @!p0 $0x88, s6;
	s7 =	simm.s32 @p2 $0x1082  }
0x22: {  	[simem:s7], [sflag:s8] =	dma.local @!p0 [hbm:s6], $0xF7A  }
0x23: {  	s9 =	sor.u32 $0xD0000000, s2;
	s6 =	simm.s32 $0x108;
	_ =	swait.ge @!p0 [sflag:s8], $0x0  }
0x24: {  	s3 =	sadd.s32 $0x88, s3;
	s6 =	simm.s32 @!p1 $0x1082;
	[sflag:s4] =	ssyncset.s32 $0xFFFFF086  }
0x25: {  	[simem:s6], [sflag:s4] =	dma.local [hbm:s3], $0xF7A  }
0x26: {  	[smem:$0x3F9A] =	sst s1;
	(tag) =	ssettag s2;
	_ =	strace s9  }
0x27: {  	s1 =	sld [smem:$0x3FAA]  }
0x28: {  	s2 =	sld [smem:$0x3FAB]  }
0x29: {  	s4 =	sld [smem:$0x3FAD]  }
0x2a: {  	p0 =	seq.s32 s5, $0x0;
	s5 =	sld [smem:$0x3FAE]  }
0x2b: {  	s6 =	sld [smem:$0x3FAF]  }
0x2c: {  	s7 =	sld [smem:$0x3FB0]  }
0x2d: {  	s3 =	simm.s32 $0x108;
	s8 =	sld [smem:$0x3FB1]  }
0x2e: {  	s3 =	simm.s32 @!p0 $0x1082;
	s9 =	sld [smem:$0x3FB2]  }
0x2f: {  	lr =	sadd.s32 s0, s3;
	s0 =	sld [smem:$0x3FA9]  }
0x30: {  	s3 =	sld [smem:$0x3FAC]  }
0x31: {  	[smem:$0x3FB5] =	sst s10  }
0x32: {  	s10 =	sld [smem:$0x3FB3];
	_ =	sdelay $0x3  }
0x33: {  	p0 =	seq.s32 s10, $0x1;
	s10 =	sld [smem:$0x3FB5];
	_ =	sdelay $0x3  }
0x34: {  	[smem:$0x3FB5] =	sst s10  }
0x35: {  	s10 =	sld [smem:$0x3FB4];
	_ =	sdelay $0x3  }
0x36: {  	p1 =	seq.s32 s10, $0x1;
	s10 =	sld [smem:$0x3FB5];
	_ =	sdelay $0x3  }
0x37: {  	[smem:$0x3FB5] =	sst s10  }
0x38: {  	s10 =	sld [smem:$0x3FB6]  }
0x39: {  	_ = 	snop;
	(pc) =	sbr.ind lr, $3  }
0x3a: {  	_ = 	snop  }
0x3b: {  	_ = 	snop  }
0x3c: {  	p2 =	seq.s32 s10, $0x1;
	s10 =	sld [smem:$0x3FB5]  }
0x3d: {  	_ =	shalt  }
0x3e: {  	_ =	shalt  }
0x3f: {  	_ =	shalt  }
0x40: {  	_ =	shalt  }
0x41: {  	_ =	shalt  }
0x42: {  	_ =	shalt  }
0x43: {  	_ =	shalt  }
0x44: {  	_ =	shalt  }
0x45: {  	_ =	shalt  }
0x46: {  	_ =	shalt  }
0x47: {  	_ =	shalt  }
0x48: {  	_ =	shalt  }
0x49: {  	_ =	shalt  }
0x4a: {  	_ =	shalt  }
0x4b: {  	_ =	shalt  }
0x4c: {  	_ =	shalt  }
0x4d: {  	_ =	shalt  }
0x4e: {  	_ =	shalt  }
0x4f: {  	_ =	shalt  }
0x50: {  	_ =	shalt  }
0x51: {  	_ =	shalt  }
0x52: {  	_ =	shalt  }
0x53: {  	_ =	shalt  }
0x54: {  	_ =	shalt  }
0x55: {  	_ =	shalt  }
0x56: {  	_ =	shalt  }
0x57: {  	_ =	shalt  }
0x58: {  	_ =	shalt  }
0x59: {  	_ =	shalt  }
0x5a: {  	_ =	shalt  }
0x5b: {  	_ =	shalt  }
0x5c: {  	_ =	shalt  }
0x5d: {  	_ =	shalt  }
0x5e: {  	_ =	shalt  }
0x5f: {  	_ =	shalt  }
0x60: {  	_ =	shalt  }
0x61: {  	_ =	shalt  }
0x62: {  	_ =	shalt  }
0x63: {  	_ =	shalt  }
0x64: {  	_ =	shalt  }
0x65: {  	_ =	shalt  }
0x66: {  	_ =	shalt  }
0x67: {  	_ =	shalt  }
0x68: {  	_ =	shalt  }
0x69: {  	_ =	shalt  }
0x6a: {  	_ =	shalt  }
0x6b: {  	_ =	shalt  }
0x6c: {  	_ =	shalt  }
0x6d: {  	_ =	shalt  }
0x6e: {  	_ =	shalt  }
0x6f: {  	_ =	shalt  }
0x70: {  	_ =	shalt  }
0x71: {  	_ =	shalt  }
0x72: {  	_ =	shalt  }
0x73: {  	_ =	shalt  }
0x74: {  	_ =	shalt  }
0x75: {  	_ =	shalt  }
0x76: {  	_ =	shalt  }
0x77: {  	_ =	shalt  }
0x78: {  	_ =	shalt  }
0x79: {  	_ =	shalt  }
0x7a: {  	_ =	shalt  }
0x7b: {  	_ =	shalt  }
0x7c: {  	_ =	shalt  }
0x7d: {  	_ =	shalt  }
0x7e: {  	_ =	shalt  }
0x7f: {  	_ =	shalt  }
0x80: {  	_ =	shalt  }
0x81: {  	_ =	shalt  }
0x82: {  	_ =	shalt  }
0x83: {  	_ =	shalt  }
0x84: {  	_ =	shalt  }
0x85: {  	_ =	shalt  }
0x86: {  	_ =	shalt  }
0x87: {  	_ =	shalt  }
.Lfunc_end0:
.L_simem_size_0:
called_computation.2_lowered:
.L_overlay_start_0:
0x88: {  	s2 =	sld [smem:$0x3FD9]  }
0x89: {  	s3 =	sld [smem:$0x3FFE];
	_ =	sdelay $0x1  }
0x8a: {  	s1 =	srdreg.scid  }
0x8b: {  	s0 =	sand.u32 $0x1, s1  }
0x8c: {  	s16 =	sshll.u32 s0, $0xA;
	s2 =	sadd.s32 s3, s2  }
0x8d: {  	s2 =	sadd.s32 s2, s16  }
0x8e: {  	[smem:$0x3FC1] =	sst s2  }
0x8f: {  	_ = 	snop  }
0x90: {  	(tm) =	ssettm $0x1  }
0x91: {  	s17 =	sld [smem:$0x3FFB];
	_ =	sdelay $0x3  }
0x92: {  	_ =	strace s17  }
0x93: {  	s2 =	sld [smem:$0x3FFC];
	_ =	sdelay $0x3  }
0x94: {  	_ =	strace s2  }
0x95: {  	s2 =	sld [smem:$0x3FFD];
	_ =	sdelay $0x3  }
0x96: {  	_ =	strace s2  }
0x97: {  	_ =	strace $0x8FFFFFFF  }
0x98: {  	s18 =	sld [smem:$0x3FDB];
	_ =	sdelay $0x1  }
0x99: {  	s19 =	simm.s32 $_scs_section_size  }
0x9a: {  	s4 =	simm.s32 $_size__tile_overlayer_lowered;
	s5 =	simm.s32 $_tile_overlayer_lowered  }
0x9b: {  	s22 =	simm.s32 $0x1BFF;
	s21 =	sshll.u32 s5, $0x1;
	s2 =	sadd.s32 s19, s18  }
0x9c: {  	s6 =	simm.s32 $0x0;
	s20 =	sshll.u32 s4, $0x1;
	s4 =	sadd.s32 s21, s2  }
0x9d: {  	[timem:s6], [sflag:s22] =	dma.local [hbm:s4], s20  }
0x9e: {  	_ =	swait.ge [sflag:s22], s20  }
0x9f: {  	s3 =	ssub.s32 $0x0, s20;
	[sflag:s22] =	ssyncset.done $0x0  }
0xa0: {  	[sflag:s22] =	ssyncadd.s32 s3;
	_ =	sdelay $0x1  }
0xa1: {  	s23 =	simm.s32 $0x1B8B  }
0xa2: {  	_ =	swait.ge [sflag:s23], $0x1  }
0xa3: {  	[sflag:s23] =	ssyncset.done $0x0  }
0xa4: {  	s25 =	simm.s32 $0x1B8E;
	s24 =	sld [smem:$0x3FFE];
	[sflag:s23] =	ssyncadd.s32 $0xFFFFFFFF  }
0xa5: {  	s26 =	simm.s32 $execute0_lowered;
	[smem:$0x3FD2] =	sst s25  }
0xa6: {  	s4 =	sshll.u32 s26, $0x1;
	_ =	strace $0x8000004C;
	[dreg:$0x1] =	wrdreg $0xFFFFFFFF  }
0xa7: {  	s28 =	simm.s32 $_size_execute0_lowered;
	s2 =	sadd.s32 s2, s4;
	[dreg:$0x0] =	wrdreg $0x0  }
0xa8: {  	s4 =	sshll.u32 s28, $0x1;
	[dreg:$0x2] =	wrdreg s2  }
0xa9: {  	[dreg:$0x3] =	wrdreg s4  }
0xaa: {  	[dreg:$0x4] =	wrdreg $0xC0  }
0xab: {  	_ =	task [dreg:s6], $0x5FFFF  }
0xac: {  	[dreg:$0x1] =	wrdreg $0xFFFFFFFF  }
0xad: {  	[dreg:$0x0] =	wrdreg $0x60  }
0xae: {  	[dreg:$0x2] =	wrdreg s24  }
0xaf: {  	[dreg:$0x3] =	wrdreg $0x4F200  }
0xb0: {  	[dreg:$0x4] =	wrdreg $0x9  }
0xb1: {  	_ =	task.clear_ibuf [dreg:s6], $0x5FFFF;
	_ =	strace $0x9000004C  }
0xb2: {  	s29 =	simm.s32 $0x9;
	_ =	strace $0x8000004E  }
0xb3: {  	_ =	swait.ge [sflag:s29], $0x1  }
0xb4: {  	[sflag:s29] =	ssyncadd.s32 $0xFFFFFFFF  }
0xb5: {  	_ =	strace $0x9000004E  }
0xb6: {  	_ =	sfence  }
0xb7: {  	s30 =	sld [smem:$0x0];
	_ =	sdelay $0x2  }
0xb8: {  	s31 =	sshll.u32 s1, $0xD;
	s1 =	sshrl.u32 s1, $0x2  }
0xb9: {  	s3 =	sand.u32 $0x4000, s31;
	s1 =	sadd.s32 s1, s30  }
0xba: {  	s0 =	sor.u32 s3, s0;
	s1 =	sshll.u32 s1, $0x11  }
0xbb: {  	s0 =	sor.u32 s1, s0  }
0xbc: {  	s0 =	sadd.s32 $0x8F2B, s0  }
0xbd: {  	[sflag:s0] =	ssyncadd.remote.s32 $0x1  }
0xbe: {  	_ =	sfence.sel $0xFFFF  }
0xbf: {  	[dreg:$0x0] =	wrdreg $0xFFFFFFFF;
	(pc) =	sbr.abs _section_cstart, $3  }
0xc0: {  	[dreg:$0x1] =	wrdreg $0xFFFFFFFF  }
0xc1: {  	_ =	task.clear_ibuf [dreg:s6], $0x2FFFF;
	_ =	strace $0x9FFFFFFF  }
0xc2: {  	(tm) =	ssettm $0x7FFFFFFF  }
0xc3: {  	_ =	shalt  }
tec
execute0_lowered:
.L_overlay_start_1:
0x0: {  	(tag) =	ssettag $0x1  }
0x1: {  	s6 =	rddreg [dreg:$0x0]  }
0x2: {  	s0 =	srdreg.scid;
	s2 =	rddreg [dreg:$0x1]  }
0x3: {  	s1 =	rddreg [dreg:$0x2];
	s5 =	sand.u32 $0x1, s0  }
0x4: {  	s3 =	simm.s32 $0x0;
	s0 =	stileid.u32;
	s4 =	smul.u32 $0x28000, s5  }
0x5: {  	s15 =	simm.s32 $0x100;
	s16 =	simm.s32 $0x2;
	s7 =	smul.u32 $0x2800, s0  }
0x6: {  	s17 =	simm.s32 $0x7D;
	s18 =	simm.s32 $0x80;
	s8 =	smul.u32 $0x500, s0  }
0x7: {  	s19 =	simm.s32 $0x1;
	[smem:$0x7FF] =	sst s3;
	s9 =	smul.u32 $0x190000, s5  }
0x8: {  	s22 =	simm.s32 $0x0;
	s10 =	smul.u32 $0x19000, s0;
	_ =	strace $0x8000004D  }
0x9: {  	s11 =	smul.u32 $0x64000, s0;
	s29 =	ssub.s32 $0x2, s5;
	s20 =	sshll.u32 s0, $0x6  }
0xa: {  	s31 =	sshrl.u32 s29, $0x1;
	s20 =	sor.u32 $0x1C02, s20;
	s4 =	sadd.s32 s4, s7  }
0xb: {  	s14 =	sadd.s32 s8, s6;
	s28 =	sadd.s32 s10, s9;
	s30 =	sshrl.u32 s11, $0x2  }
0xc: {  	s8 =	ssub.s32 s29, s31;
	s21 =	sadd.s32 s10, s2;
	s7 =	sshrl.u32 s4, $0x3  }
0xd: {  	s4 =	sadd.s32 $0xAB400, s6;
	s5 =	sadd.s32 s30, s2;
	s8 =	smax.u32 s8, $0x1  }
0xe: {  	s14 =	sadd.s32 $0x47DC00, s14;
	s21 =	sshrl.u32 s21, $0x3;
	s13 =	sadd.s32 s7, s6  }
0xf: {  	s7 =	sshrl.u32 s28, $0x3;
	s9 =	sadd.s32 $0x4E20, s5;
	s10 =	sadd.s32 $0x9C40, s5  }
0x10: {  	s11 =	sadd.s32 $0xEA60, s5;
	s12 =	sadd.s32 $0x13880, s5;
	s7 =	sadd.s32 s7, s6  }
0x11: {  	v0 =	vimm.f32 $0.0e+00;
	s6 =	sadd.s32 $0x186A0, s5;
	s13 =	sadd.s32 $0x1400, s13;
	s7 =	sadd.s32 $0xB400, s7  }
.LBB2_1:
0x12: {  	s23 =	smul.u32 $0xCCCD, s3;
	_ =	sdelay $0x1  }
0x13: {  	s24 =	sshrl.u32 s23, $0x13  }
0x14: {  	s25 =	simm.s32 $0x0;
	s23 =	simm.s32 $0x1;
	s26 =	smul.u32 $0xA, s24  }
.LBB2_2:
0x15: {  	s28 =	smul.u32 $0xCCCD, s23  }
0x16: {  	s29 =	smov.u32 s23;
	s24 =	smul.u32 $0x280, s24;
	p0 =	sne.s32 s23, $0x4E1  }
.Ltmp0:
0x17: {  	s25 =	ssub.s32 s25, s26;
	(pc) =	sbr.rel @p0 .LBB2_2-.Ltmp0, $4  }
0x18: {  	s23 =	sadd.s32 $0x1, s23;
	s25 =	sand.u32 $0xFFFF, s25  }
0x19: {  	s26 =	sshrl.u32 s24, $0x2;
	s30 =	sshll.u32 s25, $0x4;
	s25 =	smov.u32 s29  }
0x1a: {  	s24 =	sshrl.u32 s28, $0x13;
	s28 =	sadd.s32 s30, s26  }
0x1b: {  	s26 =	smul.u32 $0xA, s24;
	[tilespmem:s28+$0x100] =	vst v0  }
0x1c: {  	_ = 	snop  }
0x1d: {  	s24 =	smul.u32 $0x280, s24;
	s23 =	ssub.s32 s25, s26  }
0x1e: {  	s23 =	sand.u32 $0xFFFF, s23  }
0x1f: {  	s24 =	sshrl.u32 s24, $0x2;
	s23 =	sshll.u32 s23, $0x4  }
0x20: {  	s23 =	sadd.s32 s23, s24  }
0x21: {  	[tilespmem:s23+$0x100] =	vst v0  }
0x22: {  	[spmem:s5] =	stream.linear.scatter [tilespmem:s15], [sflag:$0x2], $0x4E20, $0x38;
	[tilespmem:$0x1DF20] =	vst v63  }
0x23: {  	_ =	swait.ge [sflag:s16], $0x4E20  }
0x24: {  	[sflag:s16] =	ssyncset.done $0x0  }
0x25: {  	[sflag:s16] =	ssyncadd.s32 $0xFFFFB1E0  }
0x26: {  	[spmem:s9] =	stream.linear.scatter [tilespmem:s15], [sflag:$0x2], $0x4E20, $0x38;
	[tilespmem:$0x1DF20] =	vst v63  }
0x27: {  	_ =	swait.ge [sflag:s16], $0x4E20  }
0x28: {  	[sflag:s16] =	ssyncset.done $0x0  }
0x29: {  	[sflag:s16] =	ssyncadd.s32 $0xFFFFB1E0  }
0x2a: {  	[spmem:s10] =	stream.linear.scatter [tilespmem:s15], [sflag:$0x2], $0x4E20, $0x38;
	[tilespmem:$0x1DF20] =	vst v63  }
0x2b: {  	_ =	swait.ge [sflag:s16], $0x4E20  }
0x2c: {  	[sflag:s16] =	ssyncset.done $0x0  }
0x2d: {  	[sflag:s16] =	ssyncadd.s32 $0xFFFFB1E0  }
0x2e: {  	[spmem:s11] =	stream.linear.scatter [tilespmem:s15], [sflag:$0x2], $0x4E20, $0x38;
	[tilespmem:$0x1DF20] =	vst v63  }
0x2f: {  	_ =	swait.ge [sflag:s16], $0x4E20  }
0x30: {  	[sflag:s16] =	ssyncset.done $0x0  }
0x31: {  	[sflag:s16] =	ssyncadd.s32 $0xFFFFB1E0  }
0x32: {  	[spmem:s12] =	stream.linear.scatter [tilespmem:s15], [sflag:$0x2], $0x4E20, $0x38;
	[tilespmem:$0x1DF20] =	vst v63  }
0x33: {  	_ =	swait.ge [sflag:s16], $0x4E20  }
0x34: {  	[sflag:s16] =	ssyncset.done $0x0  }
0x35: {  	[sflag:s16] =	ssyncadd.s32 $0xFFFFB1E0  }
0x36: {  	[spmem:s6] =	stream.linear.scatter [tilespmem:s15], [sflag:$0x2], $0x960, $0x38;
	[tilespmem:$0x1DF20] =	vst v63  }
0x37: {  	_ =	swait.ge [sflag:s16], $0x960  }
0x38: {  	[sflag:s16] =	ssyncset.done $0x0  }
0x39: {  	[sflag:s16] =	ssyncadd.s32 $0xFFFFF6A0  }
0x3a: {  	s30 =	sadd.s32 $0x0, s13;
	[bflag:$0x0] =	sbarrier.arrive $0xFFFF  }
0x3b: {  	[tilespmem:s3], [sflag:$0x2] =	stream.linear.gather [hbm4b:s30+s3], $0x80, $0x38;
	[tilespmem:$0x1DF20] =	vst v63  }
0x3c: {  	_ =	swait.ge [sflag:s16], $0x80  }
0x3d: {  	[sflag:s16] =	ssyncset.done $0x0  }
0x3e: {  	[sflag:s16] =	ssyncadd.s32 $0xFFFFFF80  }
0x3f: {  	[tilespmem:s15], [sflag:$0x1] =	stream.indirect.gather [hbm4b:s4+s17], $0xA0, s3, s17, $0xb8;
	[tilespmem:$0x1DF20] =	vst v63  }
0x40: {  	s31 =	sadd.s32 $0x0, s14  }
0x41: {  	[tilespmem:s18], [sflag:$0x2] =	stream.linear.gather [hbm4b:s31+s3], $0x80, $0x38;
	[tilespmem:$0x1DF20] =	vst v63  }
0x42: {  	_ =	swait.ge [sflag:s16], $0x80  }
0x43: {  	[sflag:s16] =	ssyncset.done $0x0  }
0x44: {  	[sflag:s16] =	ssyncadd.s32 $0xFFFFFF80  }
0x45: {  	_ =	swait.ge [sflag:s19], $0x4E20  }
0x46: {  	[sflag:s19] =	ssyncset.done $0x0  }
0x47: {  	[sflag:s19] =	ssyncadd.s32 $0xFFFFB1E0  }
0x48: {  	[spmem:s2] =	stream.indirect.scatter.add.f32 [tilespmem:s15], [sflag:$0x2], $0xA0, s18, s17, $0xb8;
	[tilespmem:$0x1DF20] =	vst v63  }
0x49: {  	_ =	swait.ge [sflag:s16], $0x4E20  }
0x4a: {  	s24 =	simm.s32 $0x20;
	s23 =	simm.s32 $0x10;
	[sflag:s16] =	ssyncset.done $0x0  }
.LBB2_4:
0x4b: {  	s25 =	sadd.s32 s23, s13  }
0x4c: {  	[sflag:s16] =	ssyncadd.s32 $0xFFFFB1E0;
	s26 =	smov.u32 s24;
	s28 =	sadd.s32 $0x10, s24  }
0x4d: {  	[tilespmem:s3], [sflag:$0x2] =	stream.linear.gather [hbm4b:s25+s3], $0x80, $0x38;
	[tilespmem:$0x1DF20] =	vst v63  }
0x4e: {  	p0 =	sne.s32 s24, $0x4F0;
	_ =	swait.ge [sflag:s16], $0x80  }
0x4f: {  	[sflag:s16] =	ssyncset.done $0x0  }
0x50: {  	[sflag:s16] =	ssyncadd.s32 $0xFFFFFF80  }
0x51: {  	[tilespmem:s15], [sflag:$0x1] =	stream.indirect.gather [hbm4b:s4+s17], $0xA0, s3, s17, $0xb8;
	[tilespmem:$0x1DF20] =	vst v63  }
0x52: {  	s24 =	sadd.s32 s23, s14;
	s23 =	smov.u32 s26  }
0x53: {  	[tilespmem:s18], [sflag:$0x2] =	stream.linear.gather [hbm4b:s24+s3], $0x80, $0x38;
	[tilespmem:$0x1DF20] =	vst v63  }
0x54: {  	_ =	swait.ge [sflag:s16], $0x80  }
0x55: {  	[sflag:s16] =	ssyncset.done $0x0  }
0x56: {  	[sflag:s16] =	ssyncadd.s32 $0xFFFFFF80  }
0x57: {  	_ =	swait.ge [sflag:s19], $0x4E20  }
.Ltmp1:
0x58: {  	[sflag:s19] =	ssyncset.done $0x0;
	(pc) =	sbr.rel @p0 .LBB2_4-.Ltmp1, $4  }
0x59: {  	[sflag:s19] =	ssyncadd.s32 $0xFFFFB1E0  }
0x5a: {  	[spmem:s2] =	stream.indirect.scatter.add.f32 [tilespmem:s15], [sflag:$0x2], $0xA0, s18, s17, $0xb8;
	[tilespmem:$0x1DF20] =	vst v63  }
0x5b: {  	_ =	swait.ge [sflag:s16], $0x4E20  }
0x5c: {  	s24 =	smov.u32 s28;
	[sflag:s16] =	ssyncset.done $0x0  }
0x5d: {  	s24 =	sadd.s32 s23, s13;
	[sflag:s16] =	ssyncadd.s32 $0xFFFFB1E0  }
0x5e: {  	[tilespmem:s3], [sflag:$0x2] =	stream.linear.gather [hbm4b:s24+s3], $0x80, $0x38;
	[tilespmem:$0x1DF20] =	vst v63  }
0x5f: {  	_ =	swait.ge [sflag:s16], $0x80  }
0x60: {  	[sflag:s16] =	ssyncset.done $0x0  }
0x61: {  	[sflag:s16] =	ssyncadd.s32 $0xFFFFFF80  }
0x62: {  	[tilespmem:s15], [sflag:$0x1] =	stream.indirect.gather [hbm4b:s4+s17], $0xA0, s3, s17, $0xb8;
	[tilespmem:$0x1DF20] =	vst v63  }
0x63: {  	s31 =	sadd.s32 s23, s14  }
0x64: {  	[tilespmem:s18], [sflag:$0x2] =	stream.linear.gather [hbm4b:s31+s3], $0x80, $0x38;
	[tilespmem:$0x1DF20] =	vst v63  }
0x65: {  	_ =	swait.ge [sflag:s16], $0x80  }
0x66: {  	[sflag:s16] =	ssyncset.done $0x0  }
0x67: {  	[sflag:s16] =	ssyncadd.s32 $0xFFFFFF80  }
0x68: {  	_ =	swait.ge [sflag:s19], $0x4E20  }
0x69: {  	[sflag:s19] =	ssyncset.done $0x0  }
0x6a: {  	[sflag:s19] =	ssyncadd.s32 $0xFFFFB1E0  }
0x6b: {  	[spmem:s2] =	stream.indirect.scatter.add.f32 [tilespmem:s15], [sflag:$0x2], $0xA0, s18, s17, $0xb8;
	[tilespmem:$0x1DF20] =	vst v63  }
0x6c: {  	_ =	swait.ge [sflag:s16], $0x4E20  }
0x6d: {  	s22 =	sadd.s32 $0x1, s22;
	[sflag:s16] =	ssyncset.done $0x0  }
0x6e: {  	p0 =	sne.s32 s22, s8;
	[sflag:s16] =	ssyncadd.s32 $0xFFFFB1E0  }
.Ltmp2:
0x6f: {  	[bflag:$0x0] =	sbarrier.arrive $0xFFFF;
	(pc) =	sbr.rel @p0 .LBB2_1-.Ltmp2, $4  }
0x70: {  	[hbm:s7], [sflag:s20] =	dma.local [spmem:s21], $0x3200  }
0x71: {  	_ =	swait.ge [sflag:s16], $0x3200  }
0x72: {  	[sflag:s16] =	ssyncset.done $0x0  }
0x73: {  	[sflag:s16] =	ssyncadd.s32 $0xFFFFCE00  }
0x74: {  	_ =	sfence.sel $0x180000  }
0x75: {  	[bflag:$0x0] =	sbarrier.arrive $0xFFFF  }
0x76: {  	p0 =	sne.s32 s0, $0x0;
	_ =	strace $0x9000004D  }
0x77: {  	s0 =	sadd.s32 @!p0 $0x100000, s1;
	[bflag:$0x2] =	sbarrier.arrive $0xFFFF  }
0x78: {  	[sflag:s0] =	ssyncadd.tile.s32 @!p0 $0x1;
	_ =	shalt  }
.Lfunc_end2:
_tile_overlayer_lowered:
.L_overlay_start_2:
0x79: {  	(tag) =	ssettag $0x2  }
0x7a: {  	s0 =	rddreg [dreg:$0x0];
	s2 =	stileid.u32  }
0x7b: {  	s1 =	rddreg [dreg:$0x1];
	p0 =	sne.s32 s2, $0x0  }
0x7c: {  	s3 =	rddreg [dreg:$0x2];
	[bflag:$0x3] =	sbarrier.arrive $0xFFFF;
	s2 =	simm.s32 @!p0 $0x1C02  }
0x7d: {  	[timem:s3], [sflag:s2] =	dma.local @!p0 [hbm:s0], s1  }
0x7e: {  	s0 =	simm.s32 @!p0 $0x2  }
0x7f: {  	_ =	swait.ge @!p0 [sflag:s0], s1  }
0x80: {  	s1 =	ssub.s32 @!p0 $0x0, s1;
	[sflag:s0] =	ssyncset.done @!p0 $0x0  }
0x81: {  	[sflag:s0] =	ssyncadd.s32 @!p0 s1  }
0x82: {  	[bflag:$0x3] =	sbarrier.arrive $0xFFFF  }
0x83: {  	_ =	shalt  }

// kernel: kernel.20.cloned.1.call-start
scs
__scs_entry_jumppad:
0x0: {  	(pc) =	sbr.rel $0x88, $3  }
0x1: {  	(tag) =	ssettag $0x0;
	lr =	simm.s32 $0x1  }
0x2: {  	[smem:$0x3F9A] =	sst lr;
	_ =	strace $0xD0000000  }
0x3: {  	_ = 	snop  }
0x4: {  	_ = 	snop  }
0x5: {  	_ = 	snop  }
0x6: {  	_ = 	snop  }
0x7: {  	_ = 	snop  }
__scs_overlays_trampoline_lowered:
0x8: {  	[smem:$0x3FA9] =	sst s0  }
0x9: {  	[smem:$0x3FAA] =	sst s1  }
0xa: {  	[smem:$0x3FAB] =	sst s2  }
0xb: {  	[smem:$0x3FAC] =	sst s3  }
0xc: {  	[smem:$0x3FAD] =	sst s4  }
0xd: {  	[smem:$0x3FAE] =	sst s5  }
0xe: {  	[smem:$0x3FAF] =	sst s6  }
0xf: {  	[smem:$0x3FB0] =	sst s7  }
0x10: {  	[smem:$0x3FB1] =	sst s8  }
0x11: {  	[smem:$0x3FB2] =	sst s9;
	s0 =	simm.s32 @!p0 $0x0  }
0x12: {  	s1 =	sld [smem:$0x3F98];
	s0 =	simm.s32 @p0 $0x1  }
0x13: {  	[smem:$0x3FB3] =	sst s0;
	s0 =	simm.s32 @!p1 $0x0  }
0x14: {  	s2 =	sld [smem:$0x3F97];
	s0 =	simm.s32 @p1 $0x1  }
0x15: {  	[smem:$0x3FB4] =	sst s0;
	s0 =	simm.s32 @!p2 $0x0  }
0x16: {  	s3 =	sld [smem:$0x3FDB];
	s0 =	simm.s32 @p2 $0x1  }
0x17: {  	s4 =	simm.s32 $0x1BF5;
	[smem:$0x3FB6] =	sst s0  }
0x18: {  	s0 =	sld [smem:$0x3F99];
	_ =	swait.ge [sflag:s4], $0x0  }
0x19: {  	s7 =	sld [smem:$0x3F9A]  }
0x1a: {  	s8 =	sadd.s32 $0xFFFFE003, lr  }
0x1b: {  	s9 =	sadd.s32 $0xFFFFFEF7, lr;
	s5 =	simm.s32 $0xFFFFFFFF;
	p2 =	slt.u32 s8, $0xFFFFF086  }
0x1c: {  	p1 =	slt.u32 s9, $0xF7A;
	s5 =	simm.s32 @!p2 $0x0  }
0x1d: {  	s5 =	simm.s32 @p1 $0x1;
	p0 =	seq.s32 s7, s2  }
0x1e: {  	s7 =	smul.u32 @!p0 $0xF7A, s2;
	p2 =	seq.s32 @!p0 s5, $0x0  }
0x1f: {  	s9 =	smul.u32 $0xF7A, s1;
	s8 =	simm.s32 @!p0 $0x1BF5;
	p2 =	por !p2, p0  }
0x20: {  	[sflag:s8] =	ssyncset.s32 @!p0 $0xFFFFF086;
	s6 =	sadd.s32 @!p0 s3, s7;
	s7 =	simm.s32 @!p0 $0x108  }
0x21: {  	s3 =	sadd.s32 s3, s9;
	s6 =	sadd.s32 @!p0 $0x88, s6;
	s7 =	simm.s32 @p2 $0x1082  }
0x22: {  	[simem:s7], [sflag:s8] =	dma.local @!p0 [hbm:s6], $0xF7A  }
0x23: {  	s9 =	sor.u32 $0xD0000000, s2;
	s6 =	simm.s32 $0x108;
	_ =	swait.ge @!p0 [sflag:s8], $0x0  }
0x24: {  	s3 =	sadd.s32 $0x88, s3;
	s6 =	simm.s32 @!p1 $0x1082;
	[sflag:s4] =	ssyncset.s32 $0xFFFFF086  }
0x25: {  	[simem:s6], [sflag:s4] =	dma.local [hbm:s3], $0xF7A  }
0x26: {  	[smem:$0x3F9A] =	sst s1;
	(tag) =	ssettag s2;
	_ =	strace s9  }
0x27: {  	s1 =	sld [smem:$0x3FAA]  }
0x28: {  	s2 =	sld [smem:$0x3FAB]  }
0x29: {  	s4 =	sld [smem:$0x3FAD]  }
0x2a: {  	p0 =	seq.s32 s5, $0x0;
	s5 =	sld [smem:$0x3FAE]  }
0x2b: {  	s6 =	sld [smem:$0x3FAF]  }
0x2c: {  	s7 =	sld [smem:$0x3FB0]  }
0x2d: {  	s3 =	simm.s32 $0x108;
	s8 =	sld [smem:$0x3FB1]  }
0x2e: {  	s3 =	simm.s32 @!p0 $0x1082;
	s9 =	sld [smem:$0x3FB2]  }
0x2f: {  	lr =	sadd.s32 s0, s3;
	s0 =	sld [smem:$0x3FA9]  }
0x30: {  	s3 =	sld [smem:$0x3FAC]  }
0x31: {  	[smem:$0x3FB5] =	sst s10  }
0x32: {  	s10 =	sld [smem:$0x3FB3];
	_ =	sdelay $0x3  }
0x33: {  	p0 =	seq.s32 s10, $0x1;
	s10 =	sld [smem:$0x3FB5];
	_ =	sdelay $0x3  }
0x34: {  	[smem:$0x3FB5] =	sst s10  }
0x35: {  	s10 =	sld [smem:$0x3FB4];
	_ =	sdelay $0x3  }
0x36: {  	p1 =	seq.s32 s10, $0x1;
	s10 =	sld [smem:$0x3FB5];
	_ =	sdelay $0x3  }
0x37: {  	[smem:$0x3FB5] =	sst s10  }
0x38: {  	s10 =	sld [smem:$0x3FB6]  }
0x39: {  	_ = 	snop;
	(pc) =	sbr.ind lr, $3  }
0x3a: {  	_ = 	snop  }
0x3b: {  	_ = 	snop  }
0x3c: {  	p2 =	seq.s32 s10, $0x1;
	s10 =	sld [smem:$0x3FB5]  }
0x3d: {  	_ =	shalt  }
0x3e: {  	_ =	shalt  }
0x3f: {  	_ =	shalt  }
0x40: {  	_ =	shalt  }
0x41: {  	_ =	shalt  }
0x42: {  	_ =	shalt  }
0x43: {  	_ =	shalt  }
0x44: {  	_ =	shalt  }
0x45: {  	_ =	shalt  }
0x46: {  	_ =	shalt  }
0x47: {  	_ =	shalt  }
0x48: {  	_ =	shalt  }
0x49: {  	_ =	shalt  }
0x4a: {  	_ =	shalt  }
0x4b: {  	_ =	shalt  }
0x4c: {  	_ =	shalt  }
0x4d: {  	_ =	shalt  }
0x4e: {  	_ =	shalt  }
0x4f: {  	_ =	shalt  }
0x50: {  	_ =	shalt  }
0x51: {  	_ =	shalt  }
0x52: {  	_ =	shalt  }
0x53: {  	_ =	shalt  }
0x54: {  	_ =	shalt  }
0x55: {  	_ =	shalt  }
0x56: {  	_ =	shalt  }
0x57: {  	_ =	shalt  }
0x58: {  	_ =	shalt  }
0x59: {  	_ =	shalt  }
0x5a: {  	_ =	shalt  }
0x5b: {  	_ =	shalt  }
0x5c: {  	_ =	shalt  }
0x5d: {  	_ =	shalt  }
0x5e: {  	_ =	shalt  }
0x5f: {  	_ =	shalt  }
0x60: {  	_ =	shalt  }
0x61: {  	_ =	shalt  }
0x62: {  	_ =	shalt  }
0x63: {  	_ =	shalt  }
0x64: {  	_ =	shalt  }
0x65: {  	_ =	shalt  }
0x66: {  	_ =	shalt  }
0x67: {  	_ =	shalt  }
0x68: {  	_ =	shalt  }
0x69: {  	_ =	shalt  }
0x6a: {  	_ =	shalt  }
0x6b: {  	_ =	shalt  }
0x6c: {  	_ =	shalt  }
0x6d: {  	_ =	shalt  }
0x6e: {  	_ =	shalt  }
0x6f: {  	_ =	shalt  }
0x70: {  	_ =	shalt  }
0x71: {  	_ =	shalt  }
0x72: {  	_ =	shalt  }
0x73: {  	_ =	shalt  }
0x74: {  	_ =	shalt  }
0x75: {  	_ =	shalt  }
0x76: {  	_ =	shalt  }
0x77: {  	_ =	shalt  }
0x78: {  	_ =	shalt  }
0x79: {  	_ =	shalt  }
0x7a: {  	_ =	shalt  }
0x7b: {  	_ =	shalt  }
0x7c: {  	_ =	shalt  }
0x7d: {  	_ =	shalt  }
0x7e: {  	_ =	shalt  }
0x7f: {  	_ =	shalt  }
0x80: {  	_ =	shalt  }
0x81: {  	_ =	shalt  }
0x82: {  	_ =	shalt  }
0x83: {  	_ =	shalt  }
0x84: {  	_ =	shalt  }
0x85: {  	_ =	shalt  }
0x86: {  	_ =	shalt  }
0x87: {  	_ =	shalt  }
.Lfunc_end0:
.L_simem_size_0:
called_computation.3_lowered:
.L_overlay_start_0:
0x88: {  	s2 =	sld [smem:$0x3FD9]  }
0x89: {  	s3 =	sld [smem:$0x3FFE];
	_ =	sdelay $0x1  }
0x8a: {  	s1 =	srdreg.scid  }
0x8b: {  	s0 =	sand.u32 $0x1, s1  }
0x8c: {  	s16 =	sshll.u32 s0, $0xA;
	s2 =	sadd.s32 s3, s2  }
0x8d: {  	s2 =	sadd.s32 s2, s16  }
0x8e: {  	[smem:$0x3FC1] =	sst s2  }
0x8f: {  	_ = 	snop  }
0x90: {  	(tm) =	ssettm $0x1  }
0x91: {  	s17 =	sld [smem:$0x3FFB];
	_ =	sdelay $0x3  }
0x92: {  	_ =	strace s17  }
0x93: {  	s2 =	sld [smem:$0x3FFC];
	_ =	sdelay $0x3  }
0x94: {  	_ =	strace s2  }
0x95: {  	s2 =	sld [smem:$0x3FFD];
	_ =	sdelay $0x3  }
0x96: {  	_ =	strace s2  }
0x97: {  	_ =	strace $0x8FFFFFFF  }
0x98: {  	s18 =	sld [smem:$0x3FDB];
	_ =	sdelay $0x1  }
0x99: {  	s19 =	simm.s32 $_scs_section_size  }
0x9a: {  	s4 =	simm.s32 $_size__tile_overlayer_lowered;
	s5 =	simm.s32 $_tile_overlayer_lowered  }
0x9b: {  	s22 =	simm.s32 $0x1BFF;
	s21 =	sshll.u32 s5, $0x1;
	s2 =	sadd.s32 s19, s18  }
0x9c: {  	s6 =	simm.s32 $0x0;
	s20 =	sshll.u32 s4, $0x1;
	s4 =	sadd.s32 s21, s2  }
0x9d: {  	[timem:s6], [sflag:s22] =	dma.local [hbm:s4], s20  }
0x9e: {  	_ =	swait.ge [sflag:s22], s20  }
0x9f: {  	s3 =	ssub.s32 $0x0, s20;
	[sflag:s22] =	ssyncset.done $0x0  }
0xa0: {  	[sflag:s22] =	ssyncadd.s32 s3;
	_ =	sdelay $0x1  }
0xa1: {  	s23 =	simm.s32 $0x1B8B  }
0xa2: {  	_ =	swait.ge [sflag:s23], $0x1  }
0xa3: {  	[sflag:s23] =	ssyncset.done $0x0  }
0xa4: {  	s25 =	simm.s32 $0x1B8E;
	s24 =	sld [smem:$0x3FFE];
	[sflag:s23] =	ssyncadd.s32 $0xFFFFFFFF  }
0xa5: {  	s26 =	simm.s32 $execute0_lowered;
	[smem:$0x3FD2] =	sst s25  }
0xa6: {  	s4 =	sshll.u32 s26, $0x1;
	_ =	strace $0x8000004F;
	[dreg:$0x1] =	wrdreg $0xFFFFFFFF  }
0xa7: {  	s28 =	simm.s32 $_size_execute0_lowered;
	s2 =	sadd.s32 s2, s4;
	[dreg:$0x0] =	wrdreg $0x0  }
0xa8: {  	s4 =	sshll.u32 s28, $0x1;
	[dreg:$0x2] =	wrdreg s2  }
0xa9: {  	[dreg:$0x3] =	wrdreg s4  }
0xaa: {  	[dreg:$0x4] =	wrdreg $0xC0  }
0xab: {  	_ =	task [dreg:s6], $0x5FFFF  }
0xac: {  	[dreg:$0x1] =	wrdreg $0xFFFFFFFF  }
0xad: {  	[dreg:$0x0] =	wrdreg $0x60  }
0xae: {  	[dreg:$0x2] =	wrdreg s24  }
0xaf: {  	[dreg:$0x3] =	wrdreg $0x4F200  }
0xb0: {  	[dreg:$0x4] =	wrdreg $0x9  }
0xb1: {  	_ =	task.clear_ibuf [dreg:s6], $0x5FFFF;
	_ =	strace $0x9000004F  }
0xb2: {  	s29 =	simm.s32 $0x9;
	_ =	strace $0x80000051  }
0xb3: {  	_ =	swait.ge [sflag:s29], $0x1  }
0xb4: {  	[sflag:s29] =	ssyncadd.s32 $0xFFFFFFFF  }
0xb5: {  	_ =	strace $0x90000051  }
0xb6: {  	_ =	sfence  }
0xb7: {  	s30 =	sld [smem:$0x0];
	_ =	sdelay $0x2  }
0xb8: {  	s31 =	sshll.u32 s1, $0xD;
	s1 =	sshrl.u32 s1, $0x2  }
0xb9: {  	s3 =	sand.u32 $0x4000, s31;
	s1 =	sadd.s32 s1, s30  }
0xba: {  	s0 =	sor.u32 s3, s0;
	s1 =	sshll.u32 s1, $0x11  }
0xbb: {  	s0 =	sor.u32 s1, s0  }
0xbc: {  	s0 =	sadd.s32 $0x8F2B, s0  }
0xbd: {  	[sflag:s0] =	ssyncadd.remote.s32 $0x1  }
0xbe: {  	_ =	sfence.sel $0xFFFF  }
0xbf: {  	[dreg:$0x0] =	wrdreg $0xFFFFFFFF;
	(pc) =	sbr.abs _section_cstart, $3  }
0xc0: {  	[dreg:$0x1] =	wrdreg $0xFFFFFFFF  }
0xc1: {  	_ =	task.clear_ibuf [dreg:s6], $0x2FFFF;
	_ =	strace $0x9FFFFFFF  }
0xc2: {  	(tm) =	ssettm $0x7FFFFFFF  }
0xc3: {  	_ =	shalt  }
tec
execute0_lowered:
.L_overlay_start_1:
0x0: {  	(tag) =	ssettag $0x1  }
0x1: {  	s6 =	rddreg [dreg:$0x0]  }
0x2: {  	s0 =	srdreg.scid;
	s2 =	rddreg [dreg:$0x1]  }
0x3: {  	s1 =	rddreg [dreg:$0x2];
	s5 =	sand.u32 $0x1, s0  }
0x4: {  	s3 =	simm.s32 $0x0;
	s0 =	stileid.u32;
	s4 =	smul.u32 $0x28000, s5  }
0x5: {  	s15 =	simm.s32 $0x100;
	s16 =	simm.s32 $0x2;
	s7 =	smul.u32 $0x2800, s0  }
0x6: {  	s17 =	simm.s32 $0x7D;
	s18 =	simm.s32 $0x80;
	s8 =	smul.u32 $0x500, s0  }
0x7: {  	s19 =	simm.s32 $0x1;
	[smem:$0x7FF] =	sst s3;
	s9 =	smul.u32 $0x190000, s5  }
0x8: {  	s22 =	simm.s32 $0x0;
	s10 =	smul.u32 $0x19000, s0;
	_ =	strace $0x80000050  }
0x9: {  	s11 =	smul.u32 $0x64000, s0;
	s29 =	ssub.s32 $0x2, s5;
	s20 =	sshll.u32 s0, $0x6  }
0xa: {  	s31 =	sshrl.u32 s29, $0x1;
	s20 =	sor.u32 $0x1C02, s20;
	s4 =	sadd.s32 s4, s7  }
0xb: {  	s14 =	sadd.s32 s8, s6;
	s28 =	sadd.s32 s10, s9;
	s30 =	sshrl.u32 s11, $0x2  }
0xc: {  	s8 =	ssub.s32 s29, s31;
	s21 =	sadd.s32 s10, s2;
	s7 =	sshrl.u32 s4, $0x3  }
0xd: {  	s4 =	sadd.s32 $0x1AF400, s6;
	s5 =	sadd.s32 s30, s2;
	s8 =	smax.u32 s8, $0x1  }
0xe: {  	s14 =	sadd.s32 $0x47DC00, s14;
	s21 =	sshrl.u32 s21, $0x3;
	s13 =	sadd.s32 s7, s6  }
0xf: {  	s7 =	sshrl.u32 s28, $0x3;
	s9 =	sadd.s32 $0x4E20, s5;
	s10 =	sadd.s32 $0x9C40, s5  }
0x10: {  	s11 =	sadd.s32 $0xEA60, s5;
	s12 =	sadd.s32 $0x13880, s5;
	s7 =	sadd.s32 s7, s6  }
0x11: {  	v0 =	vimm.f32 $0.0e+00;
	s6 =	sadd.s32 $0x186A0, s5;
	s13 =	sadd.s32 $0x1400, s13;
	s7 =	sadd.s32 $0x213400, s7  }
.LBB2_1:
0x12: {  	s23 =	smul.u32 $0xCCCD, s3;
	_ =	sdelay $0x1  }
0x13: {  	s24 =	sshrl.u32 s23, $0x13  }
0x14: {  	s25 =	simm.s32 $0x0;
	s23 =	simm.s32 $0x1;
	s26 =	smul.u32 $0xA, s24  }
.LBB2_2:
0x15: {  	s28 =	smul.u32 $0xCCCD, s23  }
0x16: {  	s29 =	smov.u32 s23;
	s24 =	smul.u32 $0x280, s24;
	p0 =	sne.s32 s23, $0x4E1  }
.Ltmp0:
0x17: {  	s25 =	ssub.s32 s25, s26;
	(pc) =	sbr.rel @p0 .LBB2_2-.Ltmp0, $4  }
0x18: {  	s23 =	sadd.s32 $0x1, s23;
	s25 =	sand.u32 $0xFFFF, s25  }
0x19: {  	s26 =	sshrl.u32 s24, $0x2;
	s30 =	sshll.u32 s25, $0x4;
	s25 =	smov.u32 s29  }
0x1a: {  	s24 =	sshrl.u32 s28, $0x13;
	s28 =	sadd.s32 s30, s26  }
0x1b: {  	s26 =	smul.u32 $0xA, s24;
	[tilespmem:s28+$0x100] =	vst v0  }
0x1c: {  	_ = 	snop  }
0x1d: {  	s24 =	smul.u32 $0x280, s24;
	s23 =	ssub.s32 s25, s26  }
0x1e: {  	s23 =	sand.u32 $0xFFFF, s23  }
0x1f: {  	s24 =	sshrl.u32 s24, $0x2;
	s23 =	sshll.u32 s23, $0x4  }
0x20: {  	s23 =	sadd.s32 s23, s24  }
0x21: {  	[tilespmem:s23+$0x100] =	vst v0  }
0x22: {  	[spmem:s5] =	stream.linear.scatter [tilespmem:s15], [sflag:$0x2], $0x4E20, $0x38;
	[tilespmem:$0x1DF20] =	vst v63  }
0x23: {  	_ =	swait.ge [sflag:s16], $0x4E20  }
0x24: {  	[sflag:s16] =	ssyncset.done $0x0  }
0x25: {  	[sflag:s16] =	ssyncadd.s32 $0xFFFFB1E0  }
0x26: {  	[spmem:s9] =	stream.linear.scatter [tilespmem:s15], [sflag:$0x2], $0x4E20, $0x38;
	[tilespmem:$0x1DF20] =	vst v63  }
0x27: {  	_ =	swait.ge [sflag:s16], $0x4E20  }
0x28: {  	[sflag:s16] =	ssyncset.done $0x0  }
0x29: {  	[sflag:s16] =	ssyncadd.s32 $0xFFFFB1E0  }
0x2a: {  	[spmem:s10] =	stream.linear.scatter [tilespmem:s15], [sflag:$0x2], $0x4E20, $0x38;
	[tilespmem:$0x1DF20] =	vst v63  }
0x2b: {  	_ =	swait.ge [sflag:s16], $0x4E20  }
0x2c: {  	[sflag:s16] =	ssyncset.done $0x0  }
0x2d: {  	[sflag:s16] =	ssyncadd.s32 $0xFFFFB1E0  }
0x2e: {  	[spmem:s11] =	stream.linear.scatter [tilespmem:s15], [sflag:$0x2], $0x4E20, $0x38;
	[tilespmem:$0x1DF20] =	vst v63  }
0x2f: {  	_ =	swait.ge [sflag:s16], $0x4E20  }
0x30: {  	[sflag:s16] =	ssyncset.done $0x0  }
0x31: {  	[sflag:s16] =	ssyncadd.s32 $0xFFFFB1E0  }
0x32: {  	[spmem:s12] =	stream.linear.scatter [tilespmem:s15], [sflag:$0x2], $0x4E20, $0x38;
	[tilespmem:$0x1DF20] =	vst v63  }
0x33: {  	_ =	swait.ge [sflag:s16], $0x4E20  }
0x34: {  	[sflag:s16] =	ssyncset.done $0x0  }
0x35: {  	[sflag:s16] =	ssyncadd.s32 $0xFFFFB1E0  }
0x36: {  	[spmem:s6] =	stream.linear.scatter [tilespmem:s15], [sflag:$0x2], $0x960, $0x38;
	[tilespmem:$0x1DF20] =	vst v63  }
0x37: {  	_ =	swait.ge [sflag:s16], $0x960  }
0x38: {  	[sflag:s16] =	ssyncset.done $0x0  }
0x39: {  	[sflag:s16] =	ssyncadd.s32 $0xFFFFF6A0  }
0x3a: {  	s30 =	sadd.s32 $0x0, s13;
	[bflag:$0x0] =	sbarrier.arrive $0xFFFF  }
0x3b: {  	[tilespmem:s3], [sflag:$0x2] =	stream.linear.gather [hbm4b:s30+s3], $0x80, $0x38;
	[tilespmem:$0x1DF20] =	vst v63  }
0x3c: {  	_ =	swait.ge [sflag:s16], $0x80  }
0x3d: {  	[sflag:s16] =	ssyncset.done $0x0  }
0x3e: {  	[sflag:s16] =	ssyncadd.s32 $0xFFFFFF80  }
0x3f: {  	[tilespmem:s15], [sflag:$0x1] =	stream.indirect.gather [hbm4b:s4+s17], $0xA0, s3, s17, $0xb8;
	[tilespmem:$0x1DF20] =	vst v63  }
0x40: {  	s31 =	sadd.s32 $0x0, s14  }
0x41: {  	[tilespmem:s18], [sflag:$0x2] =	stream.linear.gather [hbm4b:s31+s3], $0x80, $0x38;
	[tilespmem:$0x1DF20] =	vst v63  }
0x42: {  	_ =	swait.ge [sflag:s16], $0x80  }
0x43: {  	[sflag:s16] =	ssyncset.done $0x0  }
0x44: {  	[sflag:s16] =	ssyncadd.s32 $0xFFFFFF80  }
0x45: {  	_ =	swait.ge [sflag:s19], $0x4E20  }
0x46: {  	[sflag:s19] =	ssyncset.done $0x0  }
0x47: {  	[sflag:s19] =	ssyncadd.s32 $0xFFFFB1E0  }
0x48: {  	[spmem:s2] =	stream.indirect.scatter.add.f32 [tilespmem:s15], [sflag:$0x2], $0xA0, s18, s17, $0xb8;
	[tilespmem:$0x1DF20] =	vst v63  }
0x49: {  	_ =	swait.ge [sflag:s16], $0x4E20  }
0x4a: {  	s24 =	simm.s32 $0x20;
	s23 =	simm.s32 $0x10;
	[sflag:s16] =	ssyncset.done $0x0  }
.LBB2_4:
0x4b: {  	s25 =	sadd.s32 s23, s13  }
0x4c: {  	[sflag:s16] =	ssyncadd.s32 $0xFFFFB1E0;
	s26 =	smov.u32 s24;
	s28 =	sadd.s32 $0x10, s24  }
0x4d: {  	[tilespmem:s3], [sflag:$0x2] =	stream.linear.gather [hbm4b:s25+s3], $0x80, $0x38;
	[tilespmem:$0x1DF20] =	vst v63  }
0x4e: {  	p0 =	sne.s32 s24, $0x4F0;
	_ =	swait.ge [sflag:s16], $0x80  }
0x4f: {  	[sflag:s16] =	ssyncset.done $0x0  }
0x50: {  	[sflag:s16] =	ssyncadd.s32 $0xFFFFFF80  }
0x51: {  	[tilespmem:s15], [sflag:$0x1] =	stream.indirect.gather [hbm4b:s4+s17], $0xA0, s3, s17, $0xb8;
	[tilespmem:$0x1DF20] =	vst v63  }
0x52: {  	s24 =	sadd.s32 s23, s14;
	s23 =	smov.u32 s26  }
0x53: {  	[tilespmem:s18], [sflag:$0x2] =	stream.linear.gather [hbm4b:s24+s3], $0x80, $0x38;
	[tilespmem:$0x1DF20] =	vst v63  }
0x54: {  	_ =	swait.ge [sflag:s16], $0x80  }
0x55: {  	[sflag:s16] =	ssyncset.done $0x0  }
0x56: {  	[sflag:s16] =	ssyncadd.s32 $0xFFFFFF80  }
0x57: {  	_ =	swait.ge [sflag:s19], $0x4E20  }
.Ltmp1:
0x58: {  	[sflag:s19] =	ssyncset.done $0x0;
	(pc) =	sbr.rel @p0 .LBB2_4-.Ltmp1, $4  }
0x59: {  	[sflag:s19] =	ssyncadd.s32 $0xFFFFB1E0  }
0x5a: {  	[spmem:s2] =	stream.indirect.scatter.add.f32 [tilespmem:s15], [sflag:$0x2], $0xA0, s18, s17, $0xb8;
	[tilespmem:$0x1DF20] =	vst v63  }
0x5b: {  	_ =	swait.ge [sflag:s16], $0x4E20  }
0x5c: {  	s24 =	smov.u32 s28;
	[sflag:s16] =	ssyncset.done $0x0  }
0x5d: {  	s24 =	sadd.s32 s23, s13;
	[sflag:s16] =	ssyncadd.s32 $0xFFFFB1E0  }
0x5e: {  	[tilespmem:s3], [sflag:$0x2] =	stream.linear.gather [hbm4b:s24+s3], $0x80, $0x38;
	[tilespmem:$0x1DF20] =	vst v63  }
0x5f: {  	_ =	swait.ge [sflag:s16], $0x80  }
0x60: {  	[sflag:s16] =	ssyncset.done $0x0  }
0x61: {  	[sflag:s16] =	ssyncadd.s32 $0xFFFFFF80  }
0x62: {  	[tilespmem:s15], [sflag:$0x1] =	stream.indirect.gather [hbm4b:s4+s17], $0xA0, s3, s17, $0xb8;
	[tilespmem:$0x1DF20] =	vst v63  }
0x63: {  	s31 =	sadd.s32 s23, s14  }
0x64: {  	[tilespmem:s18], [sflag:$0x2] =	stream.linear.gather [hbm4b:s31+s3], $0x80, $0x38;
	[tilespmem:$0x1DF20] =	vst v63  }
0x65: {  	_ =	swait.ge [sflag:s16], $0x80  }
0x66: {  	[sflag:s16] =	ssyncset.done $0x0  }
0x67: {  	[sflag:s16] =	ssyncadd.s32 $0xFFFFFF80  }
0x68: {  	_ =	swait.ge [sflag:s19], $0x4E20  }
0x69: {  	[sflag:s19] =	ssyncset.done $0x0  }
0x6a: {  	[sflag:s19] =	ssyncadd.s32 $0xFFFFB1E0  }
0x6b: {  	[spmem:s2] =	stream.indirect.scatter.add.f32 [tilespmem:s15], [sflag:$0x2], $0xA0, s18, s17, $0xb8;
	[tilespmem:$0x1DF20] =	vst v63  }
0x6c: {  	_ =	swait.ge [sflag:s16], $0x4E20  }
0x6d: {  	s22 =	sadd.s32 $0x1, s22;
	[sflag:s16] =	ssyncset.done $0x0  }
0x6e: {  	p0 =	sne.s32 s22, s8;
	[sflag:s16] =	ssyncadd.s32 $0xFFFFB1E0  }
.Ltmp2:
0x6f: {  	[bflag:$0x0] =	sbarrier.arrive $0xFFFF;
	(pc) =	sbr.rel @p0 .LBB2_1-.Ltmp2, $4  }
0x70: {  	[hbm:s7], [sflag:s20] =	dma.local [spmem:s21], $0x3200  }
0x71: {  	_ =	swait.ge [sflag:s16], $0x3200  }
0x72: {  	[sflag:s16] =	ssyncset.done $0x0  }
0x73: {  	[sflag:s16] =	ssyncadd.s32 $0xFFFFCE00  }
0x74: {  	_ =	sfence.sel $0x180000  }
0x75: {  	[bflag:$0x0] =	sbarrier.arrive $0xFFFF  }
0x76: {  	p0 =	sne.s32 s0, $0x0;
	_ =	strace $0x90000050  }
0x77: {  	s0 =	sadd.s32 @!p0 $0x100000, s1;
	[bflag:$0x2] =	sbarrier.arrive $0xFFFF  }
0x78: {  	[sflag:s0] =	ssyncadd.tile.s32 @!p0 $0x1;
	_ =	shalt  }
.Lfunc_end2:
_tile_overlayer_lowered:
.L_overlay_start_2:
0x79: {  	(tag) =	ssettag $0x2  }
0x7a: {  	s0 =	rddreg [dreg:$0x0];
	s2 =	stileid.u32  }
0x7b: {  	s1 =	rddreg [dreg:$0x1];
	p0 =	sne.s32 s2, $0x0  }
0x7c: {  	s3 =	rddreg [dreg:$0x2];
	[bflag:$0x3] =	sbarrier.arrive $0xFFFF;
	s2 =	simm.s32 @!p0 $0x1C02  }
0x7d: {  	[timem:s3], [sflag:s2] =	dma.local @!p0 [hbm:s0], s1  }
0x7e: {  	s0 =	simm.s32 @!p0 $0x2  }
0x7f: {  	_ =	swait.ge @!p0 [sflag:s0], s1  }
0x80: {  	s1 =	ssub.s32 @!p0 $0x0, s1;
	[sflag:s0] =	ssyncset.done @!p0 $0x0  }
0x81: {  	[sflag:s0] =	ssyncadd.s32 @!p0 s1  }
0x82: {  	[bflag:$0x3] =	sbarrier.arrive $0xFFFF  }
0x83: {  	_ =	shalt  }

</sc_bundles>
